<compile_context>
chip_gen: v7x
topology: tpu7x:2x2x1
jax: 0.10.2.dev20260603
libtpu: 0.0.44.dev20260713+nightly
codegen_flags: <defaults>
</compile_context>

<pallas_src>
import functools

import jax
import jax.numpy as jnp
from jax import lax
from jax.experimental import pallas as pl
from jax.experimental.pallas import tpu as pltpu
from jax.experimental.pallas import tpu_sc as plsc

N = 10000
E = 160000
BC = 8
H = 60
EC = 4
HP = 64
DP = BC * HP
NVR = DP // 16
D = BC * H

NC = 2
NS = 16
NW = NC * NS

BK = 40
EW = E // NW
NBW = EW // BK
ES = E // NS
BKS = 80
NBS2 = ES // BKS
NCHUNK = 8
NP = 10240

_RN = float(1.0 / D)
_EPS = 1e-5


def _uv_body(x_ref, wu_ref, wv_ref, u_ref, v_ref):
    xb = x_ref[...]
    u_ref[...] = jnp.dot(xb, wu_ref[...], preferred_element_type=jnp.float32)
    v_ref[...] = jnp.dot(xb, wv_ref[...], preferred_element_type=jnp.float32)


def _ce_body(ea_ref, m_ref, o_ref):
    o_ref[...] = jnp.dot(ea_ref[...], m_ref[...],
                         preferred_element_type=jnp.float32)


def _lane_splat(vec, ch):
    idx = jnp.full((16, 1), ch, dtype=jnp.int32)
    dn = lax.GatherDimensionNumbers(
        offset_dims=(), collapsed_slice_dims=(0,), start_index_map=(0,))
    return lax.gather(vec, idx, dn, slice_sizes=(1,),
                      mode=lax.GatherScatterMode.PROMISE_IN_BOUNDS)


def _newton_rsqrt(v):
    i = plsc.bitcast(v, jnp.int32)
    i = jnp.int32(0x5F3759DF) - (i >> 1)
    r = plsc.bitcast(i, jnp.float32)
    half = jnp.float32(0.5)
    three_half = jnp.float32(1.5)
    for _ in range(3):
        r = r * (three_half - half * v * r * r)
    return r


def _gather_ln_kernel(u_hbm, v_hbm, c_hbm, src_hbm, dst_hbm, g_hbm, b_hbm,
                      msg_hbm, dst_v, src_v, c_v, u_v, v_v, y_v, g_v, b_v,
                      sem):
    wid = lax.axis_index("s") * NC + lax.axis_index("c")
    base = wid * EW
    pltpu.sync_copy(g_hbm, g_v)
    pltpu.sync_copy(b_hbm, b_v)

    lane = lax.iota(jnp.int32, 16)
    pad_mask = lane < jnp.int32(H - 48)

    def block_body(nb, carry):
        e0 = base + nb * BK
        pltpu.sync_copy(dst_hbm.at[pl.ds(e0, BK)], dst_v)
        pltpu.sync_copy(src_hbm.at[pl.ds(e0, BK)], src_v)
        pltpu.sync_copy(c_hbm.at[pl.ds(16 * e0, 16 * BK)], c_v)
        cp_u = pltpu.async_copy(u_hbm.at[dst_v], u_v, sem)
        cp_v = pltpu.async_copy(v_hbm.at[src_v], v_v, sem)
        cp_u.wait()
        cp_v.wait()

        def edge_body(e, carry2):
            c16 = c_v[pl.ds(16 * e, 16)]
            csp = [_lane_splat(c16, ch) for ch in range(BC)]
            zsum = jnp.zeros((16,), jnp.float32)
            zsq = jnp.zeros((16,), jnp.float32)
            trs = []
            for r in range(NVR):
                t = u_v[e, pl.ds(16 * r, 16)] + v_v[e, pl.ds(16 * r, 16)]
                t = t + csp[r // 4]
                if r % 4 == 3:
                    t = jnp.where(pad_mask, t, jnp.float32(0.0))
                trs.append(t)
                zsum = zsum + t
                zsq = zsq + t * t
            mean_v = _lane_splat(plsc.cumsum(zsum), 15) * jnp.float32(_RN)
            ssm_v = _lane_splat(plsc.cumsum(zsq), 15) * jnp.float32(_RN)
            var_v = ssm_v - mean_v * mean_v
            rstd_v = _newton_rsqrt(var_v + jnp.float32(_EPS))
            for r in range(NVR):
                y = (trs[r] - mean_v) * rstd_v * g_v[pl.ds(16 * r, 16)]
                y = y + b_v[pl.ds(16 * r, 16)]
                y_v[r // 4, e, pl.ds(16 * (r % 4), 16)] = \
                    jnp.maximum(y, jnp.float32(0.0))
            return carry2

        lax.fori_loop(0, BK, edge_body, 0)
        for ch in range(NCHUNK):
            pltpu.sync_copy(y_v.at[ch], msg_hbm.at[ch, pl.ds(e0, BK)])
        return carry

    lax.fori_loop(0, NBW, block_body, 0)


def _scatter_kernel(msg_hbm, dsti_hbm, out_hbm, idx_v, m_v, zf_v, acc_s):
    core = lax.axis_index("c")
    s = lax.axis_index("s")
    zv = jnp.zeros((16,), jnp.float32)

    for k in range(NCHUNK // NC):
        chunk = core * (NCHUNK // NC) + k

        def zb(i, c):
            for r in range(4):
                zf_v[i, pl.ds(16 * r, 16)] = zv
            return c

        lax.fori_loop(0, 160, zb, 0)
        for j in range(4):
            pltpu.sync_copy(zf_v, acc_s.at[pl.ds(s * 640 + j * 160, 160)])
        plsc.subcore_barrier()

        def block_body(nb, carry):
            e0 = chunk * E + s * ES + nb * BKS
            pltpu.sync_copy(dsti_hbm.at[pl.ds(s * ES + nb * BKS, BKS)],
                            idx_v)
            pltpu.sync_copy(msg_hbm.at[pl.ds(e0, BKS)], m_v)
            pltpu.sync_copy(m_v, acc_s.at[idx_v], add=True)
            return carry

        lax.fori_loop(0, NBS2, block_body, 0)
        plsc.subcore_barrier()
        for j in range(4):
            rows = pl.ds(s * 640 + j * 160, 160)
            pltpu.sync_copy(acc_s.at[rows], zf_v)
            pltpu.sync_copy(
                zf_v, out_hbm.at[pl.ds(chunk * NP + s * 640 + j * 160, 160)])
        plsc.subcore_barrier()


def kernel(x, edge_attr, edge_index, W_edge, b_edge, W_conv, ln_gamma, ln_beta):
    f32 = jnp.float32
    x = x.astype(f32)

    A = W_conv[:, :BC]
    B_ = W_conv[:, BC:2 * BC]
    C_ = W_conv[:, 2 * BC:]
    eye = jnp.eye(H, HP, dtype=f32)
    W_U = jnp.einsum("oi,hg->ihog", A, eye).reshape(D, DP)
    W_V = jnp.einsum("oi,hg->ihog", B_, eye).reshape(D, DP)
    Mc = C_ @ W_edge
    bc = C_ @ b_edge
    Mfull = jnp.zeros((8, 16), f32)
    Mfull = Mfull.at[:EC, :BC].set(Mc.T)
    Mfull = Mfull.at[EC, :BC].set(bc)
    ea1 = jnp.concatenate(
        [edge_attr.astype(f32),
         jnp.ones((E, 1), f32),
         jnp.zeros((E, 3), f32)], axis=1)
    gp = jnp.pad(ln_gamma, ((0, 0), (0, HP - H))).reshape(DP)
    bp = jnp.pad(ln_beta, ((0, 0), (0, HP - H))).reshape(DP)

    RB = 400
    U, V = pl.pallas_call(
        _uv_body,
        grid=(N // RB,),
        in_specs=[
            pl.BlockSpec((RB, D), lambda i: (i, 0)),
            pl.BlockSpec((D, DP), lambda i: (0, 0)),
            pl.BlockSpec((D, DP), lambda i: (0, 0)),
        ],
        out_specs=[
            pl.BlockSpec((RB, DP), lambda i: (i, 0)),
            pl.BlockSpec((RB, DP), lambda i: (i, 0)),
        ],
        out_shape=[
            jax.ShapeDtypeStruct((N, DP), f32),
            jax.ShapeDtypeStruct((N, DP), f32),
        ],
    )(x, W_U, W_V)

    EB = 8000
    Ce = pl.pallas_call(
        _ce_body,
        grid=(E // EB,),
        in_specs=[
            pl.BlockSpec((EB, 8), lambda i: (i, 0)),
            pl.BlockSpec((8, 16), lambda i: (0, 0)),
        ],
        out_specs=pl.BlockSpec((EB, 16), lambda i: (i, 0)),
        out_shape=jax.ShapeDtypeStruct((E, 16), f32),
    )(ea1, Mfull)

    src = edge_index[0].astype(jnp.int32)
    dst = edge_index[1].astype(jnp.int32)

    mesh = plsc.VectorSubcoreMesh(core_axis_name="c", subcore_axis_name="s")

    msg = pl.kernel(
        _gather_ln_kernel,
        out_type=jax.ShapeDtypeStruct((NCHUNK, E, HP), f32),
        mesh=mesh,
        scratch_types=[
            pltpu.VMEM((BK,), jnp.int32),
            pltpu.VMEM((BK,), jnp.int32),
            pltpu.VMEM((BK * 16,), f32),
            pltpu.VMEM((BK, DP), f32),
            pltpu.VMEM((BK, DP), f32),
            pltpu.VMEM((NCHUNK, BK, HP), f32),
            pltpu.VMEM((DP,), f32),
            pltpu.VMEM((DP,), f32),
            pltpu.SemaphoreType.DMA,
        ],
        compiler_params=pltpu.CompilerParams(needs_layout_passes=False),
    )(U, V, Ce.reshape(E * 16), src, dst, gp, bp)

    msgE = msg.transpose(1, 0, 2).reshape(E, DP)
    outp = jax.ops.segment_sum(msgE, dst, num_segments=N)
    out = outp.reshape(N, BC, HP)[:, :, :H]
    return out.reshape(N, D)

# --- scband reference (transcript-rebuilt; emitter-appended) ---
"""Pipeline reference for scband-gnn-85426899517626 (READ-ONLY COPY).

The authoritative reference and input builder live on the scoring server;
editing this copy changes nothing except your own understanding.
"""

import jax, jax.numpy as jnp
import numpy as np

N = 10000
E = 160000
BC = 8
H = 60
EC = 4


def setup_inputs(seed: int = 0) -> dict:
    key = jax.random.key(seed)
    k1, k2, k3, k4, k5, k6 = jax.random.split(key, 6)
    x = jax.random.normal(k1, (N, BC * H), dtype=jnp.float32)
    edge_attr = jax.random.normal(k2, (E, EC), dtype=jnp.float32)
    edge_index = jax.random.randint(k3, (2, E), 0, N)
    W_edge = jax.random.normal(k4, (BC, EC), dtype=jnp.float32) * 0.1
    b_edge = jnp.zeros((BC,), dtype=jnp.float32)
    W_conv = jax.random.normal(k5, (BC, 3 * BC), dtype=jnp.float32) * 0.1
    ln_gamma = jnp.ones((BC, H), dtype=jnp.float32)
    ln_beta = jnp.zeros((BC, H), dtype=jnp.float32)
    return {"x": x, "edge_attr": edge_attr, "edge_index": edge_index,
            "W_edge": W_edge, "b_edge": b_edge, "W_conv": W_conv,
            "ln_gamma": ln_gamma, "ln_beta": ln_beta}


def reference(x, edge_attr, edge_index, W_edge, b_edge, W_conv, ln_gamma, ln_beta):
    # PyG convention: edge_index[0] = src (j), edge_index[1] = dst (i)
    src = edge_index[0]
    dst = edge_index[1]
    x_j = jnp.take(x, src, axis=0).reshape(E, BC, H)  # gather (SparseCore)
    x_i = jnp.take(x, dst, axis=0).reshape(E, BC, H)
    # edge_linear: (E, EC) -> (E, BC), broadcast over height
    ea = edge_attr @ W_edge.T + b_edge
    ea = jnp.broadcast_to(ea[:, :, None], (E, BC, H))
    # concat -> (E, 3*BC, H); conv1d kernel_size=1 == channel matmul
    h = jnp.concatenate([x_i, x_j, ea], axis=1)
    h = jnp.einsum("oi,eih->eoh", W_conv, h)
    # LayerNorm over (BC, H) per edge
    mean = jnp.mean(h, axis=(1, 2), keepdims=True)
    var = jnp.var(h, axis=(1, 2), keepdims=True)
    h = (h - mean) / jnp.sqrt(var + 1e-5) * ln_gamma[None] + ln_beta[None]
    h = jax.nn.relu(h)
    msg = h.reshape(E, BC * H)
    # aggr='add': scatter-add into destination nodes (SparseCore)
    out = jax.ops.segment_sum(msg, dst, num_segments=N)
    return out

if __name__ == "__main__":
    import jax
    _d = setup_inputs()
    print(jax.jit(kernel)(*tuple(_d.values())))

</pallas_src>

<mosaic_0001>
#map = affine_map<(d0, d1) -> (0, 0)>
#map1 = affine_map<(d0, d1) -> (0)>
#map2 = affine_map<(d0, d1) -> (0, 0, 0)>
module attributes {stable_mosaic.version = 14 : i64} {
  func.func @_gather_ln_kernel(%arg0: i32, %arg1: i32, %arg2: memref<10000x512xf32, #tpu.memory_space<hbm>>, %arg3: memref<10000x512xf32, #tpu.memory_space<hbm>>, %arg4: memref<2560000xf32, #tpu.memory_space<hbm>>, %arg5: memref<160000xi32, #tpu.memory_space<hbm>>, %arg6: memref<160000xi32, #tpu.memory_space<hbm>>, %arg7: memref<512xf32, #tpu.memory_space<hbm>>, %arg8: memref<512xf32, #tpu.memory_space<hbm>>, %arg9: memref<8x160000x64xf32, #tpu.memory_space<hbm>>, %arg10: memref<40xi32, #tpu.memory_space<vmem>>, %arg11: memref<40xi32, #tpu.memory_space<vmem>>, %arg12: memref<640xf32, #tpu.memory_space<vmem>>, %arg13: memref<40x512xf32, #tpu.memory_space<vmem>>, %arg14: memref<40x512xf32, #tpu.memory_space<vmem>>, %arg15: memref<8x40x64xf32, #tpu.memory_space<vmem>>, %arg16: memref<512xf32, #tpu.memory_space<vmem>>, %arg17: memref<512xf32, #tpu.memory_space<vmem>>, %arg18: memref<!tpu.dma_semaphore, #tpu.memory_space<semaphore_mem>>) attributes {dimension_semantics = [#tpu.dimension_semantics<core_parallel>, #tpu.dimension_semantics<subcore_parallel>], iteration_bounds = array<i64: 2, 16>, scalar_prefetch = 0 : i64, scratch_operands = 9 : i64, tpu.core_type = #tpu.core_type<sc_vector_subcore>, window_params = [{transform_indices = #map}, {transform_indices = #map}, {transform_indices = #map1}, {transform_indices = #map1}, {transform_indices = #map1}, {transform_indices = #map1}, {transform_indices = #map1}, {transform_indices = #map2}]} {
    %mul3A = arith.constant 2 : i32
    %mul3A_0 = arith.muli %arg1, %mul3A : i32
    %add3A = arith.addi %mul3A_0, %arg0 : i32
    %mul3A_1 = arith.constant 5000 : i32
    %mul3A_2 = arith.muli %add3A, %mul3A_1 : i32
    "tpu.region"() ({
      %run_scoped3A = tpu.sem_alloc : memref<!tpu.dma_semaphore, #tpu.memory_space<semaphore_mem>>
      tpu.enqueue_dma source(%arg7 : memref<512xf32, #tpu.memory_space<hbm>>) target(%arg16 : memref<512xf32, #tpu.memory_space<vmem>>) target_semaphore(%run_scoped3A : memref<!tpu.dma_semaphore, #tpu.memory_space<semaphore_mem>>)
      tpu.wait_dma2 semaphore(%run_scoped3A : memref<!tpu.dma_semaphore, #tpu.memory_space<semaphore_mem>>) src(%arg7 : memref<512xf32, #tpu.memory_space<hbm>>) dst(%arg16 : memref<512xf32, #tpu.memory_space<vmem>>)
      tpu.yield
    }) : () -> ()
    "tpu.region"() ({
      %run_scoped3A = tpu.sem_alloc : memref<!tpu.dma_semaphore, #tpu.memory_space<semaphore_mem>>
      tpu.enqueue_dma source(%arg8 : memref<512xf32, #tpu.memory_space<hbm>>) target(%arg17 : memref<512xf32, #tpu.memory_space<vmem>>) target_semaphore(%run_scoped3A : memref<!tpu.dma_semaphore, #tpu.memory_space<semaphore_mem>>)
      tpu.wait_dma2 semaphore(%run_scoped3A : memref<!tpu.dma_semaphore, #tpu.memory_space<semaphore_mem>>) src(%arg8 : memref<512xf32, #tpu.memory_space<hbm>>) dst(%arg17 : memref<512xf32, #tpu.memory_space<vmem>>)
      tpu.yield
    }) : () -> ()
    %iota3A = tpu.iota {dimensions = array<i32: 0>} : vector<16xi32>
    %lt3A = arith.constant 12 : i32
    %lt3A_3 = vector.broadcast %lt3A : i32 to vector<16xi32>
    %lt3A_4 = arith.cmpi slt, %iota3A, %lt3A_3 : vector<16xi32>
    %scan3A = arith.constant 0 : i32
    %scan3A_5 = arith.constant 0 : i32
    %scan3A_6 = arith.constant 125 : i32
    %scan3A_7 = arith.addi %scan3A_5, %scan3A_6 : i32
    %scan3A_8 = arith.constant 1 : i32
    scf.for %scan3A_10 = %scan3A_5 to %scan3A_7 step %scan3A_8  : i32 {
      %mul3A_11 = arith.constant 40 : i32
      %mul3A_12 = arith.muli %scan3A_10, %mul3A_11 : i32
      %add3A_13 = arith.addi %mul3A_2, %mul3A_12 : i32
      "tpu.region"() ({
        %run_scoped3A_47 = tpu.sem_alloc : memref<!tpu.dma_semaphore, #tpu.memory_space<semaphore_mem>>
        %dma_start3A_48 = tpu.memref_slice %arg6[%add3A_13] : memref<160000xi32, #tpu.memory_space<hbm>> -> memref<40xi32, #tpu.memory_space<hbm>>
        %dma_start3A_49 = tpu.memref_slice %arg6[%add3A_13] : memref<160000xi32, #tpu.memory_space<hbm>> -> memref<40xi32, #tpu.memory_space<hbm>>
        tpu.enqueue_dma source(%dma_start3A_49 : memref<40xi32, #tpu.memory_space<hbm>>) target(%arg10 : memref<40xi32, #tpu.memory_space<vmem>>) target_semaphore(%run_scoped3A_47 : memref<!tpu.dma_semaphore, #tpu.memory_space<semaphore_mem>>)
        %dma_wait3A_50 = tpu.memref_slice %arg6[%add3A_13] : memref<160000xi32, #tpu.memory_space<hbm>> -> memref<40xi32, #tpu.memory_space<hbm>>
        %dma_wait3A_51 = tpu.memref_slice %arg6[%add3A_13] : memref<160000xi32, #tpu.memory_space<hbm>> -> memref<40xi32, #tpu.memory_space<hbm>>
        tpu.wait_dma2 semaphore(%run_scoped3A_47 : memref<!tpu.dma_semaphore, #tpu.memory_space<semaphore_mem>>) src(%dma_wait3A_51 : memref<40xi32, #tpu.memory_space<hbm>>) dst(%arg10 : memref<40xi32, #tpu.memory_space<vmem>>)
        tpu.yield
      }) : () -> ()
      "tpu.region"() ({
        %run_scoped3A_47 = tpu.sem_alloc : memref<!tpu.dma_semaphore, #tpu.memory_space<semaphore_mem>>
        %dma_start3A_48 = tpu.memref_slice %arg5[%add3A_13] : memref<160000xi32, #tpu.memory_space<hbm>> -> memref<40xi32, #tpu.memory_space<hbm>>
        %dma_start3A_49 = tpu.memref_slice %arg5[%add3A_13] : memref<160000xi32, #tpu.memory_space<hbm>> -> memref<40xi32, #tpu.memory_space<hbm>>
        tpu.enqueue_dma source(%dma_start3A_49 : memref<40xi32, #tpu.memory_space<hbm>>) target(%arg11 : memref<40xi32, #tpu.memory_space<vmem>>) target_semaphore(%run_scoped3A_47 : memref<!tpu.dma_semaphore, #tpu.memory_space<semaphore_mem>>)
        %dma_wait3A_50 = tpu.memref_slice %arg5[%add3A_13] : memref<160000xi32, #tpu.memory_space<hbm>> -> memref<40xi32, #tpu.memory_space<hbm>>
        %dma_wait3A_51 = tpu.memref_slice %arg5[%add3A_13] : memref<160000xi32, #tpu.memory_space<hbm>> -> memref<40xi32, #tpu.memory_space<hbm>>
        tpu.wait_dma2 semaphore(%run_scoped3A_47 : memref<!tpu.dma_semaphore, #tpu.memory_space<semaphore_mem>>) src(%dma_wait3A_51 : memref<40xi32, #tpu.memory_space<hbm>>) dst(%arg11 : memref<40xi32, #tpu.memory_space<vmem>>)
        tpu.yield
      }) : () -> ()
      %mul3A_14 = arith.constant 16 : i32
      %mul3A_15 = arith.muli %mul3A_14, %add3A_13 : i32
      "tpu.region"() ({
        %run_scoped3A_47 = tpu.sem_alloc : memref<!tpu.dma_semaphore, #tpu.memory_space<semaphore_mem>>
        %dma_start3A_48 = tpu.memref_slice %arg4[%mul3A_15] : memref<2560000xf32, #tpu.memory_space<hbm>> -> memref<640xf32, #tpu.memory_space<hbm>>
        %dma_start3A_49 = tpu.memref_slice %arg4[%mul3A_15] : memref<2560000xf32, #tpu.memory_space<hbm>> -> memref<640xf32, #tpu.memory_space<hbm>>
        tpu.enqueue_dma source(%dma_start3A_49 : memref<640xf32, #tpu.memory_space<hbm>>) target(%arg12 : memref<640xf32, #tpu.memory_space<vmem>>) target_semaphore(%run_scoped3A_47 : memref<!tpu.dma_semaphore, #tpu.memory_space<semaphore_mem>>)
        %dma_wait3A_50 = tpu.memref_slice %arg4[%mul3A_15] : memref<2560000xf32, #tpu.memory_space<hbm>> -> memref<640xf32, #tpu.memory_space<hbm>>
        %dma_wait3A_51 = tpu.memref_slice %arg4[%mul3A_15] : memref<2560000xf32, #tpu.memory_space<hbm>> -> memref<640xf32, #tpu.memory_space<hbm>>
        tpu.wait_dma2 semaphore(%run_scoped3A_47 : memref<!tpu.dma_semaphore, #tpu.memory_space<semaphore_mem>>) src(%dma_wait3A_51 : memref<640xf32, #tpu.memory_space<hbm>>) dst(%arg12 : memref<640xf32, #tpu.memory_space<vmem>>)
        tpu.yield
      }) : () -> ()
      %dma_start3A = arith.constant 0 : i32
      %dma_start3A_16 = arith.constant 0 : i32
      %dma_start3A_17 = tpu.memref_slice %arg2[%dma_start3A, %dma_start3A_16] : memref<10000x512xf32, #tpu.memory_space<hbm>> -> memref<10000x512xf32, #tpu.memory_space<hbm>>
      tpu.enqueue_indirect_dma source(%dma_start3A_17 : memref<10000x512xf32, #tpu.memory_space<hbm>>) target(%arg13 : memref<40x512xf32, #tpu.memory_space<vmem>>) offsets(%arg10 : memref<40xi32, #tpu.memory_space<vmem>>) semaphore(%arg18 : memref<!tpu.dma_semaphore, #tpu.memory_space<semaphore_mem>>)
      %dma_start3A_18 = arith.constant 0 : i32
      %dma_start3A_19 = arith.constant 0 : i32
      %dma_start3A_20 = tpu.memref_slice %arg3[%dma_start3A_18, %dma_start3A_19] : memref<10000x512xf32, #tpu.memory_space<hbm>> -> memref<10000x512xf32, #tpu.memory_space<hbm>>
      tpu.enqueue_indirect_dma source(%dma_start3A_20 : memref<10000x512xf32, #tpu.memory_space<hbm>>) target(%arg14 : memref<40x512xf32, #tpu.memory_space<vmem>>) offsets(%arg11 : memref<40xi32, #tpu.memory_space<vmem>>) semaphore(%arg18 : memref<!tpu.dma_semaphore, #tpu.memory_space<semaphore_mem>>)
      %dma_wait3A = arith.constant 0 : i32
      %dma_wait3A_21 = arith.constant 0 : i32
      %dma_wait3A_22 = tpu.memref_slice %arg2[%dma_wait3A, %dma_wait3A_21] : memref<10000x512xf32, #tpu.memory_space<hbm>> -> memref<10000x512xf32, #tpu.memory_space<hbm>>
      tpu.wait_indirect_dma semaphore(%arg18 : memref<!tpu.dma_semaphore, #tpu.memory_space<semaphore_mem>>) src(%dma_wait3A_22 : memref<10000x512xf32, #tpu.memory_space<hbm>>) dst(%arg13 : memref<40x512xf32, #tpu.memory_space<vmem>>)
      %dma_wait3A_23 = arith.constant 0 : i32
      %dma_wait3A_24 = arith.constant 0 : i32
      %dma_wait3A_25 = tpu.memref_slice %arg3[%dma_wait3A_23, %dma_wait3A_24] : memref<10000x512xf32, #tpu.memory_space<hbm>> -> memref<10000x512xf32, #tpu.memory_space<hbm>>
      tpu.wait_indirect_dma semaphore(%arg18 : memref<!tpu.dma_semaphore, #tpu.memory_space<semaphore_mem>>) src(%dma_wait3A_25 : memref<10000x512xf32, #tpu.memory_space<hbm>>) dst(%arg14 : memref<40x512xf32, #tpu.memory_space<vmem>>)
      %scan3A_26 = arith.constant 0 : i32
      %scan3A_27 = arith.constant 0 : i32
      %scan3A_28 = arith.constant 40 : i32
      %scan3A_29 = arith.addi %scan3A_27, %scan3A_28 : i32
      %scan3A_30 = arith.constant 1 : i32
      scf.for %scan3A_47 = %scan3A_27 to %scan3A_29 step %scan3A_30  : i32 {
        %mul3A_48 = arith.constant 16 : i32
        %mul3A_49 = arith.muli %mul3A_48, %scan3A_47 : i32
        %get3A = arith.index_cast %mul3A_49 : i32 to index
        %get3A_50 = tpu.vector_load %arg12[%get3A] {strides = array<i32>} : memref<640xf32, #tpu.memory_space<vmem>>, vector<16xf32>,
        %broadcast_in_dim3A = arith.constant 0 : i32
        %broadcast_in_dim3A_51 = vector.broadcast %broadcast_in_dim3A : i32 to vector<16x1xi32>
        %gather3A = vector.shape_cast %broadcast_in_dim3A_51 : vector<16x1xi32> to vector<16xi32>
        %gather3A_52 = tpu.dynamic_gather %get3A_50[%gather3A] in [0] : vector<16xf32>, vector<16xi32> -> vector<16xf32>
        %broadcast_in_dim3A_53 = arith.constant 1 : i32
        %broadcast_in_dim3A_54 = vector.broadcast %broadcast_in_dim3A_53 : i32 to vector<16x1xi32>
        %gather3A_55 = vector.shape_cast %broadcast_in_dim3A_54 : vector<16x1xi32> to vector<16xi32>
        %gather3A_56 = tpu.dynamic_gather %get3A_50[%gather3A_55] in [0] : vector<16xf32>, vector<16xi32> -> vector<16xf32>
        %broadcast_in_dim3A_57 = arith.constant 2 : i32
        %broadcast_in_dim3A_58 = vector.broadcast %broadcast_in_dim3A_57 : i32 to vector<16x1xi32>
        %gather3A_59 = vector.shape_cast %broadcast_in_dim3A_58 : vector<16x1xi32> to vector<16xi32>
        %gather3A_60 = tpu.dynamic_gather %get3A_50[%gather3A_59] in [0] : vector<16xf32>, vector<16xi32> -> vector<16xf32>
        %broadcast_in_dim3A_61 = arith.constant 3 : i32
        %broadcast_in_dim3A_62 = vector.broadcast %broadcast_in_dim3A_61 : i32 to vector<16x1xi32>
        %gather3A_63 = vector.shape_cast %broadcast_in_dim3A_62 : vector<16x1xi32> to vector<16xi32>
        %gather3A_64 = tpu.dynamic_gather %get3A_50[%gather3A_63] in [0] : vector<16xf32>, vector<16xi32> -> vector<16xf32>
        %broadcast_in_dim3A_65 = arith.constant 4 : i32
        %broadcast_in_dim3A_66 = vector.broadcast %broadcast_in_dim3A_65 : i32 to vector<16x1xi32>
        %gather3A_67 = vector.shape_cast %broadcast_in_dim3A_66 : vector<16x1xi32> to vector<16xi32>
        %gather3A_68 = tpu.dynamic_gather %get3A_50[%gather3A_67] in [0] : vector<16xf32>, vector<16xi32> -> vector<16xf32>
        %broadcast_in_dim3A_69 = arith.constant 5 : i32
        %broadcast_in_dim3A_70 = vector.broadcast %broadcast_in_dim3A_69 : i32 to vector<16x1xi32>
        %gather3A_71 = vector.shape_cast %broadcast_in_dim3A_70 : vector<16x1xi32> to vector<16xi32>
        %gather3A_72 = tpu.dynamic_gather %get3A_50[%gather3A_71] in [0] : vector<16xf32>, vector<16xi32> -> vector<16xf32>
        %broadcast_in_dim3A_73 = arith.constant 6 : i32
        %broadcast_in_dim3A_74 = vector.broadcast %broadcast_in_dim3A_73 : i32 to vector<16x1xi32>
        %gather3A_75 = vector.shape_cast %broadcast_in_dim3A_74 : vector<16x1xi32> to vector<16xi32>
        %gather3A_76 = tpu.dynamic_gather %get3A_50[%gather3A_75] in [0] : vector<16xf32>, vector<16xi32> -> vector<16xf32>
        %broadcast_in_dim3A_77 = arith.constant 7 : i32
        %broadcast_in_dim3A_78 = vector.broadcast %broadcast_in_dim3A_77 : i32 to vector<16x1xi32>
        %gather3A_79 = vector.shape_cast %broadcast_in_dim3A_78 : vector<16x1xi32> to vector<16xi32>
        %gather3A_80 = tpu.dynamic_gather %get3A_50[%gather3A_79] in [0] : vector<16xf32>, vector<16xi32> -> vector<16xf32>
        %broadcast_in_dim3A_81 = arith.constant 0.000000e+00 : f32
        %broadcast_in_dim3A_82 = vector.broadcast %broadcast_in_dim3A_81 : f32 to vector<16xf32>
        %broadcast_in_dim3A_83 = arith.constant 0.000000e+00 : f32
        %broadcast_in_dim3A_84 = vector.broadcast %broadcast_in_dim3A_83 : f32 to vector<16xf32>
        %get3A_85 = arith.index_cast %scan3A_47 : i32 to index
        %get3A_86 = arith.constant 0 : index
        %get3A_87 = tpu.vector_load %arg13[%get3A_85, %get3A_86] {strides = array<i32>} : memref<40x512xf32, #tpu.memory_space<vmem>>, vector<16xf32>,
        %get3A_88 = arith.index_cast %scan3A_47 : i32 to index
        %get3A_89 = arith.constant 0 : index
        %get3A_90 = tpu.vector_load %arg14[%get3A_88, %get3A_89] {strides = array<i32>} : memref<40x512xf32, #tpu.memory_space<vmem>>, vector<16xf32>,
        %add3A_91 = arith.addf %get3A_87, %get3A_90 : vector<16xf32>
        %add3A_92 = arith.addf %add3A_91, %gather3A_52 : vector<16xf32>
        %add3A_93 = arith.addf %broadcast_in_dim3A_82, %add3A_92 : vector<16xf32>
        %mul3A_94 = arith.mulf %add3A_92, %add3A_92 : vector<16xf32>
        %add3A_95 = arith.addf %broadcast_in_dim3A_84, %mul3A_94 : vector<16xf32>
        %get3A_96 = arith.index_cast %scan3A_47 : i32 to index
        %get3A_97 = arith.constant 16 : index
        %get3A_98 = tpu.vector_load %arg13[%get3A_96, %get3A_97] {strides = array<i32>} : memref<40x512xf32, #tpu.memory_space<vmem>>, vector<16xf32>,
        %get3A_99 = arith.index_cast %scan3A_47 : i32 to index
        %get3A_100 = arith.constant 16 : index
        %get3A_101 = tpu.vector_load %arg14[%get3A_99, %get3A_100] {strides = array<i32>} : memref<40x512xf32, #tpu.memory_space<vmem>>, vector<16xf32>,
        %add3A_102 = arith.addf %get3A_98, %get3A_101 : vector<16xf32>
        %add3A_103 = arith.addf %add3A_102, %gather3A_52 : vector<16xf32>
        %add3A_104 = arith.addf %add3A_93, %add3A_103 : vector<16xf32>
        %mul3A_105 = arith.mulf %add3A_103, %add3A_103 : vector<16xf32>
        %add3A_106 = arith.addf %add3A_95, %mul3A_105 : vector<16xf32>
        %get3A_107 = arith.index_cast %scan3A_47 : i32 to index
        %get3A_108 = arith.constant 32 : index
        %get3A_109 = tpu.vector_load %arg13[%get3A_107, %get3A_108] {strides = array<i32>} : memref<40x512xf32, #tpu.memory_space<vmem>>, vector<16xf32>,
        %get3A_110 = arith.index_cast %scan3A_47 : i32 to index
        %get3A_111 = arith.constant 32 : index
        %get3A_112 = tpu.vector_load %arg14[%get3A_110, %get3A_111] {strides = array<i32>} : memref<40x512xf32, #tpu.memory_space<vmem>>, vector<16xf32>,
        %add3A_113 = arith.addf %get3A_109, %get3A_112 : vector<16xf32>
        %add3A_114 = arith.addf %add3A_113, %gather3A_52 : vector<16xf32>
        %add3A_115 = arith.addf %add3A_104, %add3A_114 : vector<16xf32>
        %mul3A_116 = arith.mulf %add3A_114, %add3A_114 : vector<16xf32>
        %add3A_117 = arith.addf %add3A_106, %mul3A_116 : vector<16xf32>
        %get3A_118 = arith.index_cast %scan3A_47 : i32 to index
        %get3A_119 = arith.constant 48 : index
        %get3A_120 = tpu.vector_load %arg13[%get3A_118, %get3A_119] {strides = array<i32>} : memref<40x512xf32, #tpu.memory_space<vmem>>, vector<16xf32>,
        %get3A_121 = arith.index_cast %scan3A_47 : i32 to index
        %get3A_122 = arith.constant 48 : index
        %get3A_123 = tpu.vector_load %arg14[%get3A_121, %get3A_122] {strides = array<i32>} : memref<40x512xf32, #tpu.memory_space<vmem>>, vector<16xf32>,
        %add3A_124 = arith.addf %get3A_120, %get3A_123 : vector<16xf32>
        %add3A_125 = arith.addf %add3A_124, %gather3A_52 : vector<16xf32>
        %jit3A = arith.constant 0.000000e+00 : f32
        %broadcast_in_dim3A_126 = vector.broadcast %jit3A : f32 to vector<16xf32>
        %select_n3A = arith.select %lt3A_4, %add3A_125, %broadcast_in_dim3A_126 : vector<16xi1>, vector<16xf32>
        %add3A_127 = arith.addf %add3A_115, %select_n3A : vector<16xf32>
        %mul3A_128 = arith.mulf %select_n3A, %select_n3A : vector<16xf32>
        %add3A_129 = arith.addf %add3A_117, %mul3A_128 : vector<16xf32>
        %get3A_130 = arith.index_cast %scan3A_47 : i32 to index
        %get3A_131 = arith.constant 64 : index
        %get3A_132 = tpu.vector_load %arg13[%get3A_130, %get3A_131] {strides = array<i32>} : memref<40x512xf32, #tpu.memory_space<vmem>>, vector<16xf32>,
        %get3A_133 = arith.index_cast %scan3A_47 : i32 to index
        %get3A_134 = arith.constant 64 : index
        %get3A_135 = tpu.vector_load %arg14[%get3A_133, %get3A_134] {strides = array<i32>} : memref<40x512xf32, #tpu.memory_space<vmem>>, vector<16xf32>,
        %add3A_136 = arith.addf %get3A_132, %get3A_135 : vector<16xf32>
        %add3A_137 = arith.addf %add3A_136, %gather3A_56 : vector<16xf32>
        %add3A_138 = arith.addf %add3A_127, %add3A_137 : vector<16xf32>
        %mul3A_139 = arith.mulf %add3A_137, %add3A_137 : vector<16xf32>
        %add3A_140 = arith.addf %add3A_129, %mul3A_139 : vector<16xf32>
        %get3A_141 = arith.index_cast %scan3A_47 : i32 to index
        %get3A_142 = arith.constant 80 : index
        %get3A_143 = tpu.vector_load %arg13[%get3A_141, %get3A_142] {strides = array<i32>} : memref<40x512xf32, #tpu.memory_space<vmem>>, vector<16xf32>,
        %get3A_144 = arith.index_cast %scan3A_47 : i32 to index
        %get3A_145 = arith.constant 80 : index
        %get3A_146 = tpu.vector_load %arg14[%get3A_144, %get3A_145] {strides = array<i32>} : memref<40x512xf32, #tpu.memory_space<vmem>>, vector<16xf32>,
        %add3A_147 = arith.addf %get3A_143, %get3A_146 : vector<16xf32>
        %add3A_148 = arith.addf %add3A_147, %gather3A_56 : vector<16xf32>
        %add3A_149 = arith.addf %add3A_138, %add3A_148 : vector<16xf32>
        %mul3A_150 = arith.mulf %add3A_148, %add3A_148 : vector<16xf32>
        %add3A_151 = arith.addf %add3A_140, %mul3A_150 : vector<16xf32>
        %get3A_152 = arith.index_cast %scan3A_47 : i32 to index
        %get3A_153 = arith.constant 96 : index
        %get3A_154 = tpu.vector_load %arg13[%get3A_152, %get3A_153] {strides = array<i32>} : memref<40x512xf32, #tpu.memory_space<vmem>>, vector<16xf32>,
        %get3A_155 = arith.index_cast %scan3A_47 : i32 to index
        %get3A_156 = arith.constant 96 : index
        %get3A_157 = tpu.vector_load %arg14[%get3A_155, %get3A_156] {strides = array<i32>} : memref<40x512xf32, #tpu.memory_space<vmem>>, vector<16xf32>,
        %add3A_158 = arith.addf %get3A_154, %get3A_157 : vector<16xf32>
        %add3A_159 = arith.addf %add3A_158, %gather3A_56 : vector<16xf32>
        %add3A_160 = arith.addf %add3A_149, %add3A_159 : vector<16xf32>
        %mul3A_161 = arith.mulf %add3A_159, %add3A_159 : vector<16xf32>
        %add3A_162 = arith.addf %add3A_151, %mul3A_161 : vector<16xf32>
        %get3A_163 = arith.index_cast %scan3A_47 : i32 to index
        %get3A_164 = arith.constant 112 : index
        %get3A_165 = tpu.vector_load %arg13[%get3A_163, %get3A_164] {strides = array<i32>} : memref<40x512xf32, #tpu.memory_space<vmem>>, vector<16xf32>,
        %get3A_166 = arith.index_cast %scan3A_47 : i32 to index
        %get3A_167 = arith.constant 112 : index
        %get3A_168 = tpu.vector_load %arg14[%get3A_166, %get3A_167] {strides = array<i32>} : memref<40x512xf32, #tpu.memory_space<vmem>>, vector<16xf32>,
        %add3A_169 = arith.addf %get3A_165, %get3A_168 : vector<16xf32>
        %add3A_170 = arith.addf %add3A_169, %gather3A_56 : vector<16xf32>
        %jit3A_171 = arith.constant 0.000000e+00 : f32
        %broadcast_in_dim3A_172 = vector.broadcast %jit3A_171 : f32 to vector<16xf32>
        %select_n3A_173 = arith.select %lt3A_4, %add3A_170, %broadcast_in_dim3A_172 : vector<16xi1>, vector<16xf32>
        %add3A_174 = arith.addf %add3A_160, %select_n3A_173 : vector<16xf32>
        %mul3A_175 = arith.mulf %select_n3A_173, %select_n3A_173 : vector<16xf32>
        %add3A_176 = arith.addf %add3A_162, %mul3A_175 : vector<16xf32>
        %get3A_177 = arith.index_cast %scan3A_47 : i32 to index
        %get3A_178 = arith.constant 128 : index
        %get3A_179 = tpu.vector_load %arg13[%get3A_177, %get3A_178] {strides = array<i32>} : memref<40x512xf32, #tpu.memory_space<vmem>>, vector<16xf32>,
        %get3A_180 = arith.index_cast %scan3A_47 : i32 to index
        %get3A_181 = arith.constant 128 : index
        %get3A_182 = tpu.vector_load %arg14[%get3A_180, %get3A_181] {strides = array<i32>} : memref<40x512xf32, #tpu.memory_space<vmem>>, vector<16xf32>,
        %add3A_183 = arith.addf %get3A_179, %get3A_182 : vector<16xf32>
        %add3A_184 = arith.addf %add3A_183, %gather3A_60 : vector<16xf32>
        %add3A_185 = arith.addf %add3A_174, %add3A_184 : vector<16xf32>
        %mul3A_186 = arith.mulf %add3A_184, %add3A_184 : vector<16xf32>
        %add3A_187 = arith.addf %add3A_176, %mul3A_186 : vector<16xf32>
        %get3A_188 = arith.index_cast %scan3A_47 : i32 to index
        %get3A_189 = arith.constant 144 : index
        %get3A_190 = tpu.vector_load %arg13[%get3A_188, %get3A_189] {strides = array<i32>} : memref<40x512xf32, #tpu.memory_space<vmem>>, vector<16xf32>,
        %get3A_191 = arith.index_cast %scan3A_47 : i32 to index
        %get3A_192 = arith.constant 144 : index
        %get3A_193 = tpu.vector_load %arg14[%get3A_191, %get3A_192] {strides = array<i32>} : memref<40x512xf32, #tpu.memory_space<vmem>>, vector<16xf32>,
        %add3A_194 = arith.addf %get3A_190, %get3A_193 : vector<16xf32>
        %add3A_195 = arith.addf %add3A_194, %gather3A_60 : vector<16xf32>
        %add3A_196 = arith.addf %add3A_185, %add3A_195 : vector<16xf32>
        %mul3A_197 = arith.mulf %add3A_195, %add3A_195 : vector<16xf32>
        %add3A_198 = arith.addf %add3A_187, %mul3A_197 : vector<16xf32>
        %get3A_199 = arith.index_cast %scan3A_47 : i32 to index
        %get3A_200 = arith.constant 160 : index
        %get3A_201 = tpu.vector_load %arg13[%get3A_199, %get3A_200] {strides = array<i32>} : memref<40x512xf32, #tpu.memory_space<vmem>>, vector<16xf32>,
        %get3A_202 = arith.index_cast %scan3A_47 : i32 to index
        %get3A_203 = arith.constant 160 : index
        %get3A_204 = tpu.vector_load %arg14[%get3A_202, %get3A_203] {strides = array<i32>} : memref<40x512xf32, #tpu.memory_space<vmem>>, vector<16xf32>,
        %add3A_205 = arith.addf %get3A_201, %get3A_204 : vector<16xf32>
        %add3A_206 = arith.addf %add3A_205, %gather3A_60 : vector<16xf32>
        %add3A_207 = arith.addf %add3A_196, %add3A_206 : vector<16xf32>
        %mul3A_208 = arith.mulf %add3A_206, %add3A_206 : vector<16xf32>
        %add3A_209 = arith.addf %add3A_198, %mul3A_208 : vector<16xf32>
        %get3A_210 = arith.index_cast %scan3A_47 : i32 to index
        %get3A_211 = arith.constant 176 : index
        %get3A_212 = tpu.vector_load %arg13[%get3A_210, %get3A_211] {strides = array<i32>} : memref<40x512xf32, #tpu.memory_space<vmem>>, vector<16xf32>,
        %get3A_213 = arith.index_cast %scan3A_47 : i32 to index
        %get3A_214 = arith.constant 176 : index
        %get3A_215 = tpu.vector_load %arg14[%get3A_213, %get3A_214] {strides = array<i32>} : memref<40x512xf32, #tpu.memory_space<vmem>>, vector<16xf32>,
        %add3A_216 = arith.addf %get3A_212, %get3A_215 : vector<16xf32>
        %add3A_217 = arith.addf %add3A_216, %gather3A_60 : vector<16xf32>
        %jit3A_218 = arith.constant 0.000000e+00 : f32
        %broadcast_in_dim3A_219 = vector.broadcast %jit3A_218 : f32 to vector<16xf32>
        %select_n3A_220 = arith.select %lt3A_4, %add3A_217, %broadcast_in_dim3A_219 : vector<16xi1>, vector<16xf32>
        %add3A_221 = arith.addf %add3A_207, %select_n3A_220 : vector<16xf32>
        %mul3A_222 = arith.mulf %select_n3A_220, %select_n3A_220 : vector<16xf32>
        %add3A_223 = arith.addf %add3A_209, %mul3A_222 : vector<16xf32>
        %get3A_224 = arith.index_cast %scan3A_47 : i32 to index
        %get3A_225 = arith.constant 192 : index
        %get3A_226 = tpu.vector_load %arg13[%get3A_224, %get3A_225] {strides = array<i32>} : memref<40x512xf32, #tpu.memory_space<vmem>>, vector<16xf32>,
        %get3A_227 = arith.index_cast %scan3A_47 : i32 to index
        %get3A_228 = arith.constant 192 : index
        %get3A_229 = tpu.vector_load %arg14[%get3A_227, %get3A_228] {strides = array<i32>} : memref<40x512xf32, #tpu.memory_space<vmem>>, vector<16xf32>,
        %add3A_230 = arith.addf %get3A_226, %get3A_229 : vector<16xf32>
        %add3A_231 = arith.addf %add3A_230, %gather3A_64 : vector<16xf32>
        %add3A_232 = arith.addf %add3A_221, %add3A_231 : vector<16xf32>
        %mul3A_233 = arith.mulf %add3A_231, %add3A_231 : vector<16xf32>
        %add3A_234 = arith.addf %add3A_223, %mul3A_233 : vector<16xf32>
        %get3A_235 = arith.index_cast %scan3A_47 : i32 to index
        %get3A_236 = arith.constant 208 : index
        %get3A_237 = tpu.vector_load %arg13[%get3A_235, %get3A_236] {strides = array<i32>} : memref<40x512xf32, #tpu.memory_space<vmem>>, vector<16xf32>,
        %get3A_238 = arith.index_cast %scan3A_47 : i32 to index
        %get3A_239 = arith.constant 208 : index
        %get3A_240 = tpu.vector_load %arg14[%get3A_238, %get3A_239] {strides = array<i32>} : memref<40x512xf32, #tpu.memory_space<vmem>>, vector<16xf32>,
        %add3A_241 = arith.addf %get3A_237, %get3A_240 : vector<16xf32>
        %add3A_242 = arith.addf %add3A_241, %gather3A_64 : vector<16xf32>
        %add3A_243 = arith.addf %add3A_232, %add3A_242 : vector<16xf32>
        %mul3A_244 = arith.mulf %add3A_242, %add3A_242 : vector<16xf32>
        %add3A_245 = arith.addf %add3A_234, %mul3A_244 : vector<16xf32>
        %get3A_246 = arith.index_cast %scan3A_47 : i32 to index
        %get3A_247 = arith.constant 224 : index
        %get3A_248 = tpu.vector_load %arg13[%get3A_246, %get3A_247] {strides = array<i32>} : memref<40x512xf32, #tpu.memory_space<vmem>>, vector<16xf32>,
        %get3A_249 = arith.index_cast %scan3A_47 : i32 to index
        %get3A_250 = arith.constant 224 : index
        %get3A_251 = tpu.vector_load %arg14[%get3A_249, %get3A_250] {strides = array<i32>} : memref<40x512xf32, #tpu.memory_space<vmem>>, vector<16xf32>,
        %add3A_252 = arith.addf %get3A_248, %get3A_251 : vector<16xf32>
        %add3A_253 = arith.addf %add3A_252, %gather3A_64 : vector<16xf32>
        %add3A_254 = arith.addf %add3A_243, %add3A_253 : vector<16xf32>
        %mul3A_255 = arith.mulf %add3A_253, %add3A_253 : vector<16xf32>
        %add3A_256 = arith.addf %add3A_245, %mul3A_255 : vector<16xf32>
        %get3A_257 = arith.index_cast %scan3A_47 : i32 to index
        %get3A_258 = arith.constant 240 : index
        %get3A_259 = tpu.vector_load %arg13[%get3A_257, %get3A_258] {strides = array<i32>} : memref<40x512xf32, #tpu.memory_space<vmem>>, vector<16xf32>,
        %get3A_260 = arith.index_cast %scan3A_47 : i32 to index
        %get3A_261 = arith.constant 240 : index
        %get3A_262 = tpu.vector_load %arg14[%get3A_260, %get3A_261] {strides = array<i32>} : memref<40x512xf32, #tpu.memory_space<vmem>>, vector<16xf32>,
        %add3A_263 = arith.addf %get3A_259, %get3A_262 : vector<16xf32>
        %add3A_264 = arith.addf %add3A_263, %gather3A_64 : vector<16xf32>
        %jit3A_265 = arith.constant 0.000000e+00 : f32
        %broadcast_in_dim3A_266 = vector.broadcast %jit3A_265 : f32 to vector<16xf32>
        %select_n3A_267 = arith.select %lt3A_4, %add3A_264, %broadcast_in_dim3A_266 : vector<16xi1>, vector<16xf32>
        %add3A_268 = arith.addf %add3A_254, %select_n3A_267 : vector<16xf32>
        %mul3A_269 = arith.mulf %select_n3A_267, %select_n3A_267 : vector<16xf32>
        %add3A_270 = arith.addf %add3A_256, %mul3A_269 : vector<16xf32>
        %get3A_271 = arith.index_cast %scan3A_47 : i32 to index
        %get3A_272 = arith.constant 256 : index
        %get3A_273 = tpu.vector_load %arg13[%get3A_271, %get3A_272] {strides = array<i32>} : memref<40x512xf32, #tpu.memory_space<vmem>>, vector<16xf32>,
        %get3A_274 = arith.index_cast %scan3A_47 : i32 to index
        %get3A_275 = arith.constant 256 : index
        %get3A_276 = tpu.vector_load %arg14[%get3A_274, %get3A_275] {strides = array<i32>} : memref<40x512xf32, #tpu.memory_space<vmem>>, vector<16xf32>,
        %add3A_277 = arith.addf %get3A_273, %get3A_276 : vector<16xf32>
        %add3A_278 = arith.addf %add3A_277, %gather3A_68 : vector<16xf32>
        %add3A_279 = arith.addf %add3A_268, %add3A_278 : vector<16xf32>
        %mul3A_280 = arith.mulf %add3A_278, %add3A_278 : vector<16xf32>
        %add3A_281 = arith.addf %add3A_270, %mul3A_280 : vector<16xf32>
        %get3A_282 = arith.index_cast %scan3A_47 : i32 to index
        %get3A_283 = arith.constant 272 : index
        %get3A_284 = tpu.vector_load %arg13[%get3A_282, %get3A_283] {strides = array<i32>} : memref<40x512xf32, #tpu.memory_space<vmem>>, vector<16xf32>,
        %get3A_285 = arith.index_cast %scan3A_47 : i32 to index
        %get3A_286 = arith.constant 272 : index
        %get3A_287 = tpu.vector_load %arg14[%get3A_285, %get3A_286] {strides = array<i32>} : memref<40x512xf32, #tpu.memory_space<vmem>>, vector<16xf32>,
        %add3A_288 = arith.addf %get3A_284, %get3A_287 : vector<16xf32>
        %add3A_289 = arith.addf %add3A_288, %gather3A_68 : vector<16xf32>
        %add3A_290 = arith.addf %add3A_279, %add3A_289 : vector<16xf32>
        %mul3A_291 = arith.mulf %add3A_289, %add3A_289 : vector<16xf32>
        %add3A_292 = arith.addf %add3A_281, %mul3A_291 : vector<16xf32>
        %get3A_293 = arith.index_cast %scan3A_47 : i32 to index
        %get3A_294 = arith.constant 288 : index
        %get3A_295 = tpu.vector_load %arg13[%get3A_293, %get3A_294] {strides = array<i32>} : memref<40x512xf32, #tpu.memory_space<vmem>>, vector<16xf32>,
        %get3A_296 = arith.index_cast %scan3A_47 : i32 to index
        %get3A_297 = arith.constant 288 : index
        %get3A_298 = tpu.vector_load %arg14[%get3A_296, %get3A_297] {strides = array<i32>} : memref<40x512xf32, #tpu.memory_space<vmem>>, vector<16xf32>,
        %add3A_299 = arith.addf %get3A_295, %get3A_298 : vector<16xf32>
        %add3A_300 = arith.addf %add3A_299, %gather3A_68 : vector<16xf32>
        %add3A_301 = arith.addf %add3A_290, %add3A_300 : vector<16xf32>
        %mul3A_302 = arith.mulf %add3A_300, %add3A_300 : vector<16xf32>
        %add3A_303 = arith.addf %add3A_292, %mul3A_302 : vector<16xf32>
        %get3A_304 = arith.index_cast %scan3A_47 : i32 to index
        %get3A_305 = arith.constant 304 : index
        %get3A_306 = tpu.vector_load %arg13[%get3A_304, %get3A_305] {strides = array<i32>} : memref<40x512xf32, #tpu.memory_space<vmem>>, vector<16xf32>,
        %get3A_307 = arith.index_cast %scan3A_47 : i32 to index
        %get3A_308 = arith.constant 304 : index
        %get3A_309 = tpu.vector_load %arg14[%get3A_307, %get3A_308] {strides = array<i32>} : memref<40x512xf32, #tpu.memory_space<vmem>>, vector<16xf32>,
        %add3A_310 = arith.addf %get3A_306, %get3A_309 : vector<16xf32>
        %add3A_311 = arith.addf %add3A_310, %gather3A_68 : vector<16xf32>
        %jit3A_312 = arith.constant 0.000000e+00 : f32
        %broadcast_in_dim3A_313 = vector.broadcast %jit3A_312 : f32 to vector<16xf32>
        %select_n3A_314 = arith.select %lt3A_4, %add3A_311, %broadcast_in_dim3A_313 : vector<16xi1>, vector<16xf32>
        %add3A_315 = arith.addf %add3A_301, %select_n3A_314 : vector<16xf32>
        %mul3A_316 = arith.mulf %select_n3A_314, %select_n3A_314 : vector<16xf32>
        %add3A_317 = arith.addf %add3A_303, %mul3A_316 : vector<16xf32>
        %get3A_318 = arith.index_cast %scan3A_47 : i32 to index
        %get3A_319 = arith.constant 320 : index
        %get3A_320 = tpu.vector_load %arg13[%get3A_318, %get3A_319] {strides = array<i32>} : memref<40x512xf32, #tpu.memory_space<vmem>>, vector<16xf32>,
        %get3A_321 = arith.index_cast %scan3A_47 : i32 to index
        %get3A_322 = arith.constant 320 : index
        %get3A_323 = tpu.vector_load %arg14[%get3A_321, %get3A_322] {strides = array<i32>} : memref<40x512xf32, #tpu.memory_space<vmem>>, vector<16xf32>,
        %add3A_324 = arith.addf %get3A_320, %get3A_323 : vector<16xf32>
        %add3A_325 = arith.addf %add3A_324, %gather3A_72 : vector<16xf32>
        %add3A_326 = arith.addf %add3A_315, %add3A_325 : vector<16xf32>
        %mul3A_327 = arith.mulf %add3A_325, %add3A_325 : vector<16xf32>
        %add3A_328 = arith.addf %add3A_317, %mul3A_327 : vector<16xf32>
        %get3A_329 = arith.index_cast %scan3A_47 : i32 to index
        %get3A_330 = arith.constant 336 : index
        %get3A_331 = tpu.vector_load %arg13[%get3A_329, %get3A_330] {strides = array<i32>} : memref<40x512xf32, #tpu.memory_space<vmem>>, vector<16xf32>,
        %get3A_332 = arith.index_cast %scan3A_47 : i32 to index
        %get3A_333 = arith.constant 336 : index
        %get3A_334 = tpu.vector_load %arg14[%get3A_332, %get3A_333] {strides = array<i32>} : memref<40x512xf32, #tpu.memory_space<vmem>>, vector<16xf32>,
        %add3A_335 = arith.addf %get3A_331, %get3A_334 : vector<16xf32>
        %add3A_336 = arith.addf %add3A_335, %gather3A_72 : vector<16xf32>
        %add3A_337 = arith.addf %add3A_326, %add3A_336 : vector<16xf32>
        %mul3A_338 = arith.mulf %add3A_336, %add3A_336 : vector<16xf32>
        %add3A_339 = arith.addf %add3A_328, %mul3A_338 : vector<16xf32>
        %get3A_340 = arith.index_cast %scan3A_47 : i32 to index
        %get3A_341 = arith.constant 352 : index
        %get3A_342 = tpu.vector_load %arg13[%get3A_340, %get3A_341] {strides = array<i32>} : memref<40x512xf32, #tpu.memory_space<vmem>>, vector<16xf32>,
        %get3A_343 = arith.index_cast %scan3A_47 : i32 to index
        %get3A_344 = arith.constant 352 : index
        %get3A_345 = tpu.vector_load %arg14[%get3A_343, %get3A_344] {strides = array<i32>} : memref<40x512xf32, #tpu.memory_space<vmem>>, vector<16xf32>,
        %add3A_346 = arith.addf %get3A_342, %get3A_345 : vector<16xf32>
        %add3A_347 = arith.addf %add3A_346, %gather3A_72 : vector<16xf32>
        %add3A_348 = arith.addf %add3A_337, %add3A_347 : vector<16xf32>
        %mul3A_349 = arith.mulf %add3A_347, %add3A_347 : vector<16xf32>
        %add3A_350 = arith.addf %add3A_339, %mul3A_349 : vector<16xf32>
        %get3A_351 = arith.index_cast %scan3A_47 : i32 to index
        %get3A_352 = arith.constant 368 : index
        %get3A_353 = tpu.vector_load %arg13[%get3A_351, %get3A_352] {strides = array<i32>} : memref<40x512xf32, #tpu.memory_space<vmem>>, vector<16xf32>,
        %get3A_354 = arith.index_cast %scan3A_47 : i32 to index
        %get3A_355 = arith.constant 368 : index
        %get3A_356 = tpu.vector_load %arg14[%get3A_354, %get3A_355] {strides = array<i32>} : memref<40x512xf32, #tpu.memory_space<vmem>>, vector<16xf32>,
        %add3A_357 = arith.addf %get3A_353, %get3A_356 : vector<16xf32>
        %add3A_358 = arith.addf %add3A_357, %gather3A_72 : vector<16xf32>
        %jit3A_359 = arith.constant 0.000000e+00 : f32
        %broadcast_in_dim3A_360 = vector.broadcast %jit3A_359 : f32 to vector<16xf32>
        %select_n3A_361 = arith.select %lt3A_4, %add3A_358, %broadcast_in_dim3A_360 : vector<16xi1>, vector<16xf32>
        %add3A_362 = arith.addf %add3A_348, %select_n3A_361 : vector<16xf32>
        %mul3A_363 = arith.mulf %select_n3A_361, %select_n3A_361 : vector<16xf32>
        %add3A_364 = arith.addf %add3A_350, %mul3A_363 : vector<16xf32>
        %get3A_365 = arith.index_cast %scan3A_47 : i32 to index
        %get3A_366 = arith.constant 384 : index
        %get3A_367 = tpu.vector_load %arg13[%get3A_365, %get3A_366] {strides = array<i32>} : memref<40x512xf32, #tpu.memory_space<vmem>>, vector<16xf32>,
        %get3A_368 = arith.index_cast %scan3A_47 : i32 to index
        %get3A_369 = arith.constant 384 : index
        %get3A_370 = tpu.vector_load %arg14[%get3A_368, %get3A_369] {strides = array<i32>} : memref<40x512xf32, #tpu.memory_space<vmem>>, vector<16xf32>,
        %add3A_371 = arith.addf %get3A_367, %get3A_370 : vector<16xf32>
        %add3A_372 = arith.addf %add3A_371, %gather3A_76 : vector<16xf32>
        %add3A_373 = arith.addf %add3A_362, %add3A_372 : vector<16xf32>
        %mul3A_374 = arith.mulf %add3A_372, %add3A_372 : vector<16xf32>
        %add3A_375 = arith.addf %add3A_364, %mul3A_374 : vector<16xf32>
        %get3A_376 = arith.index_cast %scan3A_47 : i32 to index
        %get3A_377 = arith.constant 400 : index
        %get3A_378 = tpu.vector_load %arg13[%get3A_376, %get3A_377] {strides = array<i32>} : memref<40x512xf32, #tpu.memory_space<vmem>>, vector<16xf32>,
        %get3A_379 = arith.index_cast %scan3A_47 : i32 to index
        %get3A_380 = arith.constant 400 : index
        %get3A_381 = tpu.vector_load %arg14[%get3A_379, %get3A_380] {strides = array<i32>} : memref<40x512xf32, #tpu.memory_space<vmem>>, vector<16xf32>,
        %add3A_382 = arith.addf %get3A_378, %get3A_381 : vector<16xf32>
        %add3A_383 = arith.addf %add3A_382, %gather3A_76 : vector<16xf32>
        %add3A_384 = arith.addf %add3A_373, %add3A_383 : vector<16xf32>
        %mul3A_385 = arith.mulf %add3A_383, %add3A_383 : vector<16xf32>
        %add3A_386 = arith.addf %add3A_375, %mul3A_385 : vector<16xf32>
        %get3A_387 = arith.index_cast %scan3A_47 : i32 to index
        %get3A_388 = arith.constant 416 : index
        %get3A_389 = tpu.vector_load %arg13[%get3A_387, %get3A_388] {strides = array<i32>} : memref<40x512xf32, #tpu.memory_space<vmem>>, vector<16xf32>,
        %get3A_390 = arith.index_cast %scan3A_47 : i32 to index
        %get3A_391 = arith.constant 416 : index
        %get3A_392 = tpu.vector_load %arg14[%get3A_390, %get3A_391] {strides = array<i32>} : memref<40x512xf32, #tpu.memory_space<vmem>>, vector<16xf32>,
        %add3A_393 = arith.addf %get3A_389, %get3A_392 : vector<16xf32>
        %add3A_394 = arith.addf %add3A_393, %gather3A_76 : vector<16xf32>
        %add3A_395 = arith.addf %add3A_384, %add3A_394 : vector<16xf32>
        %mul3A_396 = arith.mulf %add3A_394, %add3A_394 : vector<16xf32>
        %add3A_397 = arith.addf %add3A_386, %mul3A_396 : vector<16xf32>
        %get3A_398 = arith.index_cast %scan3A_47 : i32 to index
        %get3A_399 = arith.constant 432 : index
        %get3A_400 = tpu.vector_load %arg13[%get3A_398, %get3A_399] {strides = array<i32>} : memref<40x512xf32, #tpu.memory_space<vmem>>, vector<16xf32>,
        %get3A_401 = arith.index_cast %scan3A_47 : i32 to index
        %get3A_402 = arith.constant 432 : index
        %get3A_403 = tpu.vector_load %arg14[%get3A_401, %get3A_402] {strides = array<i32>} : memref<40x512xf32, #tpu.memory_space<vmem>>, vector<16xf32>,
        %add3A_404 = arith.addf %get3A_400, %get3A_403 : vector<16xf32>
        %add3A_405 = arith.addf %add3A_404, %gather3A_76 : vector<16xf32>
        %jit3A_406 = arith.constant 0.000000e+00 : f32
        %broadcast_in_dim3A_407 = vector.broadcast %jit3A_406 : f32 to vector<16xf32>
        %select_n3A_408 = arith.select %lt3A_4, %add3A_405, %broadcast_in_dim3A_407 : vector<16xi1>, vector<16xf32>
        %add3A_409 = arith.addf %add3A_395, %select_n3A_408 : vector<16xf32>
        %mul3A_410 = arith.mulf %select_n3A_408, %select_n3A_408 : vector<16xf32>
        %add3A_411 = arith.addf %add3A_397, %mul3A_410 : vector<16xf32>
        %get3A_412 = arith.index_cast %scan3A_47 : i32 to index
        %get3A_413 = arith.constant 448 : index
        %get3A_414 = tpu.vector_load %arg13[%get3A_412, %get3A_413] {strides = array<i32>} : memref<40x512xf32, #tpu.memory_space<vmem>>, vector<16xf32>,
        %get3A_415 = arith.index_cast %scan3A_47 : i32 to index
        %get3A_416 = arith.constant 448 : index
        %get3A_417 = tpu.vector_load %arg14[%get3A_415, %get3A_416] {strides = array<i32>} : memref<40x512xf32, #tpu.memory_space<vmem>>, vector<16xf32>,
        %add3A_418 = arith.addf %get3A_414, %get3A_417 : vector<16xf32>
        %add3A_419 = arith.addf %add3A_418, %gather3A_80 : vector<16xf32>
        %add3A_420 = arith.addf %add3A_409, %add3A_419 : vector<16xf32>
        %mul3A_421 = arith.mulf %add3A_419, %add3A_419 : vector<16xf32>
        %add3A_422 = arith.addf %add3A_411, %mul3A_421 : vector<16xf32>
        %get3A_423 = arith.index_cast %scan3A_47 : i32 to index
        %get3A_424 = arith.constant 464 : index
        %get3A_425 = tpu.vector_load %arg13[%get3A_423, %get3A_424] {strides = array<i32>} : memref<40x512xf32, #tpu.memory_space<vmem>>, vector<16xf32>,
        %get3A_426 = arith.index_cast %scan3A_47 : i32 to index
        %get3A_427 = arith.constant 464 : index
        %get3A_428 = tpu.vector_load %arg14[%get3A_426, %get3A_427] {strides = array<i32>} : memref<40x512xf32, #tpu.memory_space<vmem>>, vector<16xf32>,
        %add3A_429 = arith.addf %get3A_425, %get3A_428 : vector<16xf32>
        %add3A_430 = arith.addf %add3A_429, %gather3A_80 : vector<16xf32>
        %add3A_431 = arith.addf %add3A_420, %add3A_430 : vector<16xf32>
        %mul3A_432 = arith.mulf %add3A_430, %add3A_430 : vector<16xf32>
        %add3A_433 = arith.addf %add3A_422, %mul3A_432 : vector<16xf32>
        %get3A_434 = arith.index_cast %scan3A_47 : i32 to index
        %get3A_435 = arith.constant 480 : index
        %get3A_436 = tpu.vector_load %arg13[%get3A_434, %get3A_435] {strides = array<i32>} : memref<40x512xf32, #tpu.memory_space<vmem>>, vector<16xf32>,
        %get3A_437 = arith.index_cast %scan3A_47 : i32 to index
        %get3A_438 = arith.constant 480 : index
        %get3A_439 = tpu.vector_load %arg14[%get3A_437, %get3A_438] {strides = array<i32>} : memref<40x512xf32, #tpu.memory_space<vmem>>, vector<16xf32>,
        %add3A_440 = arith.addf %get3A_436, %get3A_439 : vector<16xf32>
        %add3A_441 = arith.addf %add3A_440, %gather3A_80 : vector<16xf32>
        %add3A_442 = arith.addf %add3A_431, %add3A_441 : vector<16xf32>
        %mul3A_443 = arith.mulf %add3A_441, %add3A_441 : vector<16xf32>
        %add3A_444 = arith.addf %add3A_433, %mul3A_443 : vector<16xf32>
        %get3A_445 = arith.index_cast %scan3A_47 : i32 to index
        %get3A_446 = arith.constant 496 : index
        %get3A_447 = tpu.vector_load %arg13[%get3A_445, %get3A_446] {strides = array<i32>} : memref<40x512xf32, #tpu.memory_space<vmem>>, vector<16xf32>,
        %get3A_448 = arith.index_cast %scan3A_47 : i32 to index
        %get3A_449 = arith.constant 496 : index
        %get3A_450 = tpu.vector_load %arg14[%get3A_448, %get3A_449] {strides = array<i32>} : memref<40x512xf32, #tpu.memory_space<vmem>>, vector<16xf32>,
        %add3A_451 = arith.addf %get3A_447, %get3A_450 : vector<16xf32>
        %add3A_452 = arith.addf %add3A_451, %gather3A_80 : vector<16xf32>
        %jit3A_453 = arith.constant 0.000000e+00 : f32
        %broadcast_in_dim3A_454 = vector.broadcast %jit3A_453 : f32 to vector<16xf32>
        %select_n3A_455 = arith.select %lt3A_4, %add3A_452, %broadcast_in_dim3A_454 : vector<16xi1>, vector<16xf32>
        %add3A_456 = arith.addf %add3A_442, %select_n3A_455 : vector<16xf32>
        %mul3A_457 = arith.mulf %select_n3A_455, %select_n3A_455 : vector<16xf32>
        %add3A_458 = arith.addf %add3A_444, %mul3A_457 : vector<16xf32>
        %broadcast_in_dim3A_459 = arith.constant true
        %broadcast_in_dim3A_460 = vector.broadcast %broadcast_in_dim3A_459 : i1 to vector<16xi1>
        %masked_cumsum3A = tpu.scan <sum>, %add3A_456 masked %broadcast_in_dim3A_460 : vector<16xf32>, vector<16xi1> -> vector<16xf32>
        %broadcast_in_dim3A_461 = arith.constant 15 : i32
        %broadcast_in_dim3A_462 = vector.broadcast %broadcast_in_dim3A_461 : i32 to vector<16x1xi32>
        %gather3A_463 = vector.shape_cast %broadcast_in_dim3A_462 : vector<16x1xi32> to vector<16xi32>
        %gather3A_464 = tpu.dynamic_gather %masked_cumsum3A[%gather3A_463] in [0] : vector<16xf32>, vector<16xi32> -> vector<16xf32>
        %mul3A_465 = arith.constant 0.00208333344 : f32
        %mul3A_466 = vector.broadcast %mul3A_465 : f32 to vector<16xf32>
        %mul3A_467 = arith.mulf %gather3A_464, %mul3A_466 : vector<16xf32>
        %broadcast_in_dim3A_468 = arith.constant true
        %broadcast_in_dim3A_469 = vector.broadcast %broadcast_in_dim3A_468 : i1 to vector<16xi1>
        %masked_cumsum3A_470 = tpu.scan <sum>, %add3A_458 masked %broadcast_in_dim3A_469 : vector<16xf32>, vector<16xi1> -> vector<16xf32>
        %broadcast_in_dim3A_471 = arith.constant 15 : i32
        %broadcast_in_dim3A_472 = vector.broadcast %broadcast_in_dim3A_471 : i32 to vector<16x1xi32>
        %gather3A_473 = vector.shape_cast %broadcast_in_dim3A_472 : vector<16x1xi32> to vector<16xi32>
        %gather3A_474 = tpu.dynamic_gather %masked_cumsum3A_470[%gather3A_473] in [0] : vector<16xf32>, vector<16xi32> -> vector<16xf32>
        %mul3A_475 = arith.constant 0.00208333344 : f32
        %mul3A_476 = vector.broadcast %mul3A_475 : f32 to vector<16xf32>
        %mul3A_477 = arith.mulf %gather3A_474, %mul3A_476 : vector<16xf32>
        %mul3A_478 = arith.mulf %mul3A_467, %mul3A_467 : vector<16xf32>
        %sub3A = arith.subf %mul3A_477, %mul3A_478 : vector<16xf32>
        %add3A_479 = arith.constant 9.99999974E-6 : f32
        %add3A_480 = vector.broadcast %add3A_479 : f32 to vector<16xf32>
        %add3A_481 = arith.addf %sub3A, %add3A_480 : vector<16xf32>
        %bitcast3A = vector.bitcast %add3A_481 : vector<16xf32> to vector<16xi32>
        %shift_right_arithmetic3A = arith.constant 1 : i32
        %shift_right_arithmetic3A_482 = vector.broadcast %shift_right_arithmetic3A : i32 to vector<16xi32>
        %shift_right_arithmetic3A_483 = arith.shrsi %bitcast3A, %shift_right_arithmetic3A_482 : vector<16xi32>
        %sub3A_484 = arith.constant 1597463007 : i32
        %sub3A_485 = vector.broadcast %sub3A_484 : i32 to vector<16xi32>
        %sub3A_486 = arith.subi %sub3A_485, %shift_right_arithmetic3A_483 : vector<16xi32>
        %bitcast3A_487 = vector.bitcast %sub3A_486 : vector<16xi32> to vector<16xf32>
        %mul3A_488 = arith.constant 5.000000e-01 : f32
        %mul3A_489 = vector.broadcast %mul3A_488 : f32 to vector<16xf32>
        %mul3A_490 = arith.mulf %mul3A_489, %add3A_481 : vector<16xf32>
        %mul3A_491 = arith.mulf %mul3A_490, %bitcast3A_487 : vector<16xf32>
        %mul3A_492 = arith.mulf %mul3A_491, %bitcast3A_487 : vector<16xf32>
        %sub3A_493 = arith.constant 1.500000e+00 : f32
        %sub3A_494 = vector.broadcast %sub3A_493 : f32 to vector<16xf32>
        %sub3A_495 = arith.subf %sub3A_494, %mul3A_492 : vector<16xf32>
        %mul3A_496 = arith.mulf %bitcast3A_487, %sub3A_495 : vector<16xf32>
        %mul3A_497 = arith.constant 5.000000e-01 : f32
        %mul3A_498 = vector.broadcast %mul3A_497 : f32 to vector<16xf32>
        %mul3A_499 = arith.mulf %mul3A_498, %add3A_481 : vector<16xf32>
        %mul3A_500 = arith.mulf %mul3A_499, %mul3A_496 : vector<16xf32>
        %mul3A_501 = arith.mulf %mul3A_500, %mul3A_496 : vector<16xf32>
        %sub3A_502 = arith.constant 1.500000e+00 : f32
        %sub3A_503 = vector.broadcast %sub3A_502 : f32 to vector<16xf32>
        %sub3A_504 = arith.subf %sub3A_503, %mul3A_501 : vector<16xf32>
        %mul3A_505 = arith.mulf %mul3A_496, %sub3A_504 : vector<16xf32>
        %mul3A_506 = arith.constant 5.000000e-01 : f32
        %mul3A_507 = vector.broadcast %mul3A_506 : f32 to vector<16xf32>
        %mul3A_508 = arith.mulf %mul3A_507, %add3A_481 : vector<16xf32>
        %mul3A_509 = arith.mulf %mul3A_508, %mul3A_505 : vector<16xf32>
        %mul3A_510 = arith.mulf %mul3A_509, %mul3A_505 : vector<16xf32>
        %sub3A_511 = arith.constant 1.500000e+00 : f32
        %sub3A_512 = vector.broadcast %sub3A_511 : f32 to vector<16xf32>
        %sub3A_513 = arith.subf %sub3A_512, %mul3A_510 : vector<16xf32>
        %mul3A_514 = arith.mulf %mul3A_505, %sub3A_513 : vector<16xf32>
        %sub3A_515 = arith.subf %add3A_92, %mul3A_467 : vector<16xf32>
        %mul3A_516 = arith.mulf %sub3A_515, %mul3A_514 : vector<16xf32>
        %get3A_517 = arith.constant 0 : index
        %get3A_518 = tpu.vector_load %arg16[%get3A_517] {strides = array<i32>} : memref<512xf32, #tpu.memory_space<vmem>>, vector<16xf32>,
        %mul3A_519 = arith.mulf %mul3A_516, %get3A_518 : vector<16xf32>
        %get3A_520 = arith.constant 0 : index
        %get3A_521 = tpu.vector_load %arg17[%get3A_520] {strides = array<i32>} : memref<512xf32, #tpu.memory_space<vmem>>, vector<16xf32>,
        %add3A_522 = arith.addf %mul3A_519, %get3A_521 : vector<16xf32>
        %max3A = arith.constant 0.000000e+00 : f32
        %max3A_523 = vector.broadcast %max3A : f32 to vector<16xf32>
        %max3A_524 = arith.maximumf %add3A_522, %max3A_523 : vector<16xf32>
        %swap3A = arith.constant 0 : i32
        %swap3A_525 = arith.index_cast %swap3A : i32 to index
        %swap3A_526 = arith.index_cast %scan3A_47 : i32 to index
        %swap3A_527 = arith.constant 0 : index
        %swap3A_528 = tpu.vector_load %arg15[%swap3A_525, %swap3A_526, %swap3A_527] {strides = array<i32>} : memref<8x40x64xf32, #tpu.memory_space<vmem>>, vector<16xf32>,
        tpu.vector_store %arg15[%swap3A_525, %swap3A_526, %swap3A_527], %max3A_524 {strides = array<i32>} : memref<8x40x64xf32, #tpu.memory_space<vmem>>, vector<16xf32>,
        %sub3A_529 = arith.subf %add3A_103, %mul3A_467 : vector<16xf32>
        %mul3A_530 = arith.mulf %sub3A_529, %mul3A_514 : vector<16xf32>
        %get3A_531 = arith.constant 16 : index
        %get3A_532 = tpu.vector_load %arg16[%get3A_531] {strides = array<i32>} : memref<512xf32, #tpu.memory_space<vmem>>, vector<16xf32>,
        %mul3A_533 = arith.mulf %mul3A_530, %get3A_532 : vector<16xf32>
        %get3A_534 = arith.constant 16 : index
        %get3A_535 = tpu.vector_load %arg17[%get3A_534] {strides = array<i32>} : memref<512xf32, #tpu.memory_space<vmem>>, vector<16xf32>,
        %add3A_536 = arith.addf %mul3A_533, %get3A_535 : vector<16xf32>
        %max3A_537 = arith.constant 0.000000e+00 : f32
        %max3A_538 = vector.broadcast %max3A_537 : f32 to vector<16xf32>
        %max3A_539 = arith.maximumf %add3A_536, %max3A_538 : vector<16xf32>
        %swap3A_540 = arith.constant 0 : i32
        %swap3A_541 = arith.index_cast %swap3A_540 : i32 to index
        %swap3A_542 = arith.index_cast %scan3A_47 : i32 to index
        %swap3A_543 = arith.constant 16 : index
        %swap3A_544 = tpu.vector_load %arg15[%swap3A_541, %swap3A_542, %swap3A_543] {strides = array<i32>} : memref<8x40x64xf32, #tpu.memory_space<vmem>>, vector<16xf32>,
        tpu.vector_store %arg15[%swap3A_541, %swap3A_542, %swap3A_543], %max3A_539 {strides = array<i32>} : memref<8x40x64xf32, #tpu.memory_space<vmem>>, vector<16xf32>,
        %sub3A_545 = arith.subf %add3A_114, %mul3A_467 : vector<16xf32>
        %mul3A_546 = arith.mulf %sub3A_545, %mul3A_514 : vector<16xf32>
        %get3A_547 = arith.constant 32 : index
        %get3A_548 = tpu.vector_load %arg16[%get3A_547] {strides = array<i32>} : memref<512xf32, #tpu.memory_space<vmem>>, vector<16xf32>,
        %mul3A_549 = arith.mulf %mul3A_546, %get3A_548 : vector<16xf32>
        %get3A_550 = arith.constant 32 : index
        %get3A_551 = tpu.vector_load %arg17[%get3A_550] {strides = array<i32>} : memref<512xf32, #tpu.memory_space<vmem>>, vector<16xf32>,
        %add3A_552 = arith.addf %mul3A_549, %get3A_551 : vector<16xf32>
        %max3A_553 = arith.constant 0.000000e+00 : f32
        %max3A_554 = vector.broadcast %max3A_553 : f32 to vector<16xf32>
        %max3A_555 = arith.maximumf %add3A_552, %max3A_554 : vector<16xf32>
        %swap3A_556 = arith.constant 0 : i32
        %swap3A_557 = arith.index_cast %swap3A_556 : i32 to index
        %swap3A_558 = arith.index_cast %scan3A_47 : i32 to index
        %swap3A_559 = arith.constant 32 : index
        %swap3A_560 = tpu.vector_load %arg15[%swap3A_557, %swap3A_558, %swap3A_559] {strides = array<i32>} : memref<8x40x64xf32, #tpu.memory_space<vmem>>, vector<16xf32>,
        tpu.vector_store %arg15[%swap3A_557, %swap3A_558, %swap3A_559], %max3A_555 {strides = array<i32>} : memref<8x40x64xf32, #tpu.memory_space<vmem>>, vector<16xf32>,
        %sub3A_561 = arith.subf %select_n3A, %mul3A_467 : vector<16xf32>
        %mul3A_562 = arith.mulf %sub3A_561, %mul3A_514 : vector<16xf32>
        %get3A_563 = arith.constant 48 : index
        %get3A_564 = tpu.vector_load %arg16[%get3A_563] {strides = array<i32>} : memref<512xf32, #tpu.memory_space<vmem>>, vector<16xf32>,
        %mul3A_565 = arith.mulf %mul3A_562, %get3A_564 : vector<16xf32>
        %get3A_566 = arith.constant 48 : index
        %get3A_567 = tpu.vector_load %arg17[%get3A_566] {strides = array<i32>} : memref<512xf32, #tpu.memory_space<vmem>>, vector<16xf32>,
        %add3A_568 = arith.addf %mul3A_565, %get3A_567 : vector<16xf32>
        %max3A_569 = arith.constant 0.000000e+00 : f32
        %max3A_570 = vector.broadcast %max3A_569 : f32 to vector<16xf32>
        %max3A_571 = arith.maximumf %add3A_568, %max3A_570 : vector<16xf32>
        %swap3A_572 = arith.constant 0 : i32
        %swap3A_573 = arith.index_cast %swap3A_572 : i32 to index
        %swap3A_574 = arith.index_cast %scan3A_47 : i32 to index
        %swap3A_575 = arith.constant 48 : index
        %swap3A_576 = tpu.vector_load %arg15[%swap3A_573, %swap3A_574, %swap3A_575] {strides = array<i32>} : memref<8x40x64xf32, #tpu.memory_space<vmem>>, vector<16xf32>,
        tpu.vector_store %arg15[%swap3A_573, %swap3A_574, %swap3A_575], %max3A_571 {strides = array<i32>} : memref<8x40x64xf32, #tpu.memory_space<vmem>>, vector<16xf32>,
        %sub3A_577 = arith.subf %add3A_137, %mul3A_467 : vector<16xf32>
        %mul3A_578 = arith.mulf %sub3A_577, %mul3A_514 : vector<16xf32>
        %get3A_579 = arith.constant 64 : index
        %get3A_580 = tpu.vector_load %arg16[%get3A_579] {strides = array<i32>} : memref<512xf32, #tpu.memory_space<vmem>>, vector<16xf32>,
        %mul3A_581 = arith.mulf %mul3A_578, %get3A_580 : vector<16xf32>
        %get3A_582 = arith.constant 64 : index
        %get3A_583 = tpu.vector_load %arg17[%get3A_582] {strides = array<i32>} : memref<512xf32, #tpu.memory_space<vmem>>, vector<16xf32>,
        %add3A_584 = arith.addf %mul3A_581, %get3A_583 : vector<16xf32>
        %max3A_585 = arith.constant 0.000000e+00 : f32
        %max3A_586 = vector.broadcast %max3A_585 : f32 to vector<16xf32>
        %max3A_587 = arith.maximumf %add3A_584, %max3A_586 : vector<16xf32>
        %swap3A_588 = arith.constant 1 : i32
        %swap3A_589 = arith.index_cast %swap3A_588 : i32 to index
        %swap3A_590 = arith.index_cast %scan3A_47 : i32 to index
        %swap3A_591 = arith.constant 0 : index
        %swap3A_592 = tpu.vector_load %arg15[%swap3A_589, %swap3A_590, %swap3A_591] {strides = array<i32>} : memref<8x40x64xf32, #tpu.memory_space<vmem>>, vector<16xf32>,
        tpu.vector_store %arg15[%swap3A_589, %swap3A_590, %swap3A_591], %max3A_587 {strides = array<i32>} : memref<8x40x64xf32, #tpu.memory_space<vmem>>, vector<16xf32>,
        %sub3A_593 = arith.subf %add3A_148, %mul3A_467 : vector<16xf32>
        %mul3A_594 = arith.mulf %sub3A_593, %mul3A_514 : vector<16xf32>
        %get3A_595 = arith.constant 80 : index
        %get3A_596 = tpu.vector_load %arg16[%get3A_595] {strides = array<i32>} : memref<512xf32, #tpu.memory_space<vmem>>, vector<16xf32>,
        %mul3A_597 = arith.mulf %mul3A_594, %get3A_596 : vector<16xf32>
        %get3A_598 = arith.constant 80 : index
        %get3A_599 = tpu.vector_load %arg17[%get3A_598] {strides = array<i32>} : memref<512xf32, #tpu.memory_space<vmem>>, vector<16xf32>,
        %add3A_600 = arith.addf %mul3A_597, %get3A_599 : vector<16xf32>
        %max3A_601 = arith.constant 0.000000e+00 : f32
        %max3A_602 = vector.broadcast %max3A_601 : f32 to vector<16xf32>
        %max3A_603 = arith.maximumf %add3A_600, %max3A_602 : vector<16xf32>
        %swap3A_604 = arith.constant 1 : i32
        %swap3A_605 = arith.index_cast %swap3A_604 : i32 to index
        %swap3A_606 = arith.index_cast %scan3A_47 : i32 to index
        %swap3A_607 = arith.constant 16 : index
        %swap3A_608 = tpu.vector_load %arg15[%swap3A_605, %swap3A_606, %swap3A_607] {strides = array<i32>} : memref<8x40x64xf32, #tpu.memory_space<vmem>>, vector<16xf32>,
        tpu.vector_store %arg15[%swap3A_605, %swap3A_606, %swap3A_607], %max3A_603 {strides = array<i32>} : memref<8x40x64xf32, #tpu.memory_space<vmem>>, vector<16xf32>,
        %sub3A_609 = arith.subf %add3A_159, %mul3A_467 : vector<16xf32>
        %mul3A_610 = arith.mulf %sub3A_609, %mul3A_514 : vector<16xf32>
        %get3A_611 = arith.constant 96 : index
        %get3A_612 = tpu.vector_load %arg16[%get3A_611] {strides = array<i32>} : memref<512xf32, #tpu.memory_space<vmem>>, vector<16xf32>,
        %mul3A_613 = arith.mulf %mul3A_610, %get3A_612 : vector<16xf32>
        %get3A_614 = arith.constant 96 : index
        %get3A_615 = tpu.vector_load %arg17[%get3A_614] {strides = array<i32>} : memref<512xf32, #tpu.memory_space<vmem>>, vector<16xf32>,
        %add3A_616 = arith.addf %mul3A_613, %get3A_615 : vector<16xf32>
        %max3A_617 = arith.constant 0.000000e+00 : f32
        %max3A_618 = vector.broadcast %max3A_617 : f32 to vector<16xf32>
        %max3A_619 = arith.maximumf %add3A_616, %max3A_618 : vector<16xf32>
        %swap3A_620 = arith.constant 1 : i32
        %swap3A_621 = arith.index_cast %swap3A_620 : i32 to index
        %swap3A_622 = arith.index_cast %scan3A_47 : i32 to index
        %swap3A_623 = arith.constant 32 : index
        %swap3A_624 = tpu.vector_load %arg15[%swap3A_621, %swap3A_622, %swap3A_623] {strides = array<i32>} : memref<8x40x64xf32, #tpu.memory_space<vmem>>, vector<16xf32>,
        tpu.vector_store %arg15[%swap3A_621, %swap3A_622, %swap3A_623], %max3A_619 {strides = array<i32>} : memref<8x40x64xf32, #tpu.memory_space<vmem>>, vector<16xf32>,
        %sub3A_625 = arith.subf %select_n3A_173, %mul3A_467 : vector<16xf32>
        %mul3A_626 = arith.mulf %sub3A_625, %mul3A_514 : vector<16xf32>
        %get3A_627 = arith.constant 112 : index
        %get3A_628 = tpu.vector_load %arg16[%get3A_627] {strides = array<i32>} : memref<512xf32, #tpu.memory_space<vmem>>, vector<16xf32>,
        %mul3A_629 = arith.mulf %mul3A_626, %get3A_628 : vector<16xf32>
        %get3A_630 = arith.constant 112 : index
        %get3A_631 = tpu.vector_load %arg17[%get3A_630] {strides = array<i32>} : memref<512xf32, #tpu.memory_space<vmem>>, vector<16xf32>,
        %add3A_632 = arith.addf %mul3A_629, %get3A_631 : vector<16xf32>
        %max3A_633 = arith.constant 0.000000e+00 : f32
        %max3A_634 = vector.broadcast %max3A_633 : f32 to vector<16xf32>
        %max3A_635 = arith.maximumf %add3A_632, %max3A_634 : vector<16xf32>
        %swap3A_636 = arith.constant 1 : i32
        %swap3A_637 = arith.index_cast %swap3A_636 : i32 to index
        %swap3A_638 = arith.index_cast %scan3A_47 : i32 to index
        %swap3A_639 = arith.constant 48 : index
        %swap3A_640 = tpu.vector_load %arg15[%swap3A_637, %swap3A_638, %swap3A_639] {strides = array<i32>} : memref<8x40x64xf32, #tpu.memory_space<vmem>>, vector<16xf32>,
        tpu.vector_store %arg15[%swap3A_637, %swap3A_638, %swap3A_639], %max3A_635 {strides = array<i32>} : memref<8x40x64xf32, #tpu.memory_space<vmem>>, vector<16xf32>,
        %sub3A_641 = arith.subf %add3A_184, %mul3A_467 : vector<16xf32>
        %mul3A_642 = arith.mulf %sub3A_641, %mul3A_514 : vector<16xf32>
        %get3A_643 = arith.constant 128 : index
        %get3A_644 = tpu.vector_load %arg16[%get3A_643] {strides = array<i32>} : memref<512xf32, #tpu.memory_space<vmem>>, vector<16xf32>,
        %mul3A_645 = arith.mulf %mul3A_642, %get3A_644 : vector<16xf32>
        %get3A_646 = arith.constant 128 : index
        %get3A_647 = tpu.vector_load %arg17[%get3A_646] {strides = array<i32>} : memref<512xf32, #tpu.memory_space<vmem>>, vector<16xf32>,
        %add3A_648 = arith.addf %mul3A_645, %get3A_647 : vector<16xf32>
        %max3A_649 = arith.constant 0.000000e+00 : f32
        %max3A_650 = vector.broadcast %max3A_649 : f32 to vector<16xf32>
        %max3A_651 = arith.maximumf %add3A_648, %max3A_650 : vector<16xf32>
        %swap3A_652 = arith.constant 2 : i32
        %swap3A_653 = arith.index_cast %swap3A_652 : i32 to index
        %swap3A_654 = arith.index_cast %scan3A_47 : i32 to index
        %swap3A_655 = arith.constant 0 : index
        %swap3A_656 = tpu.vector_load %arg15[%swap3A_653, %swap3A_654, %swap3A_655] {strides = array<i32>} : memref<8x40x64xf32, #tpu.memory_space<vmem>>, vector<16xf32>,
        tpu.vector_store %arg15[%swap3A_653, %swap3A_654, %swap3A_655], %max3A_651 {strides = array<i32>} : memref<8x40x64xf32, #tpu.memory_space<vmem>>, vector<16xf32>,
        %sub3A_657 = arith.subf %add3A_195, %mul3A_467 : vector<16xf32>
        %mul3A_658 = arith.mulf %sub3A_657, %mul3A_514 : vector<16xf32>
        %get3A_659 = arith.constant 144 : index
        %get3A_660 = tpu.vector_load %arg16[%get3A_659] {strides = array<i32>} : memref<512xf32, #tpu.memory_space<vmem>>, vector<16xf32>,
        %mul3A_661 = arith.mulf %mul3A_658, %get3A_660 : vector<16xf32>
        %get3A_662 = arith.constant 144 : index
        %get3A_663 = tpu.vector_load %arg17[%get3A_662] {strides = array<i32>} : memref<512xf32, #tpu.memory_space<vmem>>, vector<16xf32>,
        %add3A_664 = arith.addf %mul3A_661, %get3A_663 : vector<16xf32>
        %max3A_665 = arith.constant 0.000000e+00 : f32
        %max3A_666 = vector.broadcast %max3A_665 : f32 to vector<16xf32>
        %max3A_667 = arith.maximumf %add3A_664, %max3A_666 : vector<16xf32>
        %swap3A_668 = arith.constant 2 : i32
        %swap3A_669 = arith.index_cast %swap3A_668 : i32 to index
        %swap3A_670 = arith.index_cast %scan3A_47 : i32 to index
        %swap3A_671 = arith.constant 16 : index
        %swap3A_672 = tpu.vector_load %arg15[%swap3A_669, %swap3A_670, %swap3A_671] {strides = array<i32>} : memref<8x40x64xf32, #tpu.memory_space<vmem>>, vector<16xf32>,
        tpu.vector_store %arg15[%swap3A_669, %swap3A_670, %swap3A_671], %max3A_667 {strides = array<i32>} : memref<8x40x64xf32, #tpu.memory_space<vmem>>, vector<16xf32>,
        %sub3A_673 = arith.subf %add3A_206, %mul3A_467 : vector<16xf32>
        %mul3A_674 = arith.mulf %sub3A_673, %mul3A_514 : vector<16xf32>
        %get3A_675 = arith.constant 160 : index
        %get3A_676 = tpu.vector_load %arg16[%get3A_675] {strides = array<i32>} : memref<512xf32, #tpu.memory_space<vmem>>, vector<16xf32>,
        %mul3A_677 = arith.mulf %mul3A_674, %get3A_676 : vector<16xf32>
        %get3A_678 = arith.constant 160 : index
        %get3A_679 = tpu.vector_load %arg17[%get3A_678] {strides = array<i32>} : memref<512xf32, #tpu.memory_space<vmem>>, vector<16xf32>,
        %add3A_680 = arith.addf %mul3A_677, %get3A_679 : vector<16xf32>
        %max3A_681 = arith.constant 0.000000e+00 : f32
        %max3A_682 = vector.broadcast %max3A_681 : f32 to vector<16xf32>
        %max3A_683 = arith.maximumf %add3A_680, %max3A_682 : vector<16xf32>
        %swap3A_684 = arith.constant 2 : i32
        %swap3A_685 = arith.index_cast %swap3A_684 : i32 to index
        %swap3A_686 = arith.index_cast %scan3A_47 : i32 to index
        %swap3A_687 = arith.constant 32 : index
        %swap3A_688 = tpu.vector_load %arg15[%swap3A_685, %swap3A_686, %swap3A_687] {strides = array<i32>} : memref<8x40x64xf32, #tpu.memory_space<vmem>>, vector<16xf32>,
        tpu.vector_store %arg15[%swap3A_685, %swap3A_686, %swap3A_687], %max3A_683 {strides = array<i32>} : memref<8x40x64xf32, #tpu.memory_space<vmem>>, vector<16xf32>,
        %sub3A_689 = arith.subf %select_n3A_220, %mul3A_467 : vector<16xf32>
        %mul3A_690 = arith.mulf %sub3A_689, %mul3A_514 : vector<16xf32>
        %get3A_691 = arith.constant 176 : index
        %get3A_692 = tpu.vector_load %arg16[%get3A_691] {strides = array<i32>} : memref<512xf32, #tpu.memory_space<vmem>>, vector<16xf32>,
        %mul3A_693 = arith.mulf %mul3A_690, %get3A_692 : vector<16xf32>
        %get3A_694 = arith.constant 176 : index
        %get3A_695 = tpu.vector_load %arg17[%get3A_694] {strides = array<i32>} : memref<512xf32, #tpu.memory_space<vmem>>, vector<16xf32>,
        %add3A_696 = arith.addf %mul3A_693, %get3A_695 : vector<16xf32>
        %max3A_697 = arith.constant 0.000000e+00 : f32
        %max3A_698 = vector.broadcast %max3A_697 : f32 to vector<16xf32>
        %max3A_699 = arith.maximumf %add3A_696, %max3A_698 : vector<16xf32>
        %swap3A_700 = arith.constant 2 : i32
        %swap3A_701 = arith.index_cast %swap3A_700 : i32 to index
        %swap3A_702 = arith.index_cast %scan3A_47 : i32 to index
        %swap3A_703 = arith.constant 48 : index
        %swap3A_704 = tpu.vector_load %arg15[%swap3A_701, %swap3A_702, %swap3A_703] {strides = array<i32>} : memref<8x40x64xf32, #tpu.memory_space<vmem>>, vector<16xf32>,
        tpu.vector_store %arg15[%swap3A_701, %swap3A_702, %swap3A_703], %max3A_699 {strides = array<i32>} : memref<8x40x64xf32, #tpu.memory_space<vmem>>, vector<16xf32>,
        %sub3A_705 = arith.subf %add3A_231, %mul3A_467 : vector<16xf32>
        %mul3A_706 = arith.mulf %sub3A_705, %mul3A_514 : vector<16xf32>
        %get3A_707 = arith.constant 192 : index
        %get3A_708 = tpu.vector_load %arg16[%get3A_707] {strides = array<i32>} : memref<512xf32, #tpu.memory_space<vmem>>, vector<16xf32>,
        %mul3A_709 = arith.mulf %mul3A_706, %get3A_708 : vector<16xf32>
        %get3A_710 = arith.constant 192 : index
        %get3A_711 = tpu.vector_load %arg17[%get3A_710] {strides = array<i32>} : memref<512xf32, #tpu.memory_space<vmem>>, vector<16xf32>,
        %add3A_712 = arith.addf %mul3A_709, %get3A_711 : vector<16xf32>
        %max3A_713 = arith.constant 0.000000e+00 : f32
        %max3A_714 = vector.broadcast %max3A_713 : f32 to vector<16xf32>
        %max3A_715 = arith.maximumf %add3A_712, %max3A_714 : vector<16xf32>
        %swap3A_716 = arith.constant 3 : i32
        %swap3A_717 = arith.index_cast %swap3A_716 : i32 to index
        %swap3A_718 = arith.index_cast %scan3A_47 : i32 to index
        %swap3A_719 = arith.constant 0 : index
        %swap3A_720 = tpu.vector_load %arg15[%swap3A_717, %swap3A_718, %swap3A_719] {strides = array<i32>} : memref<8x40x64xf32, #tpu.memory_space<vmem>>, vector<16xf32>,
        tpu.vector_store %arg15[%swap3A_717, %swap3A_718, %swap3A_719], %max3A_715 {strides = array<i32>} : memref<8x40x64xf32, #tpu.memory_space<vmem>>, vector<16xf32>,
        %sub3A_721 = arith.subf %add3A_242, %mul3A_467 : vector<16xf32>
        %mul3A_722 = arith.mulf %sub3A_721, %mul3A_514 : vector<16xf32>
        %get3A_723 = arith.constant 208 : index
        %get3A_724 = tpu.vector_load %arg16[%get3A_723] {strides = array<i32>} : memref<512xf32, #tpu.memory_space<vmem>>, vector<16xf32>,
        %mul3A_725 = arith.mulf %mul3A_722, %get3A_724 : vector<16xf32>
        %get3A_726 = arith.constant 208 : index
        %get3A_727 = tpu.vector_load %arg17[%get3A_726] {strides = array<i32>} : memref<512xf32, #tpu.memory_space<vmem>>, vector<16xf32>,
        %add3A_728 = arith.addf %mul3A_725, %get3A_727 : vector<16xf32>
        %max3A_729 = arith.constant 0.000000e+00 : f32
        %max3A_730 = vector.broadcast %max3A_729 : f32 to vector<16xf32>
        %max3A_731 = arith.maximumf %add3A_728, %max3A_730 : vector<16xf32>
        %swap3A_732 = arith.constant 3 : i32
        %swap3A_733 = arith.index_cast %swap3A_732 : i32 to index
        %swap3A_734 = arith.index_cast %scan3A_47 : i32 to index
        %swap3A_735 = arith.constant 16 : index
        %swap3A_736 = tpu.vector_load %arg15[%swap3A_733, %swap3A_734, %swap3A_735] {strides = array<i32>} : memref<8x40x64xf32, #tpu.memory_space<vmem>>, vector<16xf32>,
        tpu.vector_store %arg15[%swap3A_733, %swap3A_734, %swap3A_735], %max3A_731 {strides = array<i32>} : memref<8x40x64xf32, #tpu.memory_space<vmem>>, vector<16xf32>,
        %sub3A_737 = arith.subf %add3A_253, %mul3A_467 : vector<16xf32>
        %mul3A_738 = arith.mulf %sub3A_737, %mul3A_514 : vector<16xf32>
        %get3A_739 = arith.constant 224 : index
        %get3A_740 = tpu.vector_load %arg16[%get3A_739] {strides = array<i32>} : memref<512xf32, #tpu.memory_space<vmem>>, vector<16xf32>,
        %mul3A_741 = arith.mulf %mul3A_738, %get3A_740 : vector<16xf32>
        %get3A_742 = arith.constant 224 : index
        %get3A_743 = tpu.vector_load %arg17[%get3A_742] {strides = array<i32>} : memref<512xf32, #tpu.memory_space<vmem>>, vector<16xf32>,
        %add3A_744 = arith.addf %mul3A_741, %get3A_743 : vector<16xf32>
        %max3A_745 = arith.constant 0.000000e+00 : f32
        %max3A_746 = vector.broadcast %max3A_745 : f32 to vector<16xf32>
        %max3A_747 = arith.maximumf %add3A_744, %max3A_746 : vector<16xf32>
        %swap3A_748 = arith.constant 3 : i32
        %swap3A_749 = arith.index_cast %swap3A_748 : i32 to index
        %swap3A_750 = arith.index_cast %scan3A_47 : i32 to index
        %swap3A_751 = arith.constant 32 : index
        %swap3A_752 = tpu.vector_load %arg15[%swap3A_749, %swap3A_750, %swap3A_751] {strides = array<i32>} : memref<8x40x64xf32, #tpu.memory_space<vmem>>, vector<16xf32>,
        tpu.vector_store %arg15[%swap3A_749, %swap3A_750, %swap3A_751], %max3A_747 {strides = array<i32>} : memref<8x40x64xf32, #tpu.memory_space<vmem>>, vector<16xf32>,
        %sub3A_753 = arith.subf %select_n3A_267, %mul3A_467 : vector<16xf32>
        %mul3A_754 = arith.mulf %sub3A_753, %mul3A_514 : vector<16xf32>
        %get3A_755 = arith.constant 240 : index
        %get3A_756 = tpu.vector_load %arg16[%get3A_755] {strides = array<i32>} : memref<512xf32, #tpu.memory_space<vmem>>, vector<16xf32>,
        %mul3A_757 = arith.mulf %mul3A_754, %get3A_756 : vector<16xf32>
        %get3A_758 = arith.constant 240 : index
        %get3A_759 = tpu.vector_load %arg17[%get3A_758] {strides = array<i32>} : memref<512xf32, #tpu.memory_space<vmem>>, vector<16xf32>,
        %add3A_760 = arith.addf %mul3A_757, %get3A_759 : vector<16xf32>
        %max3A_761 = arith.constant 0.000000e+00 : f32
        %max3A_762 = vector.broadcast %max3A_761 : f32 to vector<16xf32>
        %max3A_763 = arith.maximumf %add3A_760, %max3A_762 : vector<16xf32>
        %swap3A_764 = arith.constant 3 : i32
        %swap3A_765 = arith.index_cast %swap3A_764 : i32 to index
        %swap3A_766 = arith.index_cast %scan3A_47 : i32 to index
        %swap3A_767 = arith.constant 48 : index
        %swap3A_768 = tpu.vector_load %arg15[%swap3A_765, %swap3A_766, %swap3A_767] {strides = array<i32>} : memref<8x40x64xf32, #tpu.memory_space<vmem>>, vector<16xf32>,
        tpu.vector_store %arg15[%swap3A_765, %swap3A_766, %swap3A_767], %max3A_763 {strides = array<i32>} : memref<8x40x64xf32, #tpu.memory_space<vmem>>, vector<16xf32>,
        %sub3A_769 = arith.subf %add3A_278, %mul3A_467 : vector<16xf32>
        %mul3A_770 = arith.mulf %sub3A_769, %mul3A_514 : vector<16xf32>
        %get3A_771 = arith.constant 256 : index
        %get3A_772 = tpu.vector_load %arg16[%get3A_771] {strides = array<i32>} : memref<512xf32, #tpu.memory_space<vmem>>, vector<16xf32>,
        %mul3A_773 = arith.mulf %mul3A_770, %get3A_772 : vector<16xf32>
        %get3A_774 = arith.constant 256 : index
        %get3A_775 = tpu.vector_load %arg17[%get3A_774] {strides = array<i32>} : memref<512xf32, #tpu.memory_space<vmem>>, vector<16xf32>,
        %add3A_776 = arith.addf %mul3A_773, %get3A_775 : vector<16xf32>
        %max3A_777 = arith.constant 0.000000e+00 : f32
        %max3A_778 = vector.broadcast %max3A_777 : f32 to vector<16xf32>
        %max3A_779 = arith.maximumf %add3A_776, %max3A_778 : vector<16xf32>
        %swap3A_780 = arith.constant 4 : i32
        %swap3A_781 = arith.index_cast %swap3A_780 : i32 to index
        %swap3A_782 = arith.index_cast %scan3A_47 : i32 to index
        %swap3A_783 = arith.constant 0 : index
        %swap3A_784 = tpu.vector_load %arg15[%swap3A_781, %swap3A_782, %swap3A_783] {strides = array<i32>} : memref<8x40x64xf32, #tpu.memory_space<vmem>>, vector<16xf32>,
        tpu.vector_store %arg15[%swap3A_781, %swap3A_782, %swap3A_783], %max3A_779 {strides = array<i32>} : memref<8x40x64xf32, #tpu.memory_space<vmem>>, vector<16xf32>,
        %sub3A_785 = arith.subf %add3A_289, %mul3A_467 : vector<16xf32>
        %mul3A_786 = arith.mulf %sub3A_785, %mul3A_514 : vector<16xf32>
        %get3A_787 = arith.constant 272 : index
        %get3A_788 = tpu.vector_load %arg16[%get3A_787] {strides = array<i32>} : memref<512xf32, #tpu.memory_space<vmem>>, vector<16xf32>,
        %mul3A_789 = arith.mulf %mul3A_786, %get3A_788 : vector<16xf32>
        %get3A_790 = arith.constant 272 : index
        %get3A_791 = tpu.vector_load %arg17[%get3A_790] {strides = array<i32>} : memref<512xf32, #tpu.memory_space<vmem>>, vector<16xf32>,
        %add3A_792 = arith.addf %mul3A_789, %get3A_791 : vector<16xf32>
        %max3A_793 = arith.constant 0.000000e+00 : f32
        %max3A_794 = vector.broadcast %max3A_793 : f32 to vector<16xf32>
        %max3A_795 = arith.maximumf %add3A_792, %max3A_794 : vector<16xf32>
        %swap3A_796 = arith.constant 4 : i32
        %swap3A_797 = arith.index_cast %swap3A_796 : i32 to index
        %swap3A_798 = arith.index_cast %scan3A_47 : i32 to index
        %swap3A_799 = arith.constant 16 : index
        %swap3A_800 = tpu.vector_load %arg15[%swap3A_797, %swap3A_798, %swap3A_799] {strides = array<i32>} : memref<8x40x64xf32, #tpu.memory_space<vmem>>, vector<16xf32>,
        tpu.vector_store %arg15[%swap3A_797, %swap3A_798, %swap3A_799], %max3A_795 {strides = array<i32>} : memref<8x40x64xf32, #tpu.memory_space<vmem>>, vector<16xf32>,
        %sub3A_801 = arith.subf %add3A_300, %mul3A_467 : vector<16xf32>
        %mul3A_802 = arith.mulf %sub3A_801, %mul3A_514 : vector<16xf32>
        %get3A_803 = arith.constant 288 : index
        %get3A_804 = tpu.vector_load %arg16[%get3A_803] {strides = array<i32>} : memref<512xf32, #tpu.memory_space<vmem>>, vector<16xf32>,
        %mul3A_805 = arith.mulf %mul3A_802, %get3A_804 : vector<16xf32>
        %get3A_806 = arith.constant 288 : index
        %get3A_807 = tpu.vector_load %arg17[%get3A_806] {strides = array<i32>} : memref<512xf32, #tpu.memory_space<vmem>>, vector<16xf32>,
        %add3A_808 = arith.addf %mul3A_805, %get3A_807 : vector<16xf32>
        %max3A_809 = arith.constant 0.000000e+00 : f32
        %max3A_810 = vector.broadcast %max3A_809 : f32 to vector<16xf32>
        %max3A_811 = arith.maximumf %add3A_808, %max3A_810 : vector<16xf32>
        %swap3A_812 = arith.constant 4 : i32
        %swap3A_813 = arith.index_cast %swap3A_812 : i32 to index
        %swap3A_814 = arith.index_cast %scan3A_47 : i32 to index
        %swap3A_815 = arith.constant 32 : index
        %swap3A_816 = tpu.vector_load %arg15[%swap3A_813, %swap3A_814, %swap3A_815] {strides = array<i32>} : memref<8x40x64xf32, #tpu.memory_space<vmem>>, vector<16xf32>,
        tpu.vector_store %arg15[%swap3A_813, %swap3A_814, %swap3A_815], %max3A_811 {strides = array<i32>} : memref<8x40x64xf32, #tpu.memory_space<vmem>>, vector<16xf32>,
        %sub3A_817 = arith.subf %select_n3A_314, %mul3A_467 : vector<16xf32>
        %mul3A_818 = arith.mulf %sub3A_817, %mul3A_514 : vector<16xf32>
        %get3A_819 = arith.constant 304 : index
        %get3A_820 = tpu.vector_load %arg16[%get3A_819] {strides = array<i32>} : memref<512xf32, #tpu.memory_space<vmem>>, vector<16xf32>,
        %mul3A_821 = arith.mulf %mul3A_818, %get3A_820 : vector<16xf32>
        %get3A_822 = arith.constant 304 : index
        %get3A_823 = tpu.vector_load %arg17[%get3A_822] {strides = array<i32>} : memref<512xf32, #tpu.memory_space<vmem>>, vector<16xf32>,
        %add3A_824 = arith.addf %mul3A_821, %get3A_823 : vector<16xf32>
        %max3A_825 = arith.constant 0.000000e+00 : f32
        %max3A_826 = vector.broadcast %max3A_825 : f32 to vector<16xf32>
        %max3A_827 = arith.maximumf %add3A_824, %max3A_826 : vector<16xf32>
        %swap3A_828 = arith.constant 4 : i32
        %swap3A_829 = arith.index_cast %swap3A_828 : i32 to index
        %swap3A_830 = arith.index_cast %scan3A_47 : i32 to index
        %swap3A_831 = arith.constant 48 : index
        %swap3A_832 = tpu.vector_load %arg15[%swap3A_829, %swap3A_830, %swap3A_831] {strides = array<i32>} : memref<8x40x64xf32, #tpu.memory_space<vmem>>, vector<16xf32>,
        tpu.vector_store %arg15[%swap3A_829, %swap3A_830, %swap3A_831], %max3A_827 {strides = array<i32>} : memref<8x40x64xf32, #tpu.memory_space<vmem>>, vector<16xf32>,
        %sub3A_833 = arith.subf %add3A_325, %mul3A_467 : vector<16xf32>
        %mul3A_834 = arith.mulf %sub3A_833, %mul3A_514 : vector<16xf32>
        %get3A_835 = arith.constant 320 : index
        %get3A_836 = tpu.vector_load %arg16[%get3A_835] {strides = array<i32>} : memref<512xf32, #tpu.memory_space<vmem>>, vector<16xf32>,
        %mul3A_837 = arith.mulf %mul3A_834, %get3A_836 : vector<16xf32>
        %get3A_838 = arith.constant 320 : index
        %get3A_839 = tpu.vector_load %arg17[%get3A_838] {strides = array<i32>} : memref<512xf32, #tpu.memory_space<vmem>>, vector<16xf32>,
        %add3A_840 = arith.addf %mul3A_837, %get3A_839 : vector<16xf32>
        %max3A_841 = arith.constant 0.000000e+00 : f32
        %max3A_842 = vector.broadcast %max3A_841 : f32 to vector<16xf32>
        %max3A_843 = arith.maximumf %add3A_840, %max3A_842 : vector<16xf32>
        %swap3A_844 = arith.constant 5 : i32
        %swap3A_845 = arith.index_cast %swap3A_844 : i32 to index
        %swap3A_846 = arith.index_cast %scan3A_47 : i32 to index
        %swap3A_847 = arith.constant 0 : index
        %swap3A_848 = tpu.vector_load %arg15[%swap3A_845, %swap3A_846, %swap3A_847] {strides = array<i32>} : memref<8x40x64xf32, #tpu.memory_space<vmem>>, vector<16xf32>,
        tpu.vector_store %arg15[%swap3A_845, %swap3A_846, %swap3A_847], %max3A_843 {strides = array<i32>} : memref<8x40x64xf32, #tpu.memory_space<vmem>>, vector<16xf32>,
        %sub3A_849 = arith.subf %add3A_336, %mul3A_467 : vector<16xf32>
        %mul3A_850 = arith.mulf %sub3A_849, %mul3A_514 : vector<16xf32>
        %get3A_851 = arith.constant 336 : index
        %get3A_852 = tpu.vector_load %arg16[%get3A_851] {strides = array<i32>} : memref<512xf32, #tpu.memory_space<vmem>>, vector<16xf32>,
        %mul3A_853 = arith.mulf %mul3A_850, %get3A_852 : vector<16xf32>
        %get3A_854 = arith.constant 336 : index
        %get3A_855 = tpu.vector_load %arg17[%get3A_854] {strides = array<i32>} : memref<512xf32, #tpu.memory_space<vmem>>, vector<16xf32>,
        %add3A_856 = arith.addf %mul3A_853, %get3A_855 : vector<16xf32>
        %max3A_857 = arith.constant 0.000000e+00 : f32
        %max3A_858 = vector.broadcast %max3A_857 : f32 to vector<16xf32>
        %max3A_859 = arith.maximumf %add3A_856, %max3A_858 : vector<16xf32>
        %swap3A_860 = arith.constant 5 : i32
        %swap3A_861 = arith.index_cast %swap3A_860 : i32 to index
        %swap3A_862 = arith.index_cast %scan3A_47 : i32 to index
        %swap3A_863 = arith.constant 16 : index
        %swap3A_864 = tpu.vector_load %arg15[%swap3A_861, %swap3A_862, %swap3A_863] {strides = array<i32>} : memref<8x40x64xf32, #tpu.memory_space<vmem>>, vector<16xf32>,
        tpu.vector_store %arg15[%swap3A_861, %swap3A_862, %swap3A_863], %max3A_859 {strides = array<i32>} : memref<8x40x64xf32, #tpu.memory_space<vmem>>, vector<16xf32>,
        %sub3A_865 = arith.subf %add3A_347, %mul3A_467 : vector<16xf32>
        %mul3A_866 = arith.mulf %sub3A_865, %mul3A_514 : vector<16xf32>
        %get3A_867 = arith.constant 352 : index
        %get3A_868 = tpu.vector_load %arg16[%get3A_867] {strides = array<i32>} : memref<512xf32, #tpu.memory_space<vmem>>, vector<16xf32>,
        %mul3A_869 = arith.mulf %mul3A_866, %get3A_868 : vector<16xf32>
        %get3A_870 = arith.constant 352 : index
        %get3A_871 = tpu.vector_load %arg17[%get3A_870] {strides = array<i32>} : memref<512xf32, #tpu.memory_space<vmem>>, vector<16xf32>,
        %add3A_872 = arith.addf %mul3A_869, %get3A_871 : vector<16xf32>
        %max3A_873 = arith.constant 0.000000e+00 : f32
        %max3A_874 = vector.broadcast %max3A_873 : f32 to vector<16xf32>
        %max3A_875 = arith.maximumf %add3A_872, %max3A_874 : vector<16xf32>
        %swap3A_876 = arith.constant 5 : i32
        %swap3A_877 = arith.index_cast %swap3A_876 : i32 to index
        %swap3A_878 = arith.index_cast %scan3A_47 : i32 to index
        %swap3A_879 = arith.constant 32 : index
        %swap3A_880 = tpu.vector_load %arg15[%swap3A_877, %swap3A_878, %swap3A_879] {strides = array<i32>} : memref<8x40x64xf32, #tpu.memory_space<vmem>>, vector<16xf32>,
        tpu.vector_store %arg15[%swap3A_877, %swap3A_878, %swap3A_879], %max3A_875 {strides = array<i32>} : memref<8x40x64xf32, #tpu.memory_space<vmem>>, vector<16xf32>,
        %sub3A_881 = arith.subf %select_n3A_361, %mul3A_467 : vector<16xf32>
        %mul3A_882 = arith.mulf %sub3A_881, %mul3A_514 : vector<16xf32>
        %get3A_883 = arith.constant 368 : index
        %get3A_884 = tpu.vector_load %arg16[%get3A_883] {strides = array<i32>} : memref<512xf32, #tpu.memory_space<vmem>>, vector<16xf32>,
        %mul3A_885 = arith.mulf %mul3A_882, %get3A_884 : vector<16xf32>
        %get3A_886 = arith.constant 368 : index
        %get3A_887 = tpu.vector_load %arg17[%get3A_886] {strides = array<i32>} : memref<512xf32, #tpu.memory_space<vmem>>, vector<16xf32>,
        %add3A_888 = arith.addf %mul3A_885, %get3A_887 : vector<16xf32>
        %max3A_889 = arith.constant 0.000000e+00 : f32
        %max3A_890 = vector.broadcast %max3A_889 : f32 to vector<16xf32>
        %max3A_891 = arith.maximumf %add3A_888, %max3A_890 : vector<16xf32>
        %swap3A_892 = arith.constant 5 : i32
        %swap3A_893 = arith.index_cast %swap3A_892 : i32 to index
        %swap3A_894 = arith.index_cast %scan3A_47 : i32 to index
        %swap3A_895 = arith.constant 48 : index
        %swap3A_896 = tpu.vector_load %arg15[%swap3A_893, %swap3A_894, %swap3A_895] {strides = array<i32>} : memref<8x40x64xf32, #tpu.memory_space<vmem>>, vector<16xf32>,
        tpu.vector_store %arg15[%swap3A_893, %swap3A_894, %swap3A_895], %max3A_891 {strides = array<i32>} : memref<8x40x64xf32, #tpu.memory_space<vmem>>, vector<16xf32>,
        %sub3A_897 = arith.subf %add3A_372, %mul3A_467 : vector<16xf32>
        %mul3A_898 = arith.mulf %sub3A_897, %mul3A_514 : vector<16xf32>
        %get3A_899 = arith.constant 384 : index
        %get3A_900 = tpu.vector_load %arg16[%get3A_899] {strides = array<i32>} : memref<512xf32, #tpu.memory_space<vmem>>, vector<16xf32>,
        %mul3A_901 = arith.mulf %mul3A_898, %get3A_900 : vector<16xf32>
        %get3A_902 = arith.constant 384 : index
        %get3A_903 = tpu.vector_load %arg17[%get3A_902] {strides = array<i32>} : memref<512xf32, #tpu.memory_space<vmem>>, vector<16xf32>,
        %add3A_904 = arith.addf %mul3A_901, %get3A_903 : vector<16xf32>
        %max3A_905 = arith.constant 0.000000e+00 : f32
        %max3A_906 = vector.broadcast %max3A_905 : f32 to vector<16xf32>
        %max3A_907 = arith.maximumf %add3A_904, %max3A_906 : vector<16xf32>
        %swap3A_908 = arith.constant 6 : i32
        %swap3A_909 = arith.index_cast %swap3A_908 : i32 to index
        %swap3A_910 = arith.index_cast %scan3A_47 : i32 to index
        %swap3A_911 = arith.constant 0 : index
        %swap3A_912 = tpu.vector_load %arg15[%swap3A_909, %swap3A_910, %swap3A_911] {strides = array<i32>} : memref<8x40x64xf32, #tpu.memory_space<vmem>>, vector<16xf32>,
        tpu.vector_store %arg15[%swap3A_909, %swap3A_910, %swap3A_911], %max3A_907 {strides = array<i32>} : memref<8x40x64xf32, #tpu.memory_space<vmem>>, vector<16xf32>,
        %sub3A_913 = arith.subf %add3A_383, %mul3A_467 : vector<16xf32>
        %mul3A_914 = arith.mulf %sub3A_913, %mul3A_514 : vector<16xf32>
        %get3A_915 = arith.constant 400 : index
        %get3A_916 = tpu.vector_load %arg16[%get3A_915] {strides = array<i32>} : memref<512xf32, #tpu.memory_space<vmem>>, vector<16xf32>,
        %mul3A_917 = arith.mulf %mul3A_914, %get3A_916 : vector<16xf32>
        %get3A_918 = arith.constant 400 : index
        %get3A_919 = tpu.vector_load %arg17[%get3A_918] {strides = array<i32>} : memref<512xf32, #tpu.memory_space<vmem>>, vector<16xf32>,
        %add3A_920 = arith.addf %mul3A_917, %get3A_919 : vector<16xf32>
        %max3A_921 = arith.constant 0.000000e+00 : f32
        %max3A_922 = vector.broadcast %max3A_921 : f32 to vector<16xf32>
        %max3A_923 = arith.maximumf %add3A_920, %max3A_922 : vector<16xf32>
        %swap3A_924 = arith.constant 6 : i32
        %swap3A_925 = arith.index_cast %swap3A_924 : i32 to index
        %swap3A_926 = arith.index_cast %scan3A_47 : i32 to index
        %swap3A_927 = arith.constant 16 : index
        %swap3A_928 = tpu.vector_load %arg15[%swap3A_925, %swap3A_926, %swap3A_927] {strides = array<i32>} : memref<8x40x64xf32, #tpu.memory_space<vmem>>, vector<16xf32>,
        tpu.vector_store %arg15[%swap3A_925, %swap3A_926, %swap3A_927], %max3A_923 {strides = array<i32>} : memref<8x40x64xf32, #tpu.memory_space<vmem>>, vector<16xf32>,
        %sub3A_929 = arith.subf %add3A_394, %mul3A_467 : vector<16xf32>
        %mul3A_930 = arith.mulf %sub3A_929, %mul3A_514 : vector<16xf32>
        %get3A_931 = arith.constant 416 : index
        %get3A_932 = tpu.vector_load %arg16[%get3A_931] {strides = array<i32>} : memref<512xf32, #tpu.memory_space<vmem>>, vector<16xf32>,
        %mul3A_933 = arith.mulf %mul3A_930, %get3A_932 : vector<16xf32>
        %get3A_934 = arith.constant 416 : index
        %get3A_935 = tpu.vector_load %arg17[%get3A_934] {strides = array<i32>} : memref<512xf32, #tpu.memory_space<vmem>>, vector<16xf32>,
        %add3A_936 = arith.addf %mul3A_933, %get3A_935 : vector<16xf32>
        %max3A_937 = arith.constant 0.000000e+00 : f32
        %max3A_938 = vector.broadcast %max3A_937 : f32 to vector<16xf32>
        %max3A_939 = arith.maximumf %add3A_936, %max3A_938 : vector<16xf32>
        %swap3A_940 = arith.constant 6 : i32
        %swap3A_941 = arith.index_cast %swap3A_940 : i32 to index
        %swap3A_942 = arith.index_cast %scan3A_47 : i32 to index
        %swap3A_943 = arith.constant 32 : index
        %swap3A_944 = tpu.vector_load %arg15[%swap3A_941, %swap3A_942, %swap3A_943] {strides = array<i32>} : memref<8x40x64xf32, #tpu.memory_space<vmem>>, vector<16xf32>,
        tpu.vector_store %arg15[%swap3A_941, %swap3A_942, %swap3A_943], %max3A_939 {strides = array<i32>} : memref<8x40x64xf32, #tpu.memory_space<vmem>>, vector<16xf32>,
        %sub3A_945 = arith.subf %select_n3A_408, %mul3A_467 : vector<16xf32>
        %mul3A_946 = arith.mulf %sub3A_945, %mul3A_514 : vector<16xf32>
        %get3A_947 = arith.constant 432 : index
        %get3A_948 = tpu.vector_load %arg16[%get3A_947] {strides = array<i32>} : memref<512xf32, #tpu.memory_space<vmem>>, vector<16xf32>,
        %mul3A_949 = arith.mulf %mul3A_946, %get3A_948 : vector<16xf32>
        %get3A_950 = arith.constant 432 : index
        %get3A_951 = tpu.vector_load %arg17[%get3A_950] {strides = array<i32>} : memref<512xf32, #tpu.memory_space<vmem>>, vector<16xf32>,
        %add3A_952 = arith.addf %mul3A_949, %get3A_951 : vector<16xf32>
        %max3A_953 = arith.constant 0.000000e+00 : f32
        %max3A_954 = vector.broadcast %max3A_953 : f32 to vector<16xf32>
        %max3A_955 = arith.maximumf %add3A_952, %max3A_954 : vector<16xf32>
        %swap3A_956 = arith.constant 6 : i32
        %swap3A_957 = arith.index_cast %swap3A_956 : i32 to index
        %swap3A_958 = arith.index_cast %scan3A_47 : i32 to index
        %swap3A_959 = arith.constant 48 : index
        %swap3A_960 = tpu.vector_load %arg15[%swap3A_957, %swap3A_958, %swap3A_959] {strides = array<i32>} : memref<8x40x64xf32, #tpu.memory_space<vmem>>, vector<16xf32>,
        tpu.vector_store %arg15[%swap3A_957, %swap3A_958, %swap3A_959], %max3A_955 {strides = array<i32>} : memref<8x40x64xf32, #tpu.memory_space<vmem>>, vector<16xf32>,
        %sub3A_961 = arith.subf %add3A_419, %mul3A_467 : vector<16xf32>
        %mul3A_962 = arith.mulf %sub3A_961, %mul3A_514 : vector<16xf32>
        %get3A_963 = arith.constant 448 : index
        %get3A_964 = tpu.vector_load %arg16[%get3A_963] {strides = array<i32>} : memref<512xf32, #tpu.memory_space<vmem>>, vector<16xf32>,
        %mul3A_965 = arith.mulf %mul3A_962, %get3A_964 : vector<16xf32>
        %get3A_966 = arith.constant 448 : index
        %get3A_967 = tpu.vector_load %arg17[%get3A_966] {strides = array<i32>} : memref<512xf32, #tpu.memory_space<vmem>>, vector<16xf32>,
        %add3A_968 = arith.addf %mul3A_965, %get3A_967 : vector<16xf32>
        %max3A_969 = arith.constant 0.000000e+00 : f32
        %max3A_970 = vector.broadcast %max3A_969 : f32 to vector<16xf32>
        %max3A_971 = arith.maximumf %add3A_968, %max3A_970 : vector<16xf32>
        %swap3A_972 = arith.constant 7 : i32
        %swap3A_973 = arith.index_cast %swap3A_972 : i32 to index
        %swap3A_974 = arith.index_cast %scan3A_47 : i32 to index
        %swap3A_975 = arith.constant 0 : index
        %swap3A_976 = tpu.vector_load %arg15[%swap3A_973, %swap3A_974, %swap3A_975] {strides = array<i32>} : memref<8x40x64xf32, #tpu.memory_space<vmem>>, vector<16xf32>,
        tpu.vector_store %arg15[%swap3A_973, %swap3A_974, %swap3A_975], %max3A_971 {strides = array<i32>} : memref<8x40x64xf32, #tpu.memory_space<vmem>>, vector<16xf32>,
        %sub3A_977 = arith.subf %add3A_430, %mul3A_467 : vector<16xf32>
        %mul3A_978 = arith.mulf %sub3A_977, %mul3A_514 : vector<16xf32>
        %get3A_979 = arith.constant 464 : index
        %get3A_980 = tpu.vector_load %arg16[%get3A_979] {strides = array<i32>} : memref<512xf32, #tpu.memory_space<vmem>>, vector<16xf32>,
        %mul3A_981 = arith.mulf %mul3A_978, %get3A_980 : vector<16xf32>
        %get3A_982 = arith.constant 464 : index
        %get3A_983 = tpu.vector_load %arg17[%get3A_982] {strides = array<i32>} : memref<512xf32, #tpu.memory_space<vmem>>, vector<16xf32>,
        %add3A_984 = arith.addf %mul3A_981, %get3A_983 : vector<16xf32>
        %max3A_985 = arith.constant 0.000000e+00 : f32
        %max3A_986 = vector.broadcast %max3A_985 : f32 to vector<16xf32>
        %max3A_987 = arith.maximumf %add3A_984, %max3A_986 : vector<16xf32>
        %swap3A_988 = arith.constant 7 : i32
        %swap3A_989 = arith.index_cast %swap3A_988 : i32 to index
        %swap3A_990 = arith.index_cast %scan3A_47 : i32 to index
        %swap3A_991 = arith.constant 16 : index
        %swap3A_992 = tpu.vector_load %arg15[%swap3A_989, %swap3A_990, %swap3A_991] {strides = array<i32>} : memref<8x40x64xf32, #tpu.memory_space<vmem>>, vector<16xf32>,
        tpu.vector_store %arg15[%swap3A_989, %swap3A_990, %swap3A_991], %max3A_987 {strides = array<i32>} : memref<8x40x64xf32, #tpu.memory_space<vmem>>, vector<16xf32>,
        %sub3A_993 = arith.subf %add3A_441, %mul3A_467 : vector<16xf32>
        %mul3A_994 = arith.mulf %sub3A_993, %mul3A_514 : vector<16xf32>
        %get3A_995 = arith.constant 480 : index
        %get3A_996 = tpu.vector_load %arg16[%get3A_995] {strides = array<i32>} : memref<512xf32, #tpu.memory_space<vmem>>, vector<16xf32>,
        %mul3A_997 = arith.mulf %mul3A_994, %get3A_996 : vector<16xf32>
        %get3A_998 = arith.constant 480 : index
        %get3A_999 = tpu.vector_load %arg17[%get3A_998] {strides = array<i32>} : memref<512xf32, #tpu.memory_space<vmem>>, vector<16xf32>,
        %add3A_1000 = arith.addf %mul3A_997, %get3A_999 : vector<16xf32>
        %max3A_1001 = arith.constant 0.000000e+00 : f32
        %max3A_1002 = vector.broadcast %max3A_1001 : f32 to vector<16xf32>
        %max3A_1003 = arith.maximumf %add3A_1000, %max3A_1002 : vector<16xf32>
        %swap3A_1004 = arith.constant 7 : i32
        %swap3A_1005 = arith.index_cast %swap3A_1004 : i32 to index
        %swap3A_1006 = arith.index_cast %scan3A_47 : i32 to index
        %swap3A_1007 = arith.constant 32 : index
        %swap3A_1008 = tpu.vector_load %arg15[%swap3A_1005, %swap3A_1006, %swap3A_1007] {strides = array<i32>} : memref<8x40x64xf32, #tpu.memory_space<vmem>>, vector<16xf32>,
        tpu.vector_store %arg15[%swap3A_1005, %swap3A_1006, %swap3A_1007], %max3A_1003 {strides = array<i32>} : memref<8x40x64xf32, #tpu.memory_space<vmem>>, vector<16xf32>,
        %sub3A_1009 = arith.subf %select_n3A_455, %mul3A_467 : vector<16xf32>
        %mul3A_1010 = arith.mulf %sub3A_1009, %mul3A_514 : vector<16xf32>
        %get3A_1011 = arith.constant 496 : index
        %get3A_1012 = tpu.vector_load %arg16[%get3A_1011] {strides = array<i32>} : memref<512xf32, #tpu.memory_space<vmem>>, vector<16xf32>,
        %mul3A_1013 = arith.mulf %mul3A_1010, %get3A_1012 : vector<16xf32>
        %get3A_1014 = arith.constant 496 : index
        %get3A_1015 = tpu.vector_load %arg17[%get3A_1014] {strides = array<i32>} : memref<512xf32, #tpu.memory_space<vmem>>, vector<16xf32>,
        %add3A_1016 = arith.addf %mul3A_1013, %get3A_1015 : vector<16xf32>
        %max3A_1017 = arith.constant 0.000000e+00 : f32
        %max3A_1018 = vector.broadcast %max3A_1017 : f32 to vector<16xf32>
        %max3A_1019 = arith.maximumf %add3A_1016, %max3A_1018 : vector<16xf32>
        %swap3A_1020 = arith.constant 7 : i32
        %swap3A_1021 = arith.index_cast %swap3A_1020 : i32 to index
        %swap3A_1022 = arith.index_cast %scan3A_47 : i32 to index
        %swap3A_1023 = arith.constant 48 : index
        %swap3A_1024 = tpu.vector_load %arg15[%swap3A_1021, %swap3A_1022, %swap3A_1023] {strides = array<i32>} : memref<8x40x64xf32, #tpu.memory_space<vmem>>, vector<16xf32>,
        tpu.vector_store %arg15[%swap3A_1021, %swap3A_1022, %swap3A_1023], %max3A_1019 {strides = array<i32>} : memref<8x40x64xf32, #tpu.memory_space<vmem>>, vector<16xf32>,
      }
      %scan3A_31 = arith.constant 40 : i32
      %run_scoped3A = arith.constant 0 : i32
      %run_scoped3A_32 = arith.constant 0 : i32
      "tpu.region"() ({
        %run_scoped3A_47 = tpu.sem_alloc : memref<!tpu.dma_semaphore, #tpu.memory_space<semaphore_mem>>
        %dma_start3A_48 = arith.constant 0 : i32
        %dma_start3A_49 = arith.constant 0 : i32
        %dma_start3A_50 = tpu.memref_slice %arg15[%run_scoped3A, %dma_start3A_48, %dma_start3A_49] : memref<8x40x64xf32, #tpu.memory_space<vmem>> -> memref<1x40x64xf32, #tpu.memory_space<vmem>>
        %dma_start3A_51 = tpu.memref_squeeze %dma_start3A_50 : memref<1x40x64xf32, #tpu.memory_space<vmem>> -> memref<40x64xf32, #tpu.memory_space<vmem>>
        %dma_start3A_52 = arith.constant 0 : i32
        %dma_start3A_53 = tpu.memref_slice %arg9[%run_scoped3A_32, %add3A_13, %dma_start3A_52] : memref<8x160000x64xf32, #tpu.memory_space<hbm>> -> memref<1x40x64xf32, #tpu.memory_space<hbm>>
        %dma_start3A_54 = tpu.memref_squeeze %dma_start3A_53 : memref<1x40x64xf32, #tpu.memory_space<hbm>> -> memref<40x64xf32, #tpu.memory_space<hbm>>
        %dma_start3A_55 = arith.constant 0 : i32
        %dma_start3A_56 = tpu.memref_slice %arg9[%run_scoped3A_32, %add3A_13, %dma_start3A_55] : memref<8x160000x64xf32, #tpu.memory_space<hbm>> -> memref<1x40x64xf32, #tpu.memory_space<hbm>>
        %dma_start3A_57 = tpu.memref_squeeze %dma_start3A_56 : memref<1x40x64xf32, #tpu.memory_space<hbm>> -> memref<40x64xf32, #tpu.memory_space<hbm>>
        %dma_start3A_58 = arith.constant 0 : i32
        %dma_start3A_59 = arith.constant 0 : i32
        %dma_start3A_60 = tpu.memref_slice %arg15[%run_scoped3A, %dma_start3A_58, %dma_start3A_59] : memref<8x40x64xf32, #tpu.memory_space<vmem>> -> memref<1x40x64xf32, #tpu.memory_space<vmem>>
        %dma_start3A_61 = tpu.memref_squeeze %dma_start3A_60 : memref<1x40x64xf32, #tpu.memory_space<vmem>> -> memref<40x64xf32, #tpu.memory_space<vmem>>
        tpu.enqueue_dma source(%dma_start3A_61 : memref<40x64xf32, #tpu.memory_space<vmem>>) target(%dma_start3A_57 : memref<40x64xf32, #tpu.memory_space<hbm>>) target_semaphore(%run_scoped3A_47 : memref<!tpu.dma_semaphore, #tpu.memory_space<semaphore_mem>>)
        %dma_wait3A_62 = arith.constant 0 : i32
        %dma_wait3A_63 = arith.constant 0 : i32
        %dma_wait3A_64 = tpu.memref_slice %arg15[%run_scoped3A, %dma_wait3A_62, %dma_wait3A_63] : memref<8x40x64xf32, #tpu.memory_space<vmem>> -> memref<1x40x64xf32, #tpu.memory_space<vmem>>
        %dma_wait3A_65 = tpu.memref_squeeze %dma_wait3A_64 : memref<1x40x64xf32, #tpu.memory_space<vmem>> -> memref<40x64xf32, #tpu.memory_space<vmem>>
        %dma_wait3A_66 = arith.constant 0 : i32
        %dma_wait3A_67 = tpu.memref_slice %arg9[%run_scoped3A_32, %add3A_13, %dma_wait3A_66] : memref<8x160000x64xf32, #tpu.memory_space<hbm>> -> memref<1x40x64xf32, #tpu.memory_space<hbm>>
        %dma_wait3A_68 = tpu.memref_squeeze %dma_wait3A_67 : memref<1x40x64xf32, #tpu.memory_space<hbm>> -> memref<40x64xf32, #tpu.memory_space<hbm>>
        %dma_wait3A_69 = arith.constant 0 : i32
        %dma_wait3A_70 = tpu.memref_slice %arg9[%run_scoped3A_32, %add3A_13, %dma_wait3A_69] : memref<8x160000x64xf32, #tpu.memory_space<hbm>> -> memref<1x40x64xf32, #tpu.memory_space<hbm>>
        %dma_wait3A_71 = tpu.memref_squeeze %dma_wait3A_70 : memref<1x40x64xf32, #tpu.memory_space<hbm>> -> memref<40x64xf32, #tpu.memory_space<hbm>>
        %dma_wait3A_72 = arith.constant 0 : i32
        %dma_wait3A_73 = arith.constant 0 : i32
        %dma_wait3A_74 = tpu.memref_slice %arg15[%run_scoped3A, %dma_wait3A_72, %dma_wait3A_73] : memref<8x40x64xf32, #tpu.memory_space<vmem>> -> memref<1x40x64xf32, #tpu.memory_space<vmem>>
        %dma_wait3A_75 = tpu.memref_squeeze %dma_wait3A_74 : memref<1x40x64xf32, #tpu.memory_space<vmem>> -> memref<40x64xf32, #tpu.memory_space<vmem>>
        tpu.wait_dma2 semaphore(%run_scoped3A_47 : memref<!tpu.dma_semaphore, #tpu.memory_space<semaphore_mem>>) src(%dma_wait3A_75 : memref<40x64xf32, #tpu.memory_space<vmem>>) dst(%dma_wait3A_71 : memref<40x64xf32, #tpu.memory_space<hbm>>)
        tpu.yield
      }) : () -> ()
      %run_scoped3A_33 = arith.constant 1 : i32
      %run_scoped3A_34 = arith.constant 1 : i32
      "tpu.region"() ({
        %run_scoped3A_47 = tpu.sem_alloc : memref<!tpu.dma_semaphore, #tpu.memory_space<semaphore_mem>>
        %dma_start3A_48 = arith.constant 0 : i32
        %dma_start3A_49 = arith.constant 0 : i32
        %dma_start3A_50 = tpu.memref_slice %arg15[%run_scoped3A_33, %dma_start3A_48, %dma_start3A_49] : memref<8x40x64xf32, #tpu.memory_space<vmem>> -> memref<1x40x64xf32, #tpu.memory_space<vmem>>
        %dma_start3A_51 = tpu.memref_squeeze %dma_start3A_50 : memref<1x40x64xf32, #tpu.memory_space<vmem>> -> memref<40x64xf32, #tpu.memory_space<vmem>>
        %dma_start3A_52 = arith.constant 0 : i32
        %dma_start3A_53 = tpu.memref_slice %arg9[%run_scoped3A_34, %add3A_13, %dma_start3A_52] : memref<8x160000x64xf32, #tpu.memory_space<hbm>> -> memref<1x40x64xf32, #tpu.memory_space<hbm>>
        %dma_start3A_54 = tpu.memref_squeeze %dma_start3A_53 : memref<1x40x64xf32, #tpu.memory_space<hbm>> -> memref<40x64xf32, #tpu.memory_space<hbm>>
        %dma_start3A_55 = arith.constant 0 : i32
        %dma_start3A_56 = tpu.memref_slice %arg9[%run_scoped3A_34, %add3A_13, %dma_start3A_55] : memref<8x160000x64xf32, #tpu.memory_space<hbm>> -> memref<1x40x64xf32, #tpu.memory_space<hbm>>
        %dma_start3A_57 = tpu.memref_squeeze %dma_start3A_56 : memref<1x40x64xf32, #tpu.memory_space<hbm>> -> memref<40x64xf32, #tpu.memory_space<hbm>>
        %dma_start3A_58 = arith.constant 0 : i32
        %dma_start3A_59 = arith.constant 0 : i32
        %dma_start3A_60 = tpu.memref_slice %arg15[%run_scoped3A_33, %dma_start3A_58, %dma_start3A_59] : memref<8x40x64xf32, #tpu.memory_space<vmem>> -> memref<1x40x64xf32, #tpu.memory_space<vmem>>
        %dma_start3A_61 = tpu.memref_squeeze %dma_start3A_60 : memref<1x40x64xf32, #tpu.memory_space<vmem>> -> memref<40x64xf32, #tpu.memory_space<vmem>>
        tpu.enqueue_dma source(%dma_start3A_61 : memref<40x64xf32, #tpu.memory_space<vmem>>) target(%dma_start3A_57 : memref<40x64xf32, #tpu.memory_space<hbm>>) target_semaphore(%run_scoped3A_47 : memref<!tpu.dma_semaphore, #tpu.memory_space<semaphore_mem>>)
        %dma_wait3A_62 = arith.constant 0 : i32
        %dma_wait3A_63 = arith.constant 0 : i32
        %dma_wait3A_64 = tpu.memref_slice %arg15[%run_scoped3A_33, %dma_wait3A_62, %dma_wait3A_63] : memref<8x40x64xf32, #tpu.memory_space<vmem>> -> memref<1x40x64xf32, #tpu.memory_space<vmem>>
        %dma_wait3A_65 = tpu.memref_squeeze %dma_wait3A_64 : memref<1x40x64xf32, #tpu.memory_space<vmem>> -> memref<40x64xf32, #tpu.memory_space<vmem>>
        %dma_wait3A_66 = arith.constant 0 : i32
        %dma_wait3A_67 = tpu.memref_slice %arg9[%run_scoped3A_34, %add3A_13, %dma_wait3A_66] : memref<8x160000x64xf32, #tpu.memory_space<hbm>> -> memref<1x40x64xf32, #tpu.memory_space<hbm>>
        %dma_wait3A_68 = tpu.memref_squeeze %dma_wait3A_67 : memref<1x40x64xf32, #tpu.memory_space<hbm>> -> memref<40x64xf32, #tpu.memory_space<hbm>>
        %dma_wait3A_69 = arith.constant 0 : i32
        %dma_wait3A_70 = tpu.memref_slice %arg9[%run_scoped3A_34, %add3A_13, %dma_wait3A_69] : memref<8x160000x64xf32, #tpu.memory_space<hbm>> -> memref<1x40x64xf32, #tpu.memory_space<hbm>>
        %dma_wait3A_71 = tpu.memref_squeeze %dma_wait3A_70 : memref<1x40x64xf32, #tpu.memory_space<hbm>> -> memref<40x64xf32, #tpu.memory_space<hbm>>
        %dma_wait3A_72 = arith.constant 0 : i32
        %dma_wait3A_73 = arith.constant 0 : i32
        %dma_wait3A_74 = tpu.memref_slice %arg15[%run_scoped3A_33, %dma_wait3A_72, %dma_wait3A_73] : memref<8x40x64xf32, #tpu.memory_space<vmem>> -> memref<1x40x64xf32, #tpu.memory_space<vmem>>
        %dma_wait3A_75 = tpu.memref_squeeze %dma_wait3A_74 : memref<1x40x64xf32, #tpu.memory_space<vmem>> -> memref<40x64xf32, #tpu.memory_space<vmem>>
        tpu.wait_dma2 semaphore(%run_scoped3A_47 : memref<!tpu.dma_semaphore, #tpu.memory_space<semaphore_mem>>) src(%dma_wait3A_75 : memref<40x64xf32, #tpu.memory_space<vmem>>) dst(%dma_wait3A_71 : memref<40x64xf32, #tpu.memory_space<hbm>>)
        tpu.yield
      }) : () -> ()
      %run_scoped3A_35 = arith.constant 2 : i32
      %run_scoped3A_36 = arith.constant 2 : i32
      "tpu.region"() ({
        %run_scoped3A_47 = tpu.sem_alloc : memref<!tpu.dma_semaphore, #tpu.memory_space<semaphore_mem>>
        %dma_start3A_48 = arith.constant 0 : i32
        %dma_start3A_49 = arith.constant 0 : i32
        %dma_start3A_50 = tpu.memref_slice %arg15[%run_scoped3A_35, %dma_start3A_48, %dma_start3A_49] : memref<8x40x64xf32, #tpu.memory_space<vmem>> -> memref<1x40x64xf32, #tpu.memory_space<vmem>>
        %dma_start3A_51 = tpu.memref_squeeze %dma_start3A_50 : memref<1x40x64xf32, #tpu.memory_space<vmem>> -> memref<40x64xf32, #tpu.memory_space<vmem>>
        %dma_start3A_52 = arith.constant 0 : i32
        %dma_start3A_53 = tpu.memref_slice %arg9[%run_scoped3A_36, %add3A_13, %dma_start3A_52] : memref<8x160000x64xf32, #tpu.memory_space<hbm>> -> memref<1x40x64xf32, #tpu.memory_space<hbm>>
        %dma_start3A_54 = tpu.memref_squeeze %dma_start3A_53 : memref<1x40x64xf32, #tpu.memory_space<hbm>> -> memref<40x64xf32, #tpu.memory_space<hbm>>
        %dma_start3A_55 = arith.constant 0 : i32
        %dma_start3A_56 = tpu.memref_slice %arg9[%run_scoped3A_36, %add3A_13, %dma_start3A_55] : memref<8x160000x64xf32, #tpu.memory_space<hbm>> -> memref<1x40x64xf32, #tpu.memory_space<hbm>>
        %dma_start3A_57 = tpu.memref_squeeze %dma_start3A_56 : memref<1x40x64xf32, #tpu.memory_space<hbm>> -> memref<40x64xf32, #tpu.memory_space<hbm>>
        %dma_start3A_58 = arith.constant 0 : i32
        %dma_start3A_59 = arith.constant 0 : i32
        %dma_start3A_60 = tpu.memref_slice %arg15[%run_scoped3A_35, %dma_start3A_58, %dma_start3A_59] : memref<8x40x64xf32, #tpu.memory_space<vmem>> -> memref<1x40x64xf32, #tpu.memory_space<vmem>>
        %dma_start3A_61 = tpu.memref_squeeze %dma_start3A_60 : memref<1x40x64xf32, #tpu.memory_space<vmem>> -> memref<40x64xf32, #tpu.memory_space<vmem>>
        tpu.enqueue_dma source(%dma_start3A_61 : memref<40x64xf32, #tpu.memory_space<vmem>>) target(%dma_start3A_57 : memref<40x64xf32, #tpu.memory_space<hbm>>) target_semaphore(%run_scoped3A_47 : memref<!tpu.dma_semaphore, #tpu.memory_space<semaphore_mem>>)
        %dma_wait3A_62 = arith.constant 0 : i32
        %dma_wait3A_63 = arith.constant 0 : i32
        %dma_wait3A_64 = tpu.memref_slice %arg15[%run_scoped3A_35, %dma_wait3A_62, %dma_wait3A_63] : memref<8x40x64xf32, #tpu.memory_space<vmem>> -> memref<1x40x64xf32, #tpu.memory_space<vmem>>
        %dma_wait3A_65 = tpu.memref_squeeze %dma_wait3A_64 : memref<1x40x64xf32, #tpu.memory_space<vmem>> -> memref<40x64xf32, #tpu.memory_space<vmem>>
        %dma_wait3A_66 = arith.constant 0 : i32
        %dma_wait3A_67 = tpu.memref_slice %arg9[%run_scoped3A_36, %add3A_13, %dma_wait3A_66] : memref<8x160000x64xf32, #tpu.memory_space<hbm>> -> memref<1x40x64xf32, #tpu.memory_space<hbm>>
        %dma_wait3A_68 = tpu.memref_squeeze %dma_wait3A_67 : memref<1x40x64xf32, #tpu.memory_space<hbm>> -> memref<40x64xf32, #tpu.memory_space<hbm>>
        %dma_wait3A_69 = arith.constant 0 : i32
        %dma_wait3A_70 = tpu.memref_slice %arg9[%run_scoped3A_36, %add3A_13, %dma_wait3A_69] : memref<8x160000x64xf32, #tpu.memory_space<hbm>> -> memref<1x40x64xf32, #tpu.memory_space<hbm>>
        %dma_wait3A_71 = tpu.memref_squeeze %dma_wait3A_70 : memref<1x40x64xf32, #tpu.memory_space<hbm>> -> memref<40x64xf32, #tpu.memory_space<hbm>>
        %dma_wait3A_72 = arith.constant 0 : i32
        %dma_wait3A_73 = arith.constant 0 : i32
        %dma_wait3A_74 = tpu.memref_slice %arg15[%run_scoped3A_35, %dma_wait3A_72, %dma_wait3A_73] : memref<8x40x64xf32, #tpu.memory_space<vmem>> -> memref<1x40x64xf32, #tpu.memory_space<vmem>>
        %dma_wait3A_75 = tpu.memref_squeeze %dma_wait3A_74 : memref<1x40x64xf32, #tpu.memory_space<vmem>> -> memref<40x64xf32, #tpu.memory_space<vmem>>
        tpu.wait_dma2 semaphore(%run_scoped3A_47 : memref<!tpu.dma_semaphore, #tpu.memory_space<semaphore_mem>>) src(%dma_wait3A_75 : memref<40x64xf32, #tpu.memory_space<vmem>>) dst(%dma_wait3A_71 : memref<40x64xf32, #tpu.memory_space<hbm>>)
        tpu.yield
      }) : () -> ()
      %run_scoped3A_37 = arith.constant 3 : i32
      %run_scoped3A_38 = arith.constant 3 : i32
      "tpu.region"() ({
        %run_scoped3A_47 = tpu.sem_alloc : memref<!tpu.dma_semaphore, #tpu.memory_space<semaphore_mem>>
        %dma_start3A_48 = arith.constant 0 : i32
        %dma_start3A_49 = arith.constant 0 : i32
        %dma_start3A_50 = tpu.memref_slice %arg15[%run_scoped3A_37, %dma_start3A_48, %dma_start3A_49] : memref<8x40x64xf32, #tpu.memory_space<vmem>> -> memref<1x40x64xf32, #tpu.memory_space<vmem>>
        %dma_start3A_51 = tpu.memref_squeeze %dma_start3A_50 : memref<1x40x64xf32, #tpu.memory_space<vmem>> -> memref<40x64xf32, #tpu.memory_space<vmem>>
        %dma_start3A_52 = arith.constant 0 : i32
        %dma_start3A_53 = tpu.memref_slice %arg9[%run_scoped3A_38, %add3A_13, %dma_start3A_52] : memref<8x160000x64xf32, #tpu.memory_space<hbm>> -> memref<1x40x64xf32, #tpu.memory_space<hbm>>
        %dma_start3A_54 = tpu.memref_squeeze %dma_start3A_53 : memref<1x40x64xf32, #tpu.memory_space<hbm>> -> memref<40x64xf32, #tpu.memory_space<hbm>>
        %dma_start3A_55 = arith.constant 0 : i32
        %dma_start3A_56 = tpu.memref_slice %arg9[%run_scoped3A_38, %add3A_13, %dma_start3A_55] : memref<8x160000x64xf32, #tpu.memory_space<hbm>> -> memref<1x40x64xf32, #tpu.memory_space<hbm>>
        %dma_start3A_57 = tpu.memref_squeeze %dma_start3A_56 : memref<1x40x64xf32, #tpu.memory_space<hbm>> -> memref<40x64xf32, #tpu.memory_space<hbm>>
        %dma_start3A_58 = arith.constant 0 : i32
        %dma_start3A_59 = arith.constant 0 : i32
        %dma_start3A_60 = tpu.memref_slice %arg15[%run_scoped3A_37, %dma_start3A_58, %dma_start3A_59] : memref<8x40x64xf32, #tpu.memory_space<vmem>> -> memref<1x40x64xf32, #tpu.memory_space<vmem>>
        %dma_start3A_61 = tpu.memref_squeeze %dma_start3A_60 : memref<1x40x64xf32, #tpu.memory_space<vmem>> -> memref<40x64xf32, #tpu.memory_space<vmem>>
        tpu.enqueue_dma source(%dma_start3A_61 : memref<40x64xf32, #tpu.memory_space<vmem>>) target(%dma_start3A_57 : memref<40x64xf32, #tpu.memory_space<hbm>>) target_semaphore(%run_scoped3A_47 : memref<!tpu.dma_semaphore, #tpu.memory_space<semaphore_mem>>)
        %dma_wait3A_62 = arith.constant 0 : i32
        %dma_wait3A_63 = arith.constant 0 : i32
        %dma_wait3A_64 = tpu.memref_slice %arg15[%run_scoped3A_37, %dma_wait3A_62, %dma_wait3A_63] : memref<8x40x64xf32, #tpu.memory_space<vmem>> -> memref<1x40x64xf32, #tpu.memory_space<vmem>>
        %dma_wait3A_65 = tpu.memref_squeeze %dma_wait3A_64 : memref<1x40x64xf32, #tpu.memory_space<vmem>> -> memref<40x64xf32, #tpu.memory_space<vmem>>
        %dma_wait3A_66 = arith.constant 0 : i32
        %dma_wait3A_67 = tpu.memref_slice %arg9[%run_scoped3A_38, %add3A_13, %dma_wait3A_66] : memref<8x160000x64xf32, #tpu.memory_space<hbm>> -> memref<1x40x64xf32, #tpu.memory_space<hbm>>
        %dma_wait3A_68 = tpu.memref_squeeze %dma_wait3A_67 : memref<1x40x64xf32, #tpu.memory_space<hbm>> -> memref<40x64xf32, #tpu.memory_space<hbm>>
        %dma_wait3A_69 = arith.constant 0 : i32
        %dma_wait3A_70 = tpu.memref_slice %arg9[%run_scoped3A_38, %add3A_13, %dma_wait3A_69] : memref<8x160000x64xf32, #tpu.memory_space<hbm>> -> memref<1x40x64xf32, #tpu.memory_space<hbm>>
        %dma_wait3A_71 = tpu.memref_squeeze %dma_wait3A_70 : memref<1x40x64xf32, #tpu.memory_space<hbm>> -> memref<40x64xf32, #tpu.memory_space<hbm>>
        %dma_wait3A_72 = arith.constant 0 : i32
        %dma_wait3A_73 = arith.constant 0 : i32
        %dma_wait3A_74 = tpu.memref_slice %arg15[%run_scoped3A_37, %dma_wait3A_72, %dma_wait3A_73] : memref<8x40x64xf32, #tpu.memory_space<vmem>> -> memref<1x40x64xf32, #tpu.memory_space<vmem>>
        %dma_wait3A_75 = tpu.memref_squeeze %dma_wait3A_74 : memref<1x40x64xf32, #tpu.memory_space<vmem>> -> memref<40x64xf32, #tpu.memory_space<vmem>>
        tpu.wait_dma2 semaphore(%run_scoped3A_47 : memref<!tpu.dma_semaphore, #tpu.memory_space<semaphore_mem>>) src(%dma_wait3A_75 : memref<40x64xf32, #tpu.memory_space<vmem>>) dst(%dma_wait3A_71 : memref<40x64xf32, #tpu.memory_space<hbm>>)
        tpu.yield
      }) : () -> ()
      %run_scoped3A_39 = arith.constant 4 : i32
      %run_scoped3A_40 = arith.constant 4 : i32
      "tpu.region"() ({
        %run_scoped3A_47 = tpu.sem_alloc : memref<!tpu.dma_semaphore, #tpu.memory_space<semaphore_mem>>
        %dma_start3A_48 = arith.constant 0 : i32
        %dma_start3A_49 = arith.constant 0 : i32
        %dma_start3A_50 = tpu.memref_slice %arg15[%run_scoped3A_39, %dma_start3A_48, %dma_start3A_49] : memref<8x40x64xf32, #tpu.memory_space<vmem>> -> memref<1x40x64xf32, #tpu.memory_space<vmem>>
        %dma_start3A_51 = tpu.memref_squeeze %dma_start3A_50 : memref<1x40x64xf32, #tpu.memory_space<vmem>> -> memref<40x64xf32, #tpu.memory_space<vmem>>
        %dma_start3A_52 = arith.constant 0 : i32
        %dma_start3A_53 = tpu.memref_slice %arg9[%run_scoped3A_40, %add3A_13, %dma_start3A_52] : memref<8x160000x64xf32, #tpu.memory_space<hbm>> -> memref<1x40x64xf32, #tpu.memory_space<hbm>>
        %dma_start3A_54 = tpu.memref_squeeze %dma_start3A_53 : memref<1x40x64xf32, #tpu.memory_space<hbm>> -> memref<40x64xf32, #tpu.memory_space<hbm>>
        %dma_start3A_55 = arith.constant 0 : i32
        %dma_start3A_56 = tpu.memref_slice %arg9[%run_scoped3A_40, %add3A_13, %dma_start3A_55] : memref<8x160000x64xf32, #tpu.memory_space<hbm>> -> memref<1x40x64xf32, #tpu.memory_space<hbm>>
        %dma_start3A_57 = tpu.memref_squeeze %dma_start3A_56 : memref<1x40x64xf32, #tpu.memory_space<hbm>> -> memref<40x64xf32, #tpu.memory_space<hbm>>
        %dma_start3A_58 = arith.constant 0 : i32
        %dma_start3A_59 = arith.constant 0 : i32
        %dma_start3A_60 = tpu.memref_slice %arg15[%run_scoped3A_39, %dma_start3A_58, %dma_start3A_59] : memref<8x40x64xf32, #tpu.memory_space<vmem>> -> memref<1x40x64xf32, #tpu.memory_space<vmem>>
        %dma_start3A_61 = tpu.memref_squeeze %dma_start3A_60 : memref<1x40x64xf32, #tpu.memory_space<vmem>> -> memref<40x64xf32, #tpu.memory_space<vmem>>
        tpu.enqueue_dma source(%dma_start3A_61 : memref<40x64xf32, #tpu.memory_space<vmem>>) target(%dma_start3A_57 : memref<40x64xf32, #tpu.memory_space<hbm>>) target_semaphore(%run_scoped3A_47 : memref<!tpu.dma_semaphore, #tpu.memory_space<semaphore_mem>>)
        %dma_wait3A_62 = arith.constant 0 : i32
        %dma_wait3A_63 = arith.constant 0 : i32
        %dma_wait3A_64 = tpu.memref_slice %arg15[%run_scoped3A_39, %dma_wait3A_62, %dma_wait3A_63] : memref<8x40x64xf32, #tpu.memory_space<vmem>> -> memref<1x40x64xf32, #tpu.memory_space<vmem>>
        %dma_wait3A_65 = tpu.memref_squeeze %dma_wait3A_64 : memref<1x40x64xf32, #tpu.memory_space<vmem>> -> memref<40x64xf32, #tpu.memory_space<vmem>>
        %dma_wait3A_66 = arith.constant 0 : i32
        %dma_wait3A_67 = tpu.memref_slice %arg9[%run_scoped3A_40, %add3A_13, %dma_wait3A_66] : memref<8x160000x64xf32, #tpu.memory_space<hbm>> -> memref<1x40x64xf32, #tpu.memory_space<hbm>>
        %dma_wait3A_68 = tpu.memref_squeeze %dma_wait3A_67 : memref<1x40x64xf32, #tpu.memory_space<hbm>> -> memref<40x64xf32, #tpu.memory_space<hbm>>
        %dma_wait3A_69 = arith.constant 0 : i32
        %dma_wait3A_70 = tpu.memref_slice %arg9[%run_scoped3A_40, %add3A_13, %dma_wait3A_69] : memref<8x160000x64xf32, #tpu.memory_space<hbm>> -> memref<1x40x64xf32, #tpu.memory_space<hbm>>
        %dma_wait3A_71 = tpu.memref_squeeze %dma_wait3A_70 : memref<1x40x64xf32, #tpu.memory_space<hbm>> -> memref<40x64xf32, #tpu.memory_space<hbm>>
        %dma_wait3A_72 = arith.constant 0 : i32
        %dma_wait3A_73 = arith.constant 0 : i32
        %dma_wait3A_74 = tpu.memref_slice %arg15[%run_scoped3A_39, %dma_wait3A_72, %dma_wait3A_73] : memref<8x40x64xf32, #tpu.memory_space<vmem>> -> memref<1x40x64xf32, #tpu.memory_space<vmem>>
        %dma_wait3A_75 = tpu.memref_squeeze %dma_wait3A_74 : memref<1x40x64xf32, #tpu.memory_space<vmem>> -> memref<40x64xf32, #tpu.memory_space<vmem>>
        tpu.wait_dma2 semaphore(%run_scoped3A_47 : memref<!tpu.dma_semaphore, #tpu.memory_space<semaphore_mem>>) src(%dma_wait3A_75 : memref<40x64xf32, #tpu.memory_space<vmem>>) dst(%dma_wait3A_71 : memref<40x64xf32, #tpu.memory_space<hbm>>)
        tpu.yield
      }) : () -> ()
      %run_scoped3A_41 = arith.constant 5 : i32
      %run_scoped3A_42 = arith.constant 5 : i32
      "tpu.region"() ({
        %run_scoped3A_47 = tpu.sem_alloc : memref<!tpu.dma_semaphore, #tpu.memory_space<semaphore_mem>>
        %dma_start3A_48 = arith.constant 0 : i32
        %dma_start3A_49 = arith.constant 0 : i32
        %dma_start3A_50 = tpu.memref_slice %arg15[%run_scoped3A_41, %dma_start3A_48, %dma_start3A_49] : memref<8x40x64xf32, #tpu.memory_space<vmem>> -> memref<1x40x64xf32, #tpu.memory_space<vmem>>
        %dma_start3A_51 = tpu.memref_squeeze %dma_start3A_50 : memref<1x40x64xf32, #tpu.memory_space<vmem>> -> memref<40x64xf32, #tpu.memory_space<vmem>>
        %dma_start3A_52 = arith.constant 0 : i32
        %dma_start3A_53 = tpu.memref_slice %arg9[%run_scoped3A_42, %add3A_13, %dma_start3A_52] : memref<8x160000x64xf32, #tpu.memory_space<hbm>> -> memref<1x40x64xf32, #tpu.memory_space<hbm>>
        %dma_start3A_54 = tpu.memref_squeeze %dma_start3A_53 : memref<1x40x64xf32, #tpu.memory_space<hbm>> -> memref<40x64xf32, #tpu.memory_space<hbm>>
        %dma_start3A_55 = arith.constant 0 : i32
        %dma_start3A_56 = tpu.memref_slice %arg9[%run_scoped3A_42, %add3A_13, %dma_start3A_55] : memref<8x160000x64xf32, #tpu.memory_space<hbm>> -> memref<1x40x64xf32, #tpu.memory_space<hbm>>
        %dma_start3A_57 = tpu.memref_squeeze %dma_start3A_56 : memref<1x40x64xf32, #tpu.memory_space<hbm>> -> memref<40x64xf32, #tpu.memory_space<hbm>>
        %dma_start3A_58 = arith.constant 0 : i32
        %dma_start3A_59 = arith.constant 0 : i32
        %dma_start3A_60 = tpu.memref_slice %arg15[%run_scoped3A_41, %dma_start3A_58, %dma_start3A_59] : memref<8x40x64xf32, #tpu.memory_space<vmem>> -> memref<1x40x64xf32, #tpu.memory_space<vmem>>
        %dma_start3A_61 = tpu.memref_squeeze %dma_start3A_60 : memref<1x40x64xf32, #tpu.memory_space<vmem>> -> memref<40x64xf32, #tpu.memory_space<vmem>>
        tpu.enqueue_dma source(%dma_start3A_61 : memref<40x64xf32, #tpu.memory_space<vmem>>) target(%dma_start3A_57 : memref<40x64xf32, #tpu.memory_space<hbm>>) target_semaphore(%run_scoped3A_47 : memref<!tpu.dma_semaphore, #tpu.memory_space<semaphore_mem>>)
        %dma_wait3A_62 = arith.constant 0 : i32
        %dma_wait3A_63 = arith.constant 0 : i32
        %dma_wait3A_64 = tpu.memref_slice %arg15[%run_scoped3A_41, %dma_wait3A_62, %dma_wait3A_63] : memref<8x40x64xf32, #tpu.memory_space<vmem>> -> memref<1x40x64xf32, #tpu.memory_space<vmem>>
        %dma_wait3A_65 = tpu.memref_squeeze %dma_wait3A_64 : memref<1x40x64xf32, #tpu.memory_space<vmem>> -> memref<40x64xf32, #tpu.memory_space<vmem>>
        %dma_wait3A_66 = arith.constant 0 : i32
        %dma_wait3A_67 = tpu.memref_slice %arg9[%run_scoped3A_42, %add3A_13, %dma_wait3A_66] : memref<8x160000x64xf32, #tpu.memory_space<hbm>> -> memref<1x40x64xf32, #tpu.memory_space<hbm>>
        %dma_wait3A_68 = tpu.memref_squeeze %dma_wait3A_67 : memref<1x40x64xf32, #tpu.memory_space<hbm>> -> memref<40x64xf32, #tpu.memory_space<hbm>>
        %dma_wait3A_69 = arith.constant 0 : i32
        %dma_wait3A_70 = tpu.memref_slice %arg9[%run_scoped3A_42, %add3A_13, %dma_wait3A_69] : memref<8x160000x64xf32, #tpu.memory_space<hbm>> -> memref<1x40x64xf32, #tpu.memory_space<hbm>>
        %dma_wait3A_71 = tpu.memref_squeeze %dma_wait3A_70 : memref<1x40x64xf32, #tpu.memory_space<hbm>> -> memref<40x64xf32, #tpu.memory_space<hbm>>
        %dma_wait3A_72 = arith.constant 0 : i32
        %dma_wait3A_73 = arith.constant 0 : i32
        %dma_wait3A_74 = tpu.memref_slice %arg15[%run_scoped3A_41, %dma_wait3A_72, %dma_wait3A_73] : memref<8x40x64xf32, #tpu.memory_space<vmem>> -> memref<1x40x64xf32, #tpu.memory_space<vmem>>
        %dma_wait3A_75 = tpu.memref_squeeze %dma_wait3A_74 : memref<1x40x64xf32, #tpu.memory_space<vmem>> -> memref<40x64xf32, #tpu.memory_space<vmem>>
        tpu.wait_dma2 semaphore(%run_scoped3A_47 : memref<!tpu.dma_semaphore, #tpu.memory_space<semaphore_mem>>) src(%dma_wait3A_75 : memref<40x64xf32, #tpu.memory_space<vmem>>) dst(%dma_wait3A_71 : memref<40x64xf32, #tpu.memory_space<hbm>>)
        tpu.yield
      }) : () -> ()
      %run_scoped3A_43 = arith.constant 6 : i32
      %run_scoped3A_44 = arith.constant 6 : i32
      "tpu.region"() ({
        %run_scoped3A_47 = tpu.sem_alloc : memref<!tpu.dma_semaphore, #tpu.memory_space<semaphore_mem>>
        %dma_start3A_48 = arith.constant 0 : i32
        %dma_start3A_49 = arith.constant 0 : i32
        %dma_start3A_50 = tpu.memref_slice %arg15[%run_scoped3A_43, %dma_start3A_48, %dma_start3A_49] : memref<8x40x64xf32, #tpu.memory_space<vmem>> -> memref<1x40x64xf32, #tpu.memory_space<vmem>>
        %dma_start3A_51 = tpu.memref_squeeze %dma_start3A_50 : memref<1x40x64xf32, #tpu.memory_space<vmem>> -> memref<40x64xf32, #tpu.memory_space<vmem>>
        %dma_start3A_52 = arith.constant 0 : i32
        %dma_start3A_53 = tpu.memref_slice %arg9[%run_scoped3A_44, %add3A_13, %dma_start3A_52] : memref<8x160000x64xf32, #tpu.memory_space<hbm>> -> memref<1x40x64xf32, #tpu.memory_space<hbm>>
        %dma_start3A_54 = tpu.memref_squeeze %dma_start3A_53 : memref<1x40x64xf32, #tpu.memory_space<hbm>> -> memref<40x64xf32, #tpu.memory_space<hbm>>
        %dma_start3A_55 = arith.constant 0 : i32
        %dma_start3A_56 = tpu.memref_slice %arg9[%run_scoped3A_44, %add3A_13, %dma_start3A_55] : memref<8x160000x64xf32, #tpu.memory_space<hbm>> -> memref<1x40x64xf32, #tpu.memory_space<hbm>>
        %dma_start3A_57 = tpu.memref_squeeze %dma_start3A_56 : memref<1x40x64xf32, #tpu.memory_space<hbm>> -> memref<40x64xf32, #tpu.memory_space<hbm>>
        %dma_start3A_58 = arith.constant 0 : i32
        %dma_start3A_59 = arith.constant 0 : i32
        %dma_start3A_60 = tpu.memref_slice %arg15[%run_scoped3A_43, %dma_start3A_58, %dma_start3A_59] : memref<8x40x64xf32, #tpu.memory_space<vmem>> -> memref<1x40x64xf32, #tpu.memory_space<vmem>>
        %dma_start3A_61 = tpu.memref_squeeze %dma_start3A_60 : memref<1x40x64xf32, #tpu.memory_space<vmem>> -> memref<40x64xf32, #tpu.memory_space<vmem>>
        tpu.enqueue_dma source(%dma_start3A_61 : memref<40x64xf32, #tpu.memory_space<vmem>>) target(%dma_start3A_57 : memref<40x64xf32, #tpu.memory_space<hbm>>) target_semaphore(%run_scoped3A_47 : memref<!tpu.dma_semaphore, #tpu.memory_space<semaphore_mem>>)
        %dma_wait3A_62 = arith.constant 0 : i32
        %dma_wait3A_63 = arith.constant 0 : i32
        %dma_wait3A_64 = tpu.memref_slice %arg15[%run_scoped3A_43, %dma_wait3A_62, %dma_wait3A_63] : memref<8x40x64xf32, #tpu.memory_space<vmem>> -> memref<1x40x64xf32, #tpu.memory_space<vmem>>
        %dma_wait3A_65 = tpu.memref_squeeze %dma_wait3A_64 : memref<1x40x64xf32, #tpu.memory_space<vmem>> -> memref<40x64xf32, #tpu.memory_space<vmem>>
        %dma_wait3A_66 = arith.constant 0 : i32
        %dma_wait3A_67 = tpu.memref_slice %arg9[%run_scoped3A_44, %add3A_13, %dma_wait3A_66] : memref<8x160000x64xf32, #tpu.memory_space<hbm>> -> memref<1x40x64xf32, #tpu.memory_space<hbm>>
        %dma_wait3A_68 = tpu.memref_squeeze %dma_wait3A_67 : memref<1x40x64xf32, #tpu.memory_space<hbm>> -> memref<40x64xf32, #tpu.memory_space<hbm>>
        %dma_wait3A_69 = arith.constant 0 : i32
        %dma_wait3A_70 = tpu.memref_slice %arg9[%run_scoped3A_44, %add3A_13, %dma_wait3A_69] : memref<8x160000x64xf32, #tpu.memory_space<hbm>> -> memref<1x40x64xf32, #tpu.memory_space<hbm>>
        %dma_wait3A_71 = tpu.memref_squeeze %dma_wait3A_70 : memref<1x40x64xf32, #tpu.memory_space<hbm>> -> memref<40x64xf32, #tpu.memory_space<hbm>>
        %dma_wait3A_72 = arith.constant 0 : i32
        %dma_wait3A_73 = arith.constant 0 : i32
        %dma_wait3A_74 = tpu.memref_slice %arg15[%run_scoped3A_43, %dma_wait3A_72, %dma_wait3A_73] : memref<8x40x64xf32, #tpu.memory_space<vmem>> -> memref<1x40x64xf32, #tpu.memory_space<vmem>>
        %dma_wait3A_75 = tpu.memref_squeeze %dma_wait3A_74 : memref<1x40x64xf32, #tpu.memory_space<vmem>> -> memref<40x64xf32, #tpu.memory_space<vmem>>
        tpu.wait_dma2 semaphore(%run_scoped3A_47 : memref<!tpu.dma_semaphore, #tpu.memory_space<semaphore_mem>>) src(%dma_wait3A_75 : memref<40x64xf32, #tpu.memory_space<vmem>>) dst(%dma_wait3A_71 : memref<40x64xf32, #tpu.memory_space<hbm>>)
        tpu.yield
      }) : () -> ()
      %run_scoped3A_45 = arith.constant 7 : i32
      %run_scoped3A_46 = arith.constant 7 : i32
      "tpu.region"() ({
        %run_scoped3A_47 = tpu.sem_alloc : memref<!tpu.dma_semaphore, #tpu.memory_space<semaphore_mem>>
        %dma_start3A_48 = arith.constant 0 : i32
        %dma_start3A_49 = arith.constant 0 : i32
        %dma_start3A_50 = tpu.memref_slice %arg15[%run_scoped3A_45, %dma_start3A_48, %dma_start3A_49] : memref<8x40x64xf32, #tpu.memory_space<vmem>> -> memref<1x40x64xf32, #tpu.memory_space<vmem>>
        %dma_start3A_51 = tpu.memref_squeeze %dma_start3A_50 : memref<1x40x64xf32, #tpu.memory_space<vmem>> -> memref<40x64xf32, #tpu.memory_space<vmem>>
        %dma_start3A_52 = arith.constant 0 : i32
        %dma_start3A_53 = tpu.memref_slice %arg9[%run_scoped3A_46, %add3A_13, %dma_start3A_52] : memref<8x160000x64xf32, #tpu.memory_space<hbm>> -> memref<1x40x64xf32, #tpu.memory_space<hbm>>
        %dma_start3A_54 = tpu.memref_squeeze %dma_start3A_53 : memref<1x40x64xf32, #tpu.memory_space<hbm>> -> memref<40x64xf32, #tpu.memory_space<hbm>>
        %dma_start3A_55 = arith.constant 0 : i32
        %dma_start3A_56 = tpu.memref_slice %arg9[%run_scoped3A_46, %add3A_13, %dma_start3A_55] : memref<8x160000x64xf32, #tpu.memory_space<hbm>> -> memref<1x40x64xf32, #tpu.memory_space<hbm>>
        %dma_start3A_57 = tpu.memref_squeeze %dma_start3A_56 : memref<1x40x64xf32, #tpu.memory_space<hbm>> -> memref<40x64xf32, #tpu.memory_space<hbm>>
        %dma_start3A_58 = arith.constant 0 : i32
        %dma_start3A_59 = arith.constant 0 : i32
        %dma_start3A_60 = tpu.memref_slice %arg15[%run_scoped3A_45, %dma_start3A_58, %dma_start3A_59] : memref<8x40x64xf32, #tpu.memory_space<vmem>> -> memref<1x40x64xf32, #tpu.memory_space<vmem>>
        %dma_start3A_61 = tpu.memref_squeeze %dma_start3A_60 : memref<1x40x64xf32, #tpu.memory_space<vmem>> -> memref<40x64xf32, #tpu.memory_space<vmem>>
        tpu.enqueue_dma source(%dma_start3A_61 : memref<40x64xf32, #tpu.memory_space<vmem>>) target(%dma_start3A_57 : memref<40x64xf32, #tpu.memory_space<hbm>>) target_semaphore(%run_scoped3A_47 : memref<!tpu.dma_semaphore, #tpu.memory_space<semaphore_mem>>)
        %dma_wait3A_62 = arith.constant 0 : i32
        %dma_wait3A_63 = arith.constant 0 : i32
        %dma_wait3A_64 = tpu.memref_slice %arg15[%run_scoped3A_45, %dma_wait3A_62, %dma_wait3A_63] : memref<8x40x64xf32, #tpu.memory_space<vmem>> -> memref<1x40x64xf32, #tpu.memory_space<vmem>>
        %dma_wait3A_65 = tpu.memref_squeeze %dma_wait3A_64 : memref<1x40x64xf32, #tpu.memory_space<vmem>> -> memref<40x64xf32, #tpu.memory_space<vmem>>
        %dma_wait3A_66 = arith.constant 0 : i32
        %dma_wait3A_67 = tpu.memref_slice %arg9[%run_scoped3A_46, %add3A_13, %dma_wait3A_66] : memref<8x160000x64xf32, #tpu.memory_space<hbm>> -> memref<1x40x64xf32, #tpu.memory_space<hbm>>
        %dma_wait3A_68 = tpu.memref_squeeze %dma_wait3A_67 : memref<1x40x64xf32, #tpu.memory_space<hbm>> -> memref<40x64xf32, #tpu.memory_space<hbm>>
        %dma_wait3A_69 = arith.constant 0 : i32
        %dma_wait3A_70 = tpu.memref_slice %arg9[%run_scoped3A_46, %add3A_13, %dma_wait3A_69] : memref<8x160000x64xf32, #tpu.memory_space<hbm>> -> memref<1x40x64xf32, #tpu.memory_space<hbm>>
        %dma_wait3A_71 = tpu.memref_squeeze %dma_wait3A_70 : memref<1x40x64xf32, #tpu.memory_space<hbm>> -> memref<40x64xf32, #tpu.memory_space<hbm>>
        %dma_wait3A_72 = arith.constant 0 : i32
        %dma_wait3A_73 = arith.constant 0 : i32
        %dma_wait3A_74 = tpu.memref_slice %arg15[%run_scoped3A_45, %dma_wait3A_72, %dma_wait3A_73] : memref<8x40x64xf32, #tpu.memory_space<vmem>> -> memref<1x40x64xf32, #tpu.memory_space<vmem>>
        %dma_wait3A_75 = tpu.memref_squeeze %dma_wait3A_74 : memref<1x40x64xf32, #tpu.memory_space<vmem>> -> memref<40x64xf32, #tpu.memory_space<vmem>>
        tpu.wait_dma2 semaphore(%run_scoped3A_47 : memref<!tpu.dma_semaphore, #tpu.memory_space<semaphore_mem>>) src(%dma_wait3A_75 : memref<40x64xf32, #tpu.memory_space<vmem>>) dst(%dma_wait3A_71 : memref<40x64xf32, #tpu.memory_space<hbm>>)
        tpu.yield
      }) : () -> ()
    }
    %scan3A_9 = arith.constant 125 : i32
    return
  }
}

module attributes {stable_mosaic.version = 14 : i64} {
  func.func @_ce_body(%arg0: i32, %arg1: memref<8000x8xf32, #tpu.memory_space<vmem>>, %arg2: memref<8x16xf32, #tpu.memory_space<vmem>>, %arg3: memref<8000x16xf32, #tpu.memory_space<vmem>>) attributes {dimension_semantics = [#tpu.dimension_semantics<arbitrary>], iteration_bounds = array<i64: 20>, scalar_prefetch = 0 : i64, scratch_operands = 0 : i64, tpu.core_type = #tpu.core_type<tc>, window_params = [{transform_indices = @transform_0, window_bounds = array<i64: 8000, 8>}, {pipeline_mode = #tpu.pipeline_mode<synchronous>, transform_indices = @transform_1, window_bounds = array<i64: 8, 16>}, {transform_indices = @transform_2, window_bounds = array<i64: 8000, 16>}]} {
    %get3A = arith.constant 0 : index
    %get3A_0 = arith.constant 0 : index
    %get3A_1 = vector.load %arg1[%get3A, %get3A_0] : memref<8000x8xf32, #tpu.memory_space<vmem>>, vector<8000x8xf32>
    %get3A_2 = arith.constant 0 : index
    %get3A_3 = arith.constant 0 : index
    %get3A_4 = vector.load %arg2[%get3A_2, %get3A_3] : memref<8x16xf32, #tpu.memory_space<vmem>>, vector<8x16xf32>
    %dot_general3A = arith.constant dense<0.000000e+00> : vector<8000x16xf32>
    %dot_general3A_5 = tpu.matmul %get3A_1, %get3A_4, %dot_general3A {dimension_numbers = #tpu.dot_dimension_numbers<[1], [0], [0], [1], [0, 0, 1, 1], [], []>, transpose_lhs_hint = false} : vector<8000x8xf32>, vector<8x16xf32>, vector<8000x16xf32> -> vector<8000x16xf32>
    %swap3A = arith.constant 0 : index
    %swap3A_6 = arith.constant 0 : index
    %swap3A_7 = vector.load %arg3[%swap3A, %swap3A_6] : memref<8000x16xf32, #tpu.memory_space<vmem>>, vector<8000x16xf32>
    tpu.vector_store %arg3[%swap3A, %swap3A_6], %dot_general3A_5 {strides = array<i32>} : memref<8000x16xf32, #tpu.memory_space<vmem>>, vector<8000x16xf32>,
    return
  }
  func.func @transform_0(%arg0: i32) -> (i32, i32) {
    %c0_i32 = arith.constant 0 : i32
    %c0_i32_0 = arith.constant 0 : i32
    return %arg0, %c0_i32 : i32, i32
  }
  func.func @transform_1(%arg0: i32) -> (i32, i32) {
    %c0_i32 = arith.constant 0 : i32
    %c0_i32_0 = arith.constant 0 : i32
    %c0_i32_1 = arith.constant 0 : i32
    return %c0_i32, %c0_i32_0 : i32, i32
  }
  func.func @transform_2(%arg0: i32) -> (i32, i32) {
    %c0_i32 = arith.constant 0 : i32
    %c0_i32_0 = arith.constant 0 : i32
    return %arg0, %c0_i32 : i32, i32
  }
}

module attributes {stable_mosaic.version = 14 : i64} {
  func.func @_uv_body(%arg0: i32, %arg1: memref<400x480xf32, #tpu.memory_space<vmem>>, %arg2: memref<480x512xf32, #tpu.memory_space<vmem>>, %arg3: memref<480x512xf32, #tpu.memory_space<vmem>>, %arg4: memref<400x512xf32, #tpu.memory_space<vmem>>, %arg5: memref<400x512xf32, #tpu.memory_space<vmem>>) attributes {dimension_semantics = [#tpu.dimension_semantics<arbitrary>], iteration_bounds = array<i64: 25>, scalar_prefetch = 0 : i64, scratch_operands = 0 : i64, tpu.core_type = #tpu.core_type<tc>, window_params = [{transform_indices = @transform_0, window_bounds = array<i64: 400, 480>}, {pipeline_mode = #tpu.pipeline_mode<synchronous>, transform_indices = @transform_1, window_bounds = array<i64: 480, 512>}, {pipeline_mode = #tpu.pipeline_mode<synchronous>, transform_indices = @transform_2, window_bounds = array<i64: 480, 512>}, {transform_indices = @transform_3, window_bounds = array<i64: 400, 512>}, {transform_indices = @transform_4, window_bounds = array<i64: 400, 512>}]} {
    %get3A = arith.constant 0 : index
    %get3A_0 = arith.constant 0 : index
    %get3A_1 = vector.load %arg1[%get3A, %get3A_0] : memref<400x480xf32, #tpu.memory_space<vmem>>, vector<400x480xf32>
    %get3A_2 = arith.constant 0 : index
    %get3A_3 = arith.constant 0 : index
    %get3A_4 = vector.load %arg2[%get3A_2, %get3A_3] : memref<480x512xf32, #tpu.memory_space<vmem>>, vector<480x512xf32>
    %dot_general3A = arith.constant dense<0.000000e+00> : vector<400x512xf32>
    %dot_general3A_5 = tpu.matmul %get3A_1, %get3A_4, %dot_general3A {dimension_numbers = #tpu.dot_dimension_numbers<[1], [0], [0], [1], [0, 0, 1, 1], [], []>, transpose_lhs_hint = false} : vector<400x480xf32>, vector<480x512xf32>, vector<400x512xf32> -> vector<400x512xf32>
    %swap3A = arith.constant 0 : index
    %swap3A_6 = arith.constant 0 : index
    %swap3A_7 = vector.load %arg4[%swap3A, %swap3A_6] : memref<400x512xf32, #tpu.memory_space<vmem>>, vector<400x512xf32>
    tpu.vector_store %arg4[%swap3A, %swap3A_6], %dot_general3A_5 {strides = array<i32>} : memref<400x512xf32, #tpu.memory_space<vmem>>, vector<400x512xf32>,
    %get3A_8 = arith.constant 0 : index
    %get3A_9 = arith.constant 0 : index
    %get3A_10 = vector.load %arg3[%get3A_8, %get3A_9] : memref<480x512xf32, #tpu.memory_space<vmem>>, vector<480x512xf32>
    %dot_general3A_11 = arith.constant dense<0.000000e+00> : vector<400x512xf32>
    %dot_general3A_12 = tpu.matmul %get3A_1, %get3A_10, %dot_general3A_11 {dimension_numbers = #tpu.dot_dimension_numbers<[1], [0], [0], [1], [0, 0, 1, 1], [], []>, transpose_lhs_hint = false} : vector<400x480xf32>, vector<480x512xf32>, vector<400x512xf32> -> vector<400x512xf32>
    %swap3A_13 = arith.constant 0 : index
    %swap3A_14 = arith.constant 0 : index
    %swap3A_15 = vector.load %arg5[%swap3A_13, %swap3A_14] : memref<400x512xf32, #tpu.memory_space<vmem>>, vector<400x512xf32>
    tpu.vector_store %arg5[%swap3A_13, %swap3A_14], %dot_general3A_12 {strides = array<i32>} : memref<400x512xf32, #tpu.memory_space<vmem>>, vector<400x512xf32>,
    return
  }
  func.func @transform_0(%arg0: i32) -> (i32, i32) {
    %c0_i32 = arith.constant 0 : i32
    %c0_i32_0 = arith.constant 0 : i32
    return %arg0, %c0_i32 : i32, i32
  }
  func.func @transform_1(%arg0: i32) -> (i32, i32) {
    %c0_i32 = arith.constant 0 : i32
    %c0_i32_0 = arith.constant 0 : i32
    %c0_i32_1 = arith.constant 0 : i32
    return %c0_i32, %c0_i32_0 : i32, i32
  }
  func.func @transform_2(%arg0: i32) -> (i32, i32) {
    %c0_i32 = arith.constant 0 : i32
    %c0_i32_0 = arith.constant 0 : i32
    %c0_i32_1 = arith.constant 0 : i32
    return %c0_i32, %c0_i32_0 : i32, i32
  }
  func.func @transform_3(%arg0: i32) -> (i32, i32) {
    %c0_i32 = arith.constant 0 : i32
    %c0_i32_0 = arith.constant 0 : i32
    return %arg0, %c0_i32 : i32, i32
  }
  func.func @transform_4(%arg0: i32) -> (i32, i32) {
    %c0_i32 = arith.constant 0 : i32
    %c0_i32_0 = arith.constant 0 : i32
    return %arg0, %c0_i32 : i32, i32
  }
}

</mosaic_0001>

<sc_bundles>
// kernel: kernel.5.cloned.1.call-start
scs
__scs_entry_jumppad:
0x0: {  	(pc) =	sbr.rel $0x88, $3  }
0x1: {  	(tag) =	ssettag $0x0;
	lr =	simm.s32 $0x1  }
0x2: {  	[smem:$0x3F99] =	sst lr;
	_ =	strace $0xD0000000  }
0x3: {  	_ = 	snop  }
0x4: {  	_ = 	snop  }
0x5: {  	_ = 	snop  }
0x6: {  	_ = 	snop  }
0x7: {  	_ = 	snop  }
__scs_overlays_trampoline_lowered:
0x8: {  	[smem:$0x3FA8] =	sst s0  }
0x9: {  	[smem:$0x3FA9] =	sst s1  }
0xa: {  	[smem:$0x3FAA] =	sst s2  }
0xb: {  	[smem:$0x3FAB] =	sst s3  }
0xc: {  	[smem:$0x3FAC] =	sst s4  }
0xd: {  	[smem:$0x3FAD] =	sst s5  }
0xe: {  	[smem:$0x3FAE] =	sst s6  }
0xf: {  	[smem:$0x3FAF] =	sst s7  }
0x10: {  	[smem:$0x3FB0] =	sst s8  }
0x11: {  	[smem:$0x3FB1] =	sst s9;
	s0 =	simm.s32 @!p0 $0x0  }
0x12: {  	s1 =	sld [smem:$0x3F97];
	s0 =	simm.s32 @p0 $0x1  }
0x13: {  	[smem:$0x3FB2] =	sst s0;
	s0 =	simm.s32 @!p1 $0x0  }
0x14: {  	s2 =	sld [smem:$0x3F96];
	s0 =	simm.s32 @p1 $0x1  }
0x15: {  	[smem:$0x3FB3] =	sst s0;
	s0 =	simm.s32 @!p2 $0x0  }
0x16: {  	s3 =	sld [smem:$0x3FDB];
	s0 =	simm.s32 @p2 $0x1  }
0x17: {  	s4 =	simm.s32 $0x1BF5;
	[smem:$0x3FB5] =	sst s0  }
0x18: {  	s0 =	sld [smem:$0x3F98];
	_ =	swait.ge [sflag:s4], $0x0  }
0x19: {  	s7 =	sld [smem:$0x3F99]  }
0x1a: {  	s8 =	sadd.s32 $0xFFFFE003, lr  }
0x1b: {  	s9 =	sadd.s32 $0xFFFFFEF7, lr;
	s5 =	simm.s32 $0xFFFFFFFF;
	p2 =	slt.u32 s8, $0xFFFFF086  }
0x1c: {  	p1 =	slt.u32 s9, $0xF7A;
	s5 =	simm.s32 @!p2 $0x0  }
0x1d: {  	s5 =	simm.s32 @p1 $0x1;
	p0 =	seq.s32 s7, s2  }
0x1e: {  	s7 =	smul.u32 @!p0 $0xF7A, s2;
	p2 =	seq.s32 @!p0 s5, $0x0  }
0x1f: {  	s9 =	smul.u32 $0xF7A, s1;
	s8 =	simm.s32 @!p0 $0x1BF5;
	p2 =	por !p2, p0  }
0x20: {  	[sflag:s8] =	ssyncset.s32 @!p0 $0xFFFFF086;
	s6 =	sadd.s32 @!p0 s3, s7;
	s7 =	simm.s32 @!p0 $0x108  }
0x21: {  	s3 =	sadd.s32 s3, s9;
	s6 =	sadd.s32 @!p0 $0x88, s6;
	s7 =	simm.s32 @p2 $0x1082  }
0x22: {  	[simem:s7], [sflag:s8] =	dma.local @!p0 [hbm:s6], $0xF7A  }
0x23: {  	s9 =	sor.u32 $0xD0000000, s2;
	s6 =	simm.s32 $0x108;
	_ =	swait.ge @!p0 [sflag:s8], $0x0  }
0x24: {  	s3 =	sadd.s32 $0x88, s3;
	s6 =	simm.s32 @!p1 $0x1082;
	[sflag:s4] =	ssyncset.s32 $0xFFFFF086  }
0x25: {  	[simem:s6], [sflag:s4] =	dma.local [hbm:s3], $0xF7A  }
0x26: {  	[smem:$0x3F99] =	sst s1;
	(tag) =	ssettag s2;
	_ =	strace s9  }
0x27: {  	s1 =	sld [smem:$0x3FA9]  }
0x28: {  	s2 =	sld [smem:$0x3FAA]  }
0x29: {  	s4 =	sld [smem:$0x3FAC]  }
0x2a: {  	p0 =	seq.s32 s5, $0x0;
	s5 =	sld [smem:$0x3FAD]  }
0x2b: {  	s6 =	sld [smem:$0x3FAE]  }
0x2c: {  	s7 =	sld [smem:$0x3FAF]  }
0x2d: {  	s3 =	simm.s32 $0x108;
	s8 =	sld [smem:$0x3FB0]  }
0x2e: {  	s3 =	simm.s32 @!p0 $0x1082;
	s9 =	sld [smem:$0x3FB1]  }
0x2f: {  	lr =	sadd.s32 s0, s3;
	s0 =	sld [smem:$0x3FA8]  }
0x30: {  	s3 =	sld [smem:$0x3FAB]  }
0x31: {  	[smem:$0x3FB4] =	sst s10  }
0x32: {  	s10 =	sld [smem:$0x3FB2];
	_ =	sdelay $0x3  }
0x33: {  	p0 =	seq.s32 s10, $0x1;
	s10 =	sld [smem:$0x3FB4];
	_ =	sdelay $0x3  }
0x34: {  	[smem:$0x3FB4] =	sst s10  }
0x35: {  	s10 =	sld [smem:$0x3FB3];
	_ =	sdelay $0x3  }
0x36: {  	p1 =	seq.s32 s10, $0x1;
	s10 =	sld [smem:$0x3FB4];
	_ =	sdelay $0x3  }
0x37: {  	[smem:$0x3FB4] =	sst s10  }
0x38: {  	s10 =	sld [smem:$0x3FB5]  }
0x39: {  	_ = 	snop;
	(pc) =	sbr.ind lr, $3  }
0x3a: {  	_ = 	snop  }
0x3b: {  	_ = 	snop  }
0x3c: {  	p2 =	seq.s32 s10, $0x1;
	s10 =	sld [smem:$0x3FB4]  }
0x3d: {  	_ =	shalt  }
0x3e: {  	_ =	shalt  }
0x3f: {  	_ =	shalt  }
0x40: {  	_ =	shalt  }
0x41: {  	_ =	shalt  }
0x42: {  	_ =	shalt  }
0x43: {  	_ =	shalt  }
0x44: {  	_ =	shalt  }
0x45: {  	_ =	shalt  }
0x46: {  	_ =	shalt  }
0x47: {  	_ =	shalt  }
0x48: {  	_ =	shalt  }
0x49: {  	_ =	shalt  }
0x4a: {  	_ =	shalt  }
0x4b: {  	_ =	shalt  }
0x4c: {  	_ =	shalt  }
0x4d: {  	_ =	shalt  }
0x4e: {  	_ =	shalt  }
0x4f: {  	_ =	shalt  }
0x50: {  	_ =	shalt  }
0x51: {  	_ =	shalt  }
0x52: {  	_ =	shalt  }
0x53: {  	_ =	shalt  }
0x54: {  	_ =	shalt  }
0x55: {  	_ =	shalt  }
0x56: {  	_ =	shalt  }
0x57: {  	_ =	shalt  }
0x58: {  	_ =	shalt  }
0x59: {  	_ =	shalt  }
0x5a: {  	_ =	shalt  }
0x5b: {  	_ =	shalt  }
0x5c: {  	_ =	shalt  }
0x5d: {  	_ =	shalt  }
0x5e: {  	_ =	shalt  }
0x5f: {  	_ =	shalt  }
0x60: {  	_ =	shalt  }
0x61: {  	_ =	shalt  }
0x62: {  	_ =	shalt  }
0x63: {  	_ =	shalt  }
0x64: {  	_ =	shalt  }
0x65: {  	_ =	shalt  }
0x66: {  	_ =	shalt  }
0x67: {  	_ =	shalt  }
0x68: {  	_ =	shalt  }
0x69: {  	_ =	shalt  }
0x6a: {  	_ =	shalt  }
0x6b: {  	_ =	shalt  }
0x6c: {  	_ =	shalt  }
0x6d: {  	_ =	shalt  }
0x6e: {  	_ =	shalt  }
0x6f: {  	_ =	shalt  }
0x70: {  	_ =	shalt  }
0x71: {  	_ =	shalt  }
0x72: {  	_ =	shalt  }
0x73: {  	_ =	shalt  }
0x74: {  	_ =	shalt  }
0x75: {  	_ =	shalt  }
0x76: {  	_ =	shalt  }
0x77: {  	_ =	shalt  }
0x78: {  	_ =	shalt  }
0x79: {  	_ =	shalt  }
0x7a: {  	_ =	shalt  }
0x7b: {  	_ =	shalt  }
0x7c: {  	_ =	shalt  }
0x7d: {  	_ =	shalt  }
0x7e: {  	_ =	shalt  }
0x7f: {  	_ =	shalt  }
0x80: {  	_ =	shalt  }
0x81: {  	_ =	shalt  }
0x82: {  	_ =	shalt  }
0x83: {  	_ =	shalt  }
0x84: {  	_ =	shalt  }
0x85: {  	_ =	shalt  }
0x86: {  	_ =	shalt  }
0x87: {  	_ =	shalt  }
.Lfunc_end0:
.L_simem_size_0:
called_computation.3_lowered:
.L_overlay_start_0:
0x88: {  	s2 =	sld [smem:$0x3FD9]  }
0x89: {  	s3 =	sld [smem:$0x3FFE];
	_ =	sdelay $0x1  }
0x8a: {  	s1 =	srdreg.scid  }
0x8b: {  	s0 =	sand.u32 $0x1, s1  }
0x8c: {  	s17 =	sshll.u32 s0, $0xA;
	s2 =	sadd.s32 s3, s2  }
0x8d: {  	s2 =	sadd.s32 s2, s17  }
0x8e: {  	[smem:$0x3FC0] =	sst s2  }
0x8f: {  	_ = 	snop  }
0x90: {  	s2 =	sld [smem:$0x3FD0];
	(tm) =	ssettm $0x1  }
0x91: {  	s18 =	sld [smem:$0x3FFB];
	_ =	sdelay $0x3  }
0x92: {  	_ =	strace s18  }
0x93: {  	s3 =	sld [smem:$0x3FFC];
	_ =	sdelay $0x3  }
0x94: {  	_ =	strace s3  }
0x95: {  	s3 =	sld [smem:$0x3FFD];
	_ =	sdelay $0x3  }
0x96: {  	_ =	strace s3  }
0x97: {  	_ =	strace $0x8FFFFFFF  }
0x98: {  	s19 =	sld [smem:$0x3FDB];
	_ =	sdelay $0x1  }
0x99: {  	s4 =	simm.s32 $_scs_section_size  }
0x9a: {  	s5 =	simm.s32 $_size__tile_overlayer_lowered;
	s6 =	simm.s32 $_tile_overlayer_lowered  }
0x9b: {  	s22 =	simm.s32 $0x1BFF;
	s21 =	sshll.u32 s6, $0x1;
	s3 =	sadd.s32 s4, s19  }
0x9c: {  	s7 =	simm.s32 $0x0;
	s20 =	sshll.u32 s5, $0x1;
	s5 =	sadd.s32 s21, s3  }
0x9d: {  	[timem:s7], [sflag:s22] =	dma.local [hbm:s5], s20  }
0x9e: {  	_ =	swait.ge [sflag:s22], s20  }
0x9f: {  	s4 =	ssub.s32 $0x0, s20;
	[sflag:s22] =	ssyncset.done $0x0  }
0xa0: {  	[sflag:s22] =	ssyncadd.s32 s4;
	_ =	sdelay $0x1  }
0xa1: {  	s23 =	simm.s32 $0x1B8B  }
0xa2: {  	_ =	swait.ge [sflag:s23], $0x1  }
0xa3: {  	[sflag:s23] =	ssyncset.done $0x0  }
0xa4: {  	s25 =	simm.s32 $0x1B8E;
	s24 =	sld [smem:$0x3FFE];
	[sflag:s23] =	ssyncadd.s32 $0xFFFFFFFF  }
0xa5: {  	s26 =	simm.s32 $execute0_lowered;
	[smem:$0x3FD2] =	sst s25  }
0xa6: {  	s5 =	sshll.u32 s26, $0x1;
	_ =	strace $0x80000046;
	[dreg:$0x1] =	wrdreg $0xFFFFFFFF  }
0xa7: {  	s28 =	simm.s32 $_size_execute0_lowered;
	s3 =	sadd.s32 s3, s5;
	[dreg:$0x0] =	wrdreg $0x0  }
0xa8: {  	s5 =	sshll.u32 s28, $0x1;
	[dreg:$0x2] =	wrdreg s3  }
0xa9: {  	[dreg:$0x3] =	wrdreg s5  }
0xaa: {  	[dreg:$0x4] =	wrdreg $0xC0  }
0xab: {  	_ =	task [dreg:s7], $0x5FFFF  }
0xac: {  	[dreg:$0x1] =	wrdreg $0xFFFFFFFF  }
0xad: {  	[dreg:$0x0] =	wrdreg $0x60  }
0xae: {  	[dreg:$0x2] =	wrdreg s24  }
0xaf: {  	[dreg:$0x3] =	wrdreg s2  }
0xb0: {  	[dreg:$0x4] =	wrdreg $0x9  }
0xb1: {  	_ =	task.clear_ibuf [dreg:s7], $0x5FFFF;
	_ =	strace $0x90000046  }
0xb2: {  	s29 =	simm.s32 $0x9;
	_ =	strace $0x80000048  }
0xb3: {  	_ =	swait.ge [sflag:s29], $0x1  }
0xb4: {  	[sflag:s29] =	ssyncadd.s32 $0xFFFFFFFF  }
0xb5: {  	_ =	strace $0x90000048  }
0xb6: {  	_ =	sfence  }
0xb7: {  	s30 =	sld [smem:$0x0];
	_ =	sdelay $0x2  }
0xb8: {  	s31 =	sshll.u32 s1, $0xD;
	s1 =	sshrl.u32 s1, $0x2  }
0xb9: {  	s3 =	sand.u32 $0x4000, s31;
	s1 =	sadd.s32 s1, s30  }
0xba: {  	s0 =	sor.u32 s3, s0;
	s1 =	sshll.u32 s1, $0x11  }
0xbb: {  	s0 =	sor.u32 s1, s0  }
0xbc: {  	s0 =	sadd.s32 $0x8F2B, s0  }
0xbd: {  	[sflag:s0] =	ssyncadd.remote.s32 $0x1  }
0xbe: {  	_ =	sfence.sel $0xFFFF  }
0xbf: {  	[dreg:$0x0] =	wrdreg $0xFFFFFFFF;
	(pc) =	sbr.abs _section_cstart, $3  }
0xc0: {  	[dreg:$0x1] =	wrdreg $0xFFFFFFFF  }
0xc1: {  	_ =	task.clear_ibuf [dreg:s7], $0x2FFFF;
	_ =	strace $0x9FFFFFFF  }
0xc2: {  	(tm) =	ssettm $0x7FFFFFFF  }
0xc3: {  	_ =	shalt  }
tec
execute0_lowered:
.L_overlay_start_1:
0x0: {  	(tag) =	ssettag $0x1  }
0x1: {  	s0 =	rddreg [dreg:$0x0];
	s2 =	simm.s32 $0x0;
	s1 =	srdreg.scid  }
0x2: {  	s8 =	stileid.u32;
	s16 =	simm.s32 $0x2;
	s17 =	simm.s32 $0x7B80  }
0x3: {  	s14 =	simm.s32 $0x9380;
	s18 =	simm.s32 $0x1;
	s19 =	simm.s32 $0xA380  }
0x4: {  	s20 =	simm.s32 $0xB780;
	s21 =	simm.s32 $0xCB80;
	s22 =	simm.s32 $0xDF80  }
0x5: {  	s23 =	simm.s32 $0xF380;
	s24 =	simm.s32 $0x10780;
	s25 =	simm.s32 $0x11B80  }
0x6: {  	s26 =	simm.s32 $0x12F80;
	[smem:$0x7FF] =	sst s2;
	s3 =	sadd.s32 $0xE00, s0  }
0x7: {  	s4 =	sadd.s32 $0xA7600, s0;
	s6 =	sadd.s32 $0x9D200, s0;
	s7 =	sadd.s32 $0xA2200, s0  }
0x8: {  	s5 =	sadd.s32 $0xA7200, s0;
	s1 =	sand.u32 $0x1, s1;
	s29 =	sadd.s32 $0xA7400, s0  }
0x9: {  	v2 =	vlaneseq.u32;
	s8 =	sshll.u32 s8, $0x1;
	s10 =	sadd.s32 $0x143A00, s0;
	s12 =	sadd.s32 $0xF00, s0  }
0xa: {  	vm0 =	vmmov $0xffff;
	v3 =	vimm.s32 $0x0;
	v4 =	vimm.s32 $0x1;
	_ =	strace $0x80000047;
	[dreg:$0x3] =	wrdreg s5;
	s30 =	ssub.s32 $0x2, s1  }
0xb: {  	v5 =	vimm.s32 $0x2;
	v6 =	vimm.s32 $0x3;
	v7 =	vimm.s32 $0x4;
	s13 =	sadd.s32 $0xA7700, s0;
	[dreg:$0x4] =	wrdreg s29;
	s9 =	sshrl.u32 s30, $0x1  }
0xc: {  	v8 =	vimm.s32 $0x5;
	v9 =	vimm.s32 $0x6;
	v10 =	vimm.s32 $0x7;
	s1 =	sor.u32 s1, s8;
	s8 =	simm.s32 $0x8380;
	s5 =	ssub.s32 s30, s9  }
0xd: {  	vm1 =	vmmov $0xfff;
	v11 =	vimm.s32 $0xF;
	v1 =	vshrl.u32 v2, $0x3;
	s11 =	smul.u32 $0x1388, s1;
	s1 =	simm.s32 $0x9B80;
	s31 =	smax.u32 s5, $0x1  }
0xe: {  	v0 =	vand.u32 $0x7, v2;
	v2 =	vor.u32 $0x8, v2;
	v1 =	vmul.u32 $0x8, v1;
	s9 =	simm.s32 $0x8B80;
	s5 =	simm.s32 $0x0;
	[dreg:$0x5] =	wrdreg s31  }
.LBB2_1:
0xf: {  	[dreg:$0x6] =	wrdreg s5  }
0x10: {  	s0 =	rddreg [dreg:$0x3];
	s29 =	simm.s32 $0x14380  }
0x11: {  	[tilespmem:s29], [sflag:$0x2] =	stream.linear.gather [hbm4b:s0+s2], $0x200, $0x38;
	[tilespmem:$0x14780] =	vst v63  }
0x12: {  	_ =	swait.ge [sflag:s16], $0x200  }
0x13: {  	[sflag:s16] =	ssyncset.done $0x0  }
0x14: {  	s31 =	simm.s32 $0x14580;
	s30 =	rddreg [dreg:$0x4];
	[sflag:s16] =	ssyncadd.s32 $0xFFFFFE00  }
0x15: {  	[tilespmem:s31], [sflag:$0x2] =	stream.linear.gather [hbm4b:s30+s2], $0x200, $0x38;
	[tilespmem:$0x14780] =	vst v63  }
0x16: {  	_ =	swait.ge [sflag:s16], $0x200  }
0x17: {  	[sflag:s16] =	ssyncset.done $0x0  }
0x18: {  	s28 =	simm.s32 $0x0;
	[sflag:s16] =	ssyncadd.s32 $0xFFFFFE00  }
.LBB2_2:
0x19: {  	s0 =	smul.u32 $0x28, s28;
	_ =	sdelay $0x1  }
0x1a: {  	s29 =	sadd.s32 s11, s0  }
0x1b: {  	s0 =	sshrl.u32 s29, $0x3  }
0x1c: {  	s30 =	simm.s32 $0x0;
	s5 =	sadd.s32 s7, s0  }
0x1d: {  	[tilespmem:s30], [sflag:$0x2] =	stream.linear.gather [hbm4b:s5+s30], $0x28, $0x38;
	[tilespmem:$0x14780] =	vst v63  }
0x1e: {  	_ =	swait.ge [sflag:s16], $0x28  }
0x1f: {  	[sflag:s16] =	ssyncset.done $0x0  }
0x20: {  	s15 =	simm.s32 $0x80;
	s0 =	sadd.s32 s6, s0;
	[sflag:s16] =	ssyncadd.s32 $0xFFFFFFD8  }
0x21: {  	[tilespmem:s15], [sflag:$0x2] =	stream.linear.gather [hbm4b:s0+s30], $0x28, $0x38;
	[tilespmem:$0x14780] =	vst v63  }
0x22: {  	_ =	swait.ge [sflag:s16], $0x28  }
0x23: {  	[sflag:s16] =	ssyncset.done $0x0  }
0x24: {  	[sflag:s16] =	ssyncadd.s32 $0xFFFFFFD8  }
0x25: {  	s5 =	sshll.u32 s29, $0x1;
	s15 =	rddreg [dreg:$0x1]  }
0x26: {  	s31 =	simm.s32 $0x100;
	s0 =	sadd.s32 s15, s5  }
0x27: {  	[tilespmem:s31], [sflag:$0x2] =	stream.linear.gather [hbm4b:s0+s30], $0x280, $0x38;
	[tilespmem:$0x14780] =	vst v63  }
0x28: {  	_ =	swait.ge [sflag:s16], $0x280  }
0x29: {  	[sflag:s16] =	ssyncset.done $0x0  }
0x2a: {  	[sflag:s16] =	ssyncadd.s32 $0xFFFFFD80  }
0x2b: {  	v12 =	vld [tilespmem:$0x0];
	_ =	sdelay $0x4  }
0x2c: {  	v13 =	vshll.u32 v12, $0x2  }
0x2d: {  	v12 =	vand.u32 $0x7, v12;
	v13 =	vand.u32 $0xFFFFFFE0, v13  }
0x2e: {  	v12 =	vor.u32 v12, v13  }
0x2f: {  	v13 =	vperm.xlane v12, v0;
	_ =	sdelay $0x1  }
0x30: {  	v13 =	vadd.s32 v1, v13;
	_ =	sdelay $0x1  }
0x31: {  	v12 =	vperm.xlane v12, v2;
	_ =	sdelay $0x1  }
0x32: {  	s15 =	simm.s32 $0x380;
	v12 =	vadd.s32 v1, v12  }
0x33: {  	[tilespmem:s15], [sflag:$0x1] =	stream.indirect_vreg.gather [hbm4b:s3+s30], $0x80, v13, vm0, $0xb8;
	[tilespmem:$0x14780] =	vst v63  }
0x34: {  	s5 =	simm.s32 $0xB80  }
0x35: {  	[tilespmem:s5], [sflag:$0x1] =	stream.indirect_vreg.gather [hbm4b:s12+s30], $0x80, v13, vm0, $0xb8;
	[tilespmem:$0x14780] =	vst v63  }
0x36: {  	s15 =	simm.s32 $0x1380  }
0x37: {  	[tilespmem:s15], [sflag:$0x1] =	stream.indirect_vreg.gather [hbm4b:s3+s30], $0x80, v12, vm0, $0xb8;
	[tilespmem:$0x14780] =	vst v63  }
0x38: {  	s5 =	simm.s32 $0x1B80  }
0x39: {  	[tilespmem:s5], [sflag:$0x1] =	stream.indirect_vreg.gather [hbm4b:s12+s30], $0x80, v12, vm0, $0xb8;
	[tilespmem:$0x14780] =	vst v63  }
0x3a: {  	v12 =	vld [tilespmem:$0x10];
	_ =	sdelay $0x4  }
0x3b: {  	v59 =	vshll.u32 v12, $0x2  }
0x3c: {  	v12 =	vand.u32 $0x7, v12;
	v13 =	vand.u32 $0xFFFFFFE0, v59  }
0x3d: {  	v12 =	vor.u32 v12, v13  }
0x3e: {  	v13 =	vperm.xlane v12, v0;
	_ =	sdelay $0x1  }
0x3f: {  	v13 =	vadd.s32 v1, v13;
	_ =	sdelay $0x1  }
0x40: {  	v12 =	vperm.xlane v12, v2;
	_ =	sdelay $0x1  }
0x41: {  	s15 =	simm.s32 $0x2380;
	v12 =	vadd.s32 v1, v12  }
0x42: {  	[tilespmem:s15], [sflag:$0x1] =	stream.indirect_vreg.gather [hbm4b:s3+s30], $0x80, v13, vm0, $0xb8;
	[tilespmem:$0x14780] =	vst v63  }
0x43: {  	s5 =	simm.s32 $0x2B80  }
0x44: {  	[tilespmem:s5], [sflag:$0x1] =	stream.indirect_vreg.gather [hbm4b:s12+s30], $0x80, v13, vm0, $0xb8;
	[tilespmem:$0x14780] =	vst v63  }
0x45: {  	s15 =	simm.s32 $0x3380  }
0x46: {  	[tilespmem:s15], [sflag:$0x1] =	stream.indirect_vreg.gather [hbm4b:s3+s30], $0x80, v12, vm0, $0xb8;
	[tilespmem:$0x14780] =	vst v63  }
0x47: {  	s5 =	simm.s32 $0x3B80  }
0x48: {  	[tilespmem:s5], [sflag:$0x1] =	stream.indirect_vreg.gather [hbm4b:s12+s30], $0x80, v12, vm0, $0xb8;
	[tilespmem:$0x14780] =	vst v63  }
0x49: {  	v12 =	vld.msk [tilespmem:$0x20], $0xff;
	_ =	sdelay $0x4  }
0x4a: {  	v60 =	vshll.u32 v12, $0x2  }
0x4b: {  	v12 =	vand.u32 $0x7, v12;
	v13 =	vand.u32 $0xFFFFFFE0, v60  }
0x4c: {  	v12 =	vor.u32 v12, v13  }
0x4d: {  	v12 =	vperm.xlane v12, v0;
	_ =	sdelay $0x1  }
0x4e: {  	v12 =	vadd.s32 v1, v12;
	_ =	sdelay $0x3  }
0x4f: {  	s15 =	simm.s32 $0x4380  }
0x50: {  	[tilespmem:s15], [sflag:$0x1] =	stream.indirect_vreg.gather [hbm4b:s3+s30], $0x80, v12, vm0, $0xb8;
	[tilespmem:$0x14780] =	vst v63  }
0x51: {  	s5 =	simm.s32 $0x4B80  }
0x52: {  	[tilespmem:s5], [sflag:$0x1] =	stream.indirect_vreg.gather [hbm4b:s12+s30], $0x80, v12, vm0, $0xb8;
	[tilespmem:$0x14780] =	vst v63  }
0x53: {  	v12 =	vld [tilespmem:$0x80];
	_ =	sdelay $0x4  }
0x54: {  	v61 =	vshll.u32 v12, $0x2  }
0x55: {  	v12 =	vand.u32 $0x7, v12;
	v13 =	vand.u32 $0xFFFFFFE0, v61  }
0x56: {  	v12 =	vor.u32 v12, v13  }
0x57: {  	v13 =	vperm.xlane v12, v0;
	_ =	sdelay $0x1  }
0x58: {  	v13 =	vadd.s32 v1, v13;
	_ =	sdelay $0x1  }
0x59: {  	v12 =	vperm.xlane v12, v2;
	_ =	sdelay $0x1  }
0x5a: {  	s15 =	simm.s32 $0x5380;
	v12 =	vadd.s32 v1, v12  }
0x5b: {  	[tilespmem:s15], [sflag:$0x1] =	stream.indirect_vreg.gather [hbm4b:s4+s30], $0x80, v13, vm0, $0xb8;
	[tilespmem:$0x14780] =	vst v63  }
0x5c: {  	s5 =	simm.s32 $0x5B80  }
0x5d: {  	[tilespmem:s5], [sflag:$0x1] =	stream.indirect_vreg.gather [hbm4b:s13+s30], $0x80, v13, vm0, $0xb8;
	[tilespmem:$0x14780] =	vst v63  }
0x5e: {  	s15 =	simm.s32 $0x6380  }
0x5f: {  	[tilespmem:s15], [sflag:$0x1] =	stream.indirect_vreg.gather [hbm4b:s4+s30], $0x80, v12, vm0, $0xb8;
	[tilespmem:$0x14780] =	vst v63  }
0x60: {  	s5 =	simm.s32 $0x6B80  }
0x61: {  	[tilespmem:s5], [sflag:$0x1] =	stream.indirect_vreg.gather [hbm4b:s13+s30], $0x80, v12, vm0, $0xb8;
	[tilespmem:$0x14780] =	vst v63  }
0x62: {  	v12 =	vld [tilespmem:$0x90];
	_ =	sdelay $0x4  }
0x63: {  	v62 =	vshll.u32 v12, $0x2  }
0x64: {  	v12 =	vand.u32 $0x7, v12;
	v13 =	vand.u32 $0xFFFFFFE0, v62  }
0x65: {  	v12 =	vor.u32 v12, v13  }
0x66: {  	v13 =	vperm.xlane v12, v0;
	_ =	sdelay $0x1  }
0x67: {  	v13 =	vadd.s32 v1, v13;
	_ =	sdelay $0x1  }
0x68: {  	v12 =	vperm.xlane v12, v2;
	_ =	sdelay $0x1  }
0x69: {  	s15 =	simm.s32 $0x7380;
	v12 =	vadd.s32 v1, v12  }
0x6a: {  	[tilespmem:s15], [sflag:$0x1] =	stream.indirect_vreg.gather [hbm4b:s4+s30], $0x80, v13, vm0, $0xb8;
	[tilespmem:$0x14780] =	vst v63  }
0x6b: {  	_ = 	snop  }
0x6c: {  	[tilespmem:s17], [sflag:$0x1] =	stream.indirect_vreg.gather [hbm4b:s13+s30], $0x80, v13, vm0, $0xb8;
	[tilespmem:$0x14780] =	vst v63  }
0x6d: {  	_ = 	snop  }
0x6e: {  	[tilespmem:s8], [sflag:$0x1] =	stream.indirect_vreg.gather [hbm4b:s4+s30], $0x80, v12, vm0, $0xb8;
	[tilespmem:$0x14780] =	vst v63  }
0x6f: {  	_ = 	snop  }
0x70: {  	[tilespmem:s9], [sflag:$0x1] =	stream.indirect_vreg.gather [hbm4b:s13+s30], $0x80, v12, vm0, $0xb8;
	[tilespmem:$0x14780] =	vst v63  }
0x71: {  	v12 =	vld.msk [tilespmem:$0xA0], $0xff;
	_ =	sdelay $0x4  }
0x72: {  	v63 =	vshll.u32 v12, $0x2  }
0x73: {  	v12 =	vand.u32 $0x7, v12;
	v13 =	vand.u32 $0xFFFFFFE0, v63  }
0x74: {  	v12 =	vor.u32 v12, v13  }
0x75: {  	v12 =	vperm.xlane v12, v0;
	_ =	sdelay $0x1  }
0x76: {  	v12 =	vadd.s32 v1, v12;
	_ =	sdelay $0x4  }
0x77: {  	[tilespmem:s14], [sflag:$0x1] =	stream.indirect_vreg.gather [hbm4b:s4+s30], $0x80, v12, vm0, $0xb8;
	[tilespmem:$0x14780] =	vst v63  }
0x78: {  	_ = 	snop  }
0x79: {  	[tilespmem:s1], [sflag:$0x1] =	stream.indirect_vreg.gather [hbm4b:s13+s30], $0x80, v12, vm0, $0xb8;
	[tilespmem:$0x14780] =	vst v63  }
0x7a: {  	_ =	swait.ge [sflag:s18], $0x5000  }
0x7b: {  	[sflag:s18] =	ssyncset.done $0x0  }
0x7c: {  	[sflag:s18] =	ssyncadd.s32 $0xFFFFB000  }
0x7d: {  	_ =	swait.ge [sflag:s18], $0x5000  }
0x7e: {  	[sflag:s18] =	ssyncset.done $0x0  }
0x7f: {  	s0 =	simm.s32 $0x0;
	[sflag:s18] =	ssyncadd.s32 $0xFFFFB000  }
.LBB2_3:
0x80: {  	s5 =	sand.u32 $0x7000, s0;
	s15 =	sand.u32 $0x380, s30  }
0x81: {  	v12 =	vld [tilespmem:s31+$0x0];
	s5 =	sor.u32 s15, s5  }
0x82: {  	v13 =	vld [tilespmem:s5+$0x380]  }
0x83: {  	v14 =	vld [tilespmem:s5+$0x5380]  }
0x84: {  	v15 =	vld [tilespmem:s5+$0x390]  }
0x85: {  	v16 =	vld [tilespmem:s5+$0x5390]  }
0x86: {  	v17 =	vld [tilespmem:s5+$0x3A0]  }
0x87: {  	v18 =	vld [tilespmem:s5+$0x53A0]  }
0x88: {  	v19 =	vld [tilespmem:s5+$0x3B0]  }
0x89: {  	v20 =	vld [tilespmem:s5+$0x53B0]  }
0x8a: {  	v50 =	vld [tilespmem:s5+$0x3D0]  }
0x8b: {  	v53 =	vld [tilespmem:s5+$0x53D0]  }
0x8c: {  	v55 =	vld [tilespmem:s5+$0x3E0]  }
0x8d: {  	v56 =	vld [tilespmem:s5+$0x53E0]  }
0x8e: {  	v23 =	vld [tilespmem:s5+$0x3F0]  }
0x8f: {  	v58 =	vld [tilespmem:s5+$0x53F0]  }
0x90: {  	v38 =	vld [tilespmem:s5+$0x3C0];
	v21 =	vperm.xlane v12, v3;
	v13 =	vadd.f32 v14, v13;
	v37 =	vadd.f32 v16, v15  }
0x91: {  	v48 =	vld [tilespmem:s5+$0x53C0];
	v49 =	vadd.f32 v18, v17;
	v52 =	vadd.f32 v20, v19  }
0x92: {  	v62 =	vld [tilespmem:s5+$0x780];
	v61 =	vadd.f32 v53, v50;
	v44 =	vadd.f32 v13, v21  }
0x93: {  	v63 =	vld [tilespmem:s5+$0x5780];
	v29 =	vadd.f32 v56, v55;
	v41 =	vadd.f32 v37, v21  }
0x94: {  	v30 =	vld [tilespmem:s5+$0x790];
	v15 =	vadd.f32 v58, v23;
	v51 =	vadd.f32 $0.0e+00, v44  }
0x95: {  	v31 =	vld [tilespmem:s5+$0x5790];
	v42 =	vadd.f32 v49, v21;
	v54 =	vmul.f32 v44, v44;
	v22 =	vmul.f32 v41, v41  }
0x96: {  	v24 =	vperm.xlane v12, v4;
	v18 =	vadd.f32 v52, v21;
	v17 =	vadd.f32 v41, v51  }
0x97: {  	v13 =	vadd.f32 v48, v38;
	v57 =	vmul.f32 v42, v42;
	v20 =	vadd.f32 v22, v54  }
0x98: {  	v45 =	vld [tilespmem:s5+$0x7A0];
	v50 =	vadd.f32 v63, v62;
	v43 =	vnsel vm1, $0x0, v18;
	v17 =	vadd.f32 v42, v17  }
0x99: {  	v46 =	vld [tilespmem:s5+$0x57A0];
	v39 =	vadd.f32 v13, v24;
	v60 =	vmul.f32 v43, v43;
	v59 =	vadd.f32 v57, v20  }
0x9a: {  	v26 =	vld [tilespmem:s5+$0x57F0];
	v14 =	vadd.f32 v31, v30;
	v17 =	vadd.f32 v43, v17  }
0x9b: {  	v37 =	vadd.f32 v61, v24;
	v48 =	vld [tilespmem:s5+$0x7B0];
	v28 =	vmul.f32 v39, v39;
	v18 =	vadd.f32 v60, v59  }
0x9c: {  	v38 =	vadd.f32 v29, v24;
	v49 =	vperm.xlane v12, v5;
	v51 =	vld [tilespmem:s5+$0x57B0];
	v17 =	vadd.f32 v39, v17  }
0x9d: {  	v53 =	vld [tilespmem:s5+$0x7C0];
	v15 =	vadd.f32 v15, v24;
	v40 =	vmul.f32 v37, v37;
	v18 =	vadd.f32 v28, v18  }
0x9e: {  	v56 =	vld [tilespmem:s5+$0x7D0];
	v35 =	vadd.f32 v50, v49;
	v17 =	vadd.f32 v37, v17  }
0x9f: {  	v47 =	vmul.f32 v38, v38;
	v33 =	vadd.f32 v14, v49;
	v57 =	vld [tilespmem:s5+$0x57D0];
	v18 =	vadd.f32 v40, v18  }
0xa0: {  	v13 =	vadd.f32 v46, v45;
	v54 =	vld [tilespmem:s5+$0x57C0];
	v40 =	vnsel vm1, $0x0, v15;
	v17 =	vadd.f32 v38, v17  }
0xa1: {  	v59 =	vld [tilespmem:s5+$0x7E0];
	v16 =	vadd.f32 v51, v48;
	v52 =	vmul.f32 v40, v40;
	v18 =	vadd.f32 v47, v18  }
0xa2: {  	v34 =	vadd.f32 v13, v49;
	v60 =	vld [tilespmem:s5+$0x57E0];
	v17 =	vadd.f32 v40, v17  }
0xa3: {  	v62 =	vld [tilespmem:s5+$0x7F0];
	v55 =	vmul.f32 v35, v35;
	v16 =	vadd.f32 v16, v49;
	v18 =	vadd.f32 v52, v18  }
0xa4: {  	v63 =	vperm.xlane v12, v6;
	v46 =	vld [tilespmem:s5+$0xB80];
	v14 =	vadd.f32 v57, v56;
	v17 =	vadd.f32 v35, v17  }
0xa5: {  	v50 =	vld [tilespmem:s5+$0x5B90];
	v58 =	vmul.f32 v33, v33;
	v15 =	vadd.f32 v54, v53;
	v18 =	vadd.f32 v55, v18  }
0xa6: {  	v49 =	vld [tilespmem:s5+$0xB90];
	v29 =	vadd.f32 v14, v63;
	v17 =	vadd.f32 v33, v17  }
0xa7: {  	v61 =	vmul.f32 v34, v34;
	v57 =	vld [tilespmem:s5+$0x5BB0];
	v13 =	vadd.f32 v60, v59;
	v18 =	vadd.f32 v58, v18  }
0xa8: {  	v53 =	vld [tilespmem:s5+$0x5BA0];
	v36 =	vnsel vm1, $0x0, v16;
	v16 =	vadd.f32 v26, v62;
	v17 =	vadd.f32 v34, v17  }
0xa9: {  	v62 =	vld [tilespmem:s5+$0xBD0];
	v45 =	vmul.f32 v36, v36;
	v31 =	vadd.f32 v15, v63;
	v18 =	vadd.f32 v61, v18  }
0xaa: {  	v47 =	vld [tilespmem:s5+$0x5B80];
	v30 =	vadd.f32 v13, v63;
	v17 =	vadd.f32 v36, v17  }
0xab: {  	v16 =	vadd.f32 v16, v63;
	v63 =	vld [tilespmem:s5+$0x5BD0];
	v48 =	vmul.f32 v31, v31;
	v18 =	vadd.f32 v45, v18  }
0xac: {  	v56 =	vperm.xlane v12, v7;
	v59 =	vld [tilespmem:s5+$0xBC0];
	v14 =	vadd.f32 v50, v49;
	v17 =	vadd.f32 v31, v17  }
0xad: {  	v51 =	vmul.f32 v29, v29;
	v52 =	vld [tilespmem:s5+$0xBA0];
	v18 =	vadd.f32 v48, v18  }
0xae: {  	v60 =	vld [tilespmem:s5+$0x5BC0];
	v25 =	vadd.f32 v14, v56;
	v17 =	vadd.f32 v29, v17  }
0xaf: {  	v54 =	vmul.f32 v30, v30;
	v55 =	vld [tilespmem:s5+$0xBB0];
	v15 =	vadd.f32 v47, v46;
	v18 =	vadd.f32 v51, v18  }
0xb0: {  	v32 =	vnsel vm1, $0x0, v16;
	v14 =	vadd.f32 v63, v62;
	v17 =	vadd.f32 v30, v17  }
0xb1: {  	v58 =	vmul.f32 v32, v32;
	v27 =	vadd.f32 v15, v56;
	v18 =	vadd.f32 v54, v18  }
0xb2: {  	v49 =	vld [tilespmem:s5+$0xBE0];
	v13 =	vadd.f32 v53, v52;
	v17 =	vadd.f32 v32, v17  }
0xb3: {  	v50 =	vld [tilespmem:s5+$0x5BE0];
	v15 =	vadd.f32 v60, v59;
	v61 =	vmul.f32 v27, v27;
	v18 =	vadd.f32 v58, v18  }
0xb4: {  	v16 =	vadd.f32 v57, v55;
	v17 =	vadd.f32 v27, v17  }
0xb5: {  	v26 =	vadd.f32 v13, v56;
	v48 =	vmul.f32 v25, v25;
	v18 =	vadd.f32 v61, v18  }
0xb6: {  	v52 =	vld [tilespmem:s5+$0xBF0];
	v16 =	vadd.f32 v16, v56;
	v17 =	vadd.f32 v25, v17  }
0xb7: {  	v53 =	vld [tilespmem:s5+$0x5BF0];
	v45 =	vperm.xlane v12, v8;
	v51 =	vmul.f32 v26, v26;
	v18 =	vadd.f32 v48, v18  }
0xb8: {  	v59 =	vld [tilespmem:s5+$0x5F90];
	v13 =	vadd.f32 v50, v49;
	v28 =	vnsel vm1, $0x0, v16;
	v17 =	vadd.f32 v26, v17  }
0xb9: {  	v55 =	vld [tilespmem:s5+$0xF80];
	v22 =	vadd.f32 v15, v45;
	v54 =	vmul.f32 v28, v28;
	v18 =	vadd.f32 v51, v18  }
0xba: {  	v56 =	vld [tilespmem:s5+$0x5F80];
	v19 =	vadd.f32 v14, v45;
	v17 =	vadd.f32 v28, v17  }
0xbb: {  	v20 =	vadd.f32 v13, v45;
	v57 =	vmul.f32 v22, v22;
	v58 =	vld [tilespmem:s5+$0xF90];
	v18 =	vadd.f32 v54, v18  }
0xbc: {  	v16 =	vadd.f32 v53, v52;
	v17 =	vadd.f32 v22, v17  }
0xbd: {  	v47 =	vld [tilespmem:s5+$0xFB0];
	v60 =	vmul.f32 v19, v19;
	v18 =	vadd.f32 v57, v18  }
0xbe: {  	v62 =	vld [tilespmem:s5+$0x5FA0];
	v46 =	vmul.f32 v20, v20;
	v16 =	vadd.f32 v16, v45;
	v17 =	vadd.f32 v19, v17  }
0xbf: {  	v15 =	vadd.f32 v56, v55;
	v61 =	vld [tilespmem:s5+$0xFA0];
	v48 =	vperm.xlane v12, v9;
	v18 =	vadd.f32 v60, v18  }
0xc0: {  	v63 =	vld [tilespmem:s5+$0x5FB0];
	v23 =	vnsel vm1, $0x0, v16;
	v14 =	vadd.f32 v59, v58;
	v51 =	vadd.f32 v20, v17  }
0xc1: {  	v56 =	vld [tilespmem:s5+$0x5FC0];
	v53 =	vmul.f32 v23, v23;
	v52 =	vadd.f32 v46, v18;
	v18 =	vadd.f32 v15, v48  }
0xc2: {  	v54 =	vld [tilespmem:s5+$0xFC0];
	v55 =	vadd.f32 v23, v51  }
0xc3: {  	v58 =	vld [tilespmem:s5+$0x5FD0];
	v16 =	vadd.f32 v14, v48;
	v17 =	vadd.f32 v53, v52;
	v49 =	vmul.f32 v18, v18  }
0xc4: {  	v13 =	vadd.f32 v62, v61;
	v57 =	vld [tilespmem:s5+$0xFD0];
	v24 =	vadd.f32 v18, v55  }
0xc5: {  	v21 =	vadd.f32 v63, v47;
	v61 =	vld [tilespmem:s5+$0xFE0];
	v59 =	vadd.f32 v49, v17  }
0xc6: {  	v62 =	vld [tilespmem:s5+$0x5FE0];
	v60 =	vmul.f32 v16, v16;
	v17 =	vadd.f32 v13, v48;
	v24 =	vadd.f32 v16, v24  }
0xc7: {  	v12 =	vperm.xlane v12, v10;
	v21 =	vadd.f32 v21, v48;
	v15 =	vadd.f32 v56, v54;
	v52 =	vld [tilespmem:s5+$0xFF0]  }
0xc8: {  	v53 =	vld [tilespmem:s5+$0x5FF0];
	v47 =	vadd.f32 v60, v59;
	v63 =	vmul.f32 v17, v17;
	v50 =	vadd.f32 v17, v24  }
0xc9: {  	v14 =	vadd.f32 v58, v57;
	v15 =	vadd.f32 v15, v12;
	v24 =	vnsel vm1, $0x0, v21  }
0xca: {  	v47 =	vadd.f32 v63, v47;
	v54 =	vmul.f32 v24, v24;
	v55 =	vadd.f32 v24, v50  }
0xcb: {  	v14 =	vadd.f32 v14, v12;
	v13 =	vadd.f32 v62, v61  }
0xcc: {  	v56 =	vmul.f32 v15, v15;
	v47 =	vadd.f32 v54, v47;
	v45 =	vadd.f32 v15, v55  }
0xcd: {  	v13 =	vadd.f32 v13, v12;
	v21 =	vadd.f32 v53, v52  }
0xce: {  	v57 =	vmul.f32 v14, v14;
	v47 =	vadd.f32 v56, v47;
	v45 =	vadd.f32 v14, v45  }
0xcf: {  	v12 =	vadd.f32 v21, v12  }
0xd0: {  	v59 =	vmul.f32 v13, v13;
	v58 =	vadd.f32 v57, v47;
	v45 =	vadd.f32 v13, v45  }
0xd1: {  	v12 =	vnsel vm1, $0x0, v12  }
0xd2: {  	v60 =	vmul.f32 v12, v12;
	v21 =	vadd.f32 v59, v58;
	v45 =	vadd.f32 v12, v45;
	_ =	sdelay $0x1  }
0xd3: {  	v21 =	vadd.f32 v60, v21;
	(xrf2) =	vadd.scan.msk.f32 $0xffff, v45;
	_ =	sdelay $0x1  }
0xd4: {  	(xrf2) =	vadd.scan.msk.f32 $0xffff, v21;
	_ =	sdelay $0x7  }
0xd5: {  	v61, _, _ =	vpop (xrf2)  }
0xd6: {  	v21 =	vperm.xlane v61, v11  }
0xd7: {  	v62, _, _ =	vpop (xrf2)  }
0xd8: {  	v45 =	vperm.xlane v62, v11;
	v21 =	vmul.f32 $2.083333440e-03, v21;
	_ =	sdelay $0x1  }
0xd9: {  	v45 =	vmul.f32 $2.083333440e-03, v45;
	v63 =	vmul.f32 v21, v21;
	_ =	sdelay $0x1  }
0xda: {  	v45 =	vsub.f32 v45, v63;
	_ =	sdelay $0x1  }
0xdb: {  	v45 =	vadd.f32 $9.999999740e-06, v45;
	_ =	sdelay $0x1  }
0xdc: {  	v48 =	vshra.s32 v45, $0x1;
	v45 =	vmul.f32 $5.000000000e-01, v45  }
0xdd: {  	v46 =	vsub.s32 $0x5F3759DF, v48  }
0xde: {  	v49 =	vmul.f32 v46, v45;
	_ =	sdelay $0x1  }
0xdf: {  	v47 =	vmul.f32 v46, v49;
	_ =	sdelay $0x1  }
0xe0: {  	v47 =	vsub.f32 $1.500000000e+00, v47;
	_ =	sdelay $0x1  }
0xe1: {  	v46 =	vmul.f32 v46, v47;
	_ =	sdelay $0x1  }
0xe2: {  	v47 =	vmul.f32 v46, v45;
	_ =	sdelay $0x1  }
0xe3: {  	v47 =	vmul.f32 v47, v46;
	_ =	sdelay $0x1  }
0xe4: {  	v47 =	vsub.f32 $1.500000000e+00, v47;
	_ =	sdelay $0x1  }
0xe5: {  	v46 =	vmul.f32 v47, v46;
	_ =	sdelay $0x1  }
0xe6: {  	v45 =	vmul.f32 v46, v45;
	_ =	sdelay $0x1  }
0xe7: {  	v45 =	vmul.f32 v45, v46;
	_ =	sdelay $0x1  }
0xe8: {  	v45 =	vsub.f32 $1.500000000e+00, v45  }
0xe9: {  	v50 =	vld [tilespmem:$0x14380]  }
0xea: {  	v44 =	vsub.f32 v44, v21;
	v45 =	vmul.f32 v45, v46  }
0xeb: {  	v51 =	vld [tilespmem:$0x14580]  }
0xec: {  	v44 =	vmul.f32 v45, v44;
	_ =	sdelay $0x1  }
0xed: {  	v44 =	vmul.f32 v44, v50;
	_ =	sdelay $0x1  }
0xee: {  	v44 =	vadd.f32 v44, v51;
	_ =	sdelay $0x1  }
0xef: {  	s15 =	sshra.s32 s0, $0x2;
	v44 =	vmax.f32 v44, $0.0e+00  }
0xf0: {  	[tilespmem:s15+$0xA380] =	vst v44  }
0xf1: {  	v44 =	vld [tilespmem:$0x14390]  }
0xf2: {  	v41 =	vsub.f32 v41, v21  }
0xf3: {  	v52 =	vld [tilespmem:$0x14590]  }
0xf4: {  	v41 =	vmul.f32 v45, v41;
	_ =	sdelay $0x1  }
0xf5: {  	v41 =	vmul.f32 v41, v44;
	_ =	sdelay $0x1  }
0xf6: {  	v41 =	vadd.f32 v41, v52;
	_ =	sdelay $0x1  }
0xf7: {  	v41 =	vmax.f32 v41, $0.0e+00  }
0xf8: {  	[tilespmem:s15+$0xA390] =	vst v41  }
0xf9: {  	v41 =	vld [tilespmem:$0x143A0]  }
0xfa: {  	v42 =	vsub.f32 v42, v21  }
0xfb: {  	v53 =	vld [tilespmem:$0x145A0]  }
0xfc: {  	v42 =	vmul.f32 v45, v42;
	_ =	sdelay $0x1  }
0xfd: {  	v41 =	vmul.f32 v42, v41;
	_ =	sdelay $0x1  }
0xfe: {  	v41 =	vadd.f32 v41, v53;
	_ =	sdelay $0x1  }
0xff: {  	v41 =	vmax.f32 v41, $0.0e+00  }
0x100: {  	[tilespmem:s15+$0xA3A0] =	vst v41  }
0x101: {  	v41 =	vld [tilespmem:$0x143B0]  }
0x102: {  	v54 =	vsub.f32 v43, v21  }
0x103: {  	v55 =	vld [tilespmem:$0x145B0]  }
0x104: {  	v42 =	vmul.f32 v45, v54;
	_ =	sdelay $0x1  }
0x105: {  	v41 =	vmul.f32 v42, v41;
	_ =	sdelay $0x1  }
0x106: {  	v41 =	vadd.f32 v41, v55;
	_ =	sdelay $0x1  }
0x107: {  	v41 =	vmax.f32 v41, $0.0e+00  }
0x108: {  	[tilespmem:s15+$0xA3B0] =	vst v41  }
0x109: {  	v41 =	vld [tilespmem:$0x143C0]  }
0x10a: {  	v39 =	vsub.f32 v39, v21  }
0x10b: {  	v56 =	vld [tilespmem:$0x145C0]  }
0x10c: {  	v39 =	vmul.f32 v45, v39;
	_ =	sdelay $0x1  }
0x10d: {  	v39 =	vmul.f32 v39, v41;
	_ =	sdelay $0x1  }
0x10e: {  	v39 =	vadd.f32 v39, v56;
	_ =	sdelay $0x1  }
0x10f: {  	v39 =	vmax.f32 v39, $0.0e+00  }
0x110: {  	[tilespmem:s15+$0xB780] =	vst v39  }
0x111: {  	v39 =	vld [tilespmem:$0x143D0]  }
0x112: {  	v37 =	vsub.f32 v37, v21  }
0x113: {  	v57 =	vld [tilespmem:$0x145D0]  }
0x114: {  	v37 =	vmul.f32 v45, v37;
	_ =	sdelay $0x1  }
0x115: {  	v37 =	vmul.f32 v37, v39;
	_ =	sdelay $0x1  }
0x116: {  	v37 =	vadd.f32 v37, v57;
	_ =	sdelay $0x1  }
0x117: {  	v37 =	vmax.f32 v37, $0.0e+00  }
0x118: {  	[tilespmem:s15+$0xB790] =	vst v37  }
0x119: {  	v37 =	vld [tilespmem:$0x143E0]  }
0x11a: {  	v38 =	vsub.f32 v38, v21  }
0x11b: {  	v58 =	vld [tilespmem:$0x145E0]  }
0x11c: {  	v38 =	vmul.f32 v45, v38;
	_ =	sdelay $0x1  }
0x11d: {  	v37 =	vmul.f32 v38, v37;
	_ =	sdelay $0x1  }
0x11e: {  	v37 =	vadd.f32 v37, v58;
	_ =	sdelay $0x1  }
0x11f: {  	v37 =	vmax.f32 v37, $0.0e+00  }
0x120: {  	[tilespmem:s15+$0xB7A0] =	vst v37  }
0x121: {  	v37 =	vld [tilespmem:$0x143F0]  }
0x122: {  	v59 =	vsub.f32 v40, v21  }
0x123: {  	v60 =	vld [tilespmem:$0x145F0]  }
0x124: {  	v38 =	vmul.f32 v45, v59;
	_ =	sdelay $0x1  }
0x125: {  	v37 =	vmul.f32 v37, v38;
	_ =	sdelay $0x1  }
0x126: {  	v37 =	vadd.f32 v60, v37;
	_ =	sdelay $0x1  }
0x127: {  	v37 =	vmax.f32 v37, $0.0e+00  }
0x128: {  	[tilespmem:s15+$0xB7B0] =	vst v37  }
0x129: {  	v37 =	vld [tilespmem:$0x14400]  }
0x12a: {  	v35 =	vsub.f32 v35, v21  }
0x12b: {  	v61 =	vld [tilespmem:$0x14600]  }
0x12c: {  	v35 =	vmul.f32 v45, v35;
	_ =	sdelay $0x1  }
0x12d: {  	v35 =	vmul.f32 v37, v35;
	_ =	sdelay $0x1  }
0x12e: {  	v35 =	vadd.f32 v61, v35;
	_ =	sdelay $0x1  }
0x12f: {  	v35 =	vmax.f32 v35, $0.0e+00  }
0x130: {  	[tilespmem:s15+$0xCB80] =	vst v35  }
0x131: {  	v35 =	vld [tilespmem:$0x14410]  }
0x132: {  	v33 =	vsub.f32 v33, v21  }
0x133: {  	v62 =	vld [tilespmem:$0x14610]  }
0x134: {  	v33 =	vmul.f32 v45, v33;
	_ =	sdelay $0x1  }
0x135: {  	v33 =	vmul.f32 v35, v33;
	_ =	sdelay $0x1  }
0x136: {  	v33 =	vadd.f32 v62, v33;
	_ =	sdelay $0x1  }
0x137: {  	v33 =	vmax.f32 v33, $0.0e+00  }
0x138: {  	[tilespmem:s15+$0xCB90] =	vst v33  }
0x139: {  	v33 =	vld [tilespmem:$0x14420]  }
0x13a: {  	v34 =	vsub.f32 v34, v21  }
0x13b: {  	v63 =	vld [tilespmem:$0x14620]  }
0x13c: {  	v34 =	vmul.f32 v45, v34;
	_ =	sdelay $0x1  }
0x13d: {  	v33 =	vmul.f32 v33, v34;
	_ =	sdelay $0x1  }
0x13e: {  	v33 =	vadd.f32 v63, v33;
	_ =	sdelay $0x1  }
0x13f: {  	v33 =	vmax.f32 v33, $0.0e+00  }
0x140: {  	[tilespmem:s15+$0xCBA0] =	vst v33  }
0x141: {  	v33 =	vld [tilespmem:$0x14430]  }
0x142: {  	v37 =	vsub.f32 v36, v21  }
0x143: {  	v38 =	vld [tilespmem:$0x14630]  }
0x144: {  	v34 =	vmul.f32 v45, v37;
	_ =	sdelay $0x1  }
0x145: {  	v33 =	vmul.f32 v33, v34;
	_ =	sdelay $0x1  }
0x146: {  	v33 =	vadd.f32 v38, v33;
	_ =	sdelay $0x1  }
0x147: {  	v33 =	vmax.f32 v33, $0.0e+00  }
0x148: {  	[tilespmem:s15+$0xCBB0] =	vst v33  }
0x149: {  	v33 =	vld [tilespmem:$0x14440]  }
0x14a: {  	v31 =	vsub.f32 v31, v21  }
0x14b: {  	v39 =	vld [tilespmem:$0x14640]  }
0x14c: {  	v31 =	vmul.f32 v45, v31;
	_ =	sdelay $0x1  }
0x14d: {  	v31 =	vmul.f32 v33, v31;
	_ =	sdelay $0x1  }
0x14e: {  	v31 =	vadd.f32 v39, v31;
	_ =	sdelay $0x1  }
0x14f: {  	v31 =	vmax.f32 v31, $0.0e+00  }
0x150: {  	[tilespmem:s15+$0xDF80] =	vst v31  }
0x151: {  	v31 =	vld [tilespmem:$0x14450]  }
0x152: {  	v29 =	vsub.f32 v29, v21  }
0x153: {  	v40 =	vld [tilespmem:$0x14650]  }
0x154: {  	v29 =	vmul.f32 v45, v29;
	_ =	sdelay $0x1  }
0x155: {  	v29 =	vmul.f32 v31, v29;
	_ =	sdelay $0x1  }
0x156: {  	v29 =	vadd.f32 v40, v29;
	_ =	sdelay $0x1  }
0x157: {  	v29 =	vmax.f32 v29, $0.0e+00  }
0x158: {  	[tilespmem:s15+$0xDF90] =	vst v29  }
0x159: {  	v29 =	vld [tilespmem:$0x14460]  }
0x15a: {  	v30 =	vsub.f32 v30, v21  }
0x15b: {  	v41 =	vld [tilespmem:$0x14660]  }
0x15c: {  	v30 =	vmul.f32 v45, v30;
	_ =	sdelay $0x1  }
0x15d: {  	v29 =	vmul.f32 v29, v30;
	_ =	sdelay $0x1  }
0x15e: {  	v29 =	vadd.f32 v41, v29;
	_ =	sdelay $0x1  }
0x15f: {  	v29 =	vmax.f32 v29, $0.0e+00  }
0x160: {  	[tilespmem:s15+$0xDFA0] =	vst v29  }
0x161: {  	v29 =	vld [tilespmem:$0x14470]  }
0x162: {  	v42 =	vsub.f32 v32, v21  }
0x163: {  	v43 =	vld [tilespmem:$0x14670]  }
0x164: {  	v30 =	vmul.f32 v45, v42;
	_ =	sdelay $0x1  }
0x165: {  	v29 =	vmul.f32 v29, v30;
	_ =	sdelay $0x1  }
0x166: {  	v29 =	vadd.f32 v43, v29;
	_ =	sdelay $0x1  }
0x167: {  	v29 =	vmax.f32 v29, $0.0e+00  }
0x168: {  	[tilespmem:s15+$0xDFB0] =	vst v29  }
0x169: {  	v29 =	vld [tilespmem:$0x14480]  }
0x16a: {  	v27 =	vsub.f32 v27, v21  }
0x16b: {  	v44 =	vld [tilespmem:$0x14680]  }
0x16c: {  	v27 =	vmul.f32 v45, v27;
	_ =	sdelay $0x1  }
0x16d: {  	v27 =	vmul.f32 v29, v27;
	_ =	sdelay $0x1  }
0x16e: {  	v27 =	vadd.f32 v44, v27;
	_ =	sdelay $0x1  }
0x16f: {  	v27 =	vmax.f32 v27, $0.0e+00  }
0x170: {  	[tilespmem:s15+$0xF380] =	vst v27  }
0x171: {  	v27 =	vld [tilespmem:$0x14490]  }
0x172: {  	v25 =	vsub.f32 v25, v21  }
0x173: {  	v46 =	vld [tilespmem:$0x14690]  }
0x174: {  	v25 =	vmul.f32 v45, v25;
	_ =	sdelay $0x1  }
0x175: {  	v25 =	vmul.f32 v27, v25;
	_ =	sdelay $0x1  }
0x176: {  	v25 =	vadd.f32 v46, v25;
	_ =	sdelay $0x1  }
0x177: {  	v25 =	vmax.f32 v25, $0.0e+00  }
0x178: {  	[tilespmem:s15+$0xF390] =	vst v25  }
0x179: {  	v25 =	vld [tilespmem:$0x144A0]  }
0x17a: {  	v26 =	vsub.f32 v26, v21  }
0x17b: {  	v47 =	vld [tilespmem:$0x146A0]  }
0x17c: {  	v26 =	vmul.f32 v45, v26;
	_ =	sdelay $0x1  }
0x17d: {  	v25 =	vmul.f32 v25, v26;
	_ =	sdelay $0x1  }
0x17e: {  	v25 =	vadd.f32 v47, v25;
	_ =	sdelay $0x1  }
0x17f: {  	v25 =	vmax.f32 v25, $0.0e+00  }
0x180: {  	[tilespmem:s15+$0xF3A0] =	vst v25  }
0x181: {  	v25 =	vld [tilespmem:$0x144B0]  }
0x182: {  	v48 =	vsub.f32 v28, v21  }
0x183: {  	v49 =	vld [tilespmem:$0x146B0]  }
0x184: {  	v26 =	vmul.f32 v45, v48;
	_ =	sdelay $0x1  }
0x185: {  	v25 =	vmul.f32 v25, v26;
	_ =	sdelay $0x1  }
0x186: {  	v25 =	vadd.f32 v49, v25;
	_ =	sdelay $0x1  }
0x187: {  	v25 =	vmax.f32 v25, $0.0e+00  }
0x188: {  	[tilespmem:s15+$0xF3B0] =	vst v25  }
0x189: {  	v25 =	vld [tilespmem:$0x144C0]  }
0x18a: {  	v22 =	vsub.f32 v22, v21  }
0x18b: {  	v50 =	vld [tilespmem:$0x146C0]  }
0x18c: {  	v22 =	vmul.f32 v45, v22;
	_ =	sdelay $0x1  }
0x18d: {  	v22 =	vmul.f32 v25, v22;
	_ =	sdelay $0x1  }
0x18e: {  	v22 =	vadd.f32 v50, v22;
	_ =	sdelay $0x1  }
0x18f: {  	v22 =	vmax.f32 v22, $0.0e+00  }
0x190: {  	[tilespmem:s15+$0x10780] =	vst v22  }
0x191: {  	v22 =	vld [tilespmem:$0x144D0]  }
0x192: {  	v19 =	vsub.f32 v19, v21  }
0x193: {  	v51 =	vld [tilespmem:$0x146D0]  }
0x194: {  	v19 =	vmul.f32 v45, v19;
	_ =	sdelay $0x1  }
0x195: {  	v19 =	vmul.f32 v22, v19;
	_ =	sdelay $0x1  }
0x196: {  	v19 =	vadd.f32 v51, v19;
	_ =	sdelay $0x1  }
0x197: {  	v19 =	vmax.f32 v19, $0.0e+00  }
0x198: {  	[tilespmem:s15+$0x10790] =	vst v19  }
0x199: {  	v19 =	vld [tilespmem:$0x144E0]  }
0x19a: {  	v20 =	vsub.f32 v20, v21  }
0x19b: {  	v52 =	vld [tilespmem:$0x146E0]  }
0x19c: {  	v20 =	vmul.f32 v45, v20;
	_ =	sdelay $0x1  }
0x19d: {  	v19 =	vmul.f32 v19, v20;
	_ =	sdelay $0x1  }
0x19e: {  	v19 =	vadd.f32 v52, v19;
	_ =	sdelay $0x1  }
0x19f: {  	v19 =	vmax.f32 v19, $0.0e+00  }
0x1a0: {  	[tilespmem:s15+$0x107A0] =	vst v19  }
0x1a1: {  	v19 =	vld [tilespmem:$0x144F0]  }
0x1a2: {  	v53 =	vsub.f32 v23, v21  }
0x1a3: {  	v54 =	vld [tilespmem:$0x146F0]  }
0x1a4: {  	v20 =	vmul.f32 v45, v53;
	_ =	sdelay $0x1  }
0x1a5: {  	v19 =	vmul.f32 v19, v20;
	_ =	sdelay $0x1  }
0x1a6: {  	v19 =	vadd.f32 v54, v19;
	_ =	sdelay $0x1  }
0x1a7: {  	v19 =	vmax.f32 v19, $0.0e+00  }
0x1a8: {  	[tilespmem:s15+$0x107B0] =	vst v19  }
0x1a9: {  	v19 =	vld [tilespmem:$0x14500]  }
0x1aa: {  	v18 =	vsub.f32 v18, v21  }
0x1ab: {  	v55 =	vld [tilespmem:$0x14700]  }
0x1ac: {  	v18 =	vmul.f32 v45, v18;
	_ =	sdelay $0x1  }
0x1ad: {  	v18 =	vmul.f32 v19, v18;
	_ =	sdelay $0x1  }
0x1ae: {  	v18 =	vadd.f32 v55, v18;
	_ =	sdelay $0x1  }
0x1af: {  	v18 =	vmax.f32 v18, $0.0e+00  }
0x1b0: {  	[tilespmem:s15+$0x11B80] =	vst v18  }
0x1b1: {  	v18 =	vld [tilespmem:$0x14510]  }
0x1b2: {  	v16 =	vsub.f32 v16, v21  }
0x1b3: {  	v56 =	vld [tilespmem:$0x14710]  }
0x1b4: {  	v16 =	vmul.f32 v45, v16;
	_ =	sdelay $0x1  }
0x1b5: {  	v16 =	vmul.f32 v18, v16;
	_ =	sdelay $0x1  }
0x1b6: {  	v16 =	vadd.f32 v56, v16;
	_ =	sdelay $0x1  }
0x1b7: {  	v16 =	vmax.f32 v16, $0.0e+00  }
0x1b8: {  	[tilespmem:s15+$0x11B90] =	vst v16  }
0x1b9: {  	v16 =	vld [tilespmem:$0x14520]  }
0x1ba: {  	v17 =	vsub.f32 v17, v21  }
0x1bb: {  	v57 =	vld [tilespmem:$0x14720]  }
0x1bc: {  	v17 =	vmul.f32 v45, v17;
	_ =	sdelay $0x1  }
0x1bd: {  	v16 =	vmul.f32 v16, v17;
	_ =	sdelay $0x1  }
0x1be: {  	v16 =	vadd.f32 v57, v16;
	_ =	sdelay $0x1  }
0x1bf: {  	v16 =	vmax.f32 v16, $0.0e+00  }
0x1c0: {  	[tilespmem:s15+$0x11BA0] =	vst v16  }
0x1c1: {  	v16 =	vld [tilespmem:$0x14530]  }
0x1c2: {  	v58 =	vsub.f32 v24, v21  }
0x1c3: {  	v59 =	vld [tilespmem:$0x14730]  }
0x1c4: {  	v17 =	vmul.f32 v45, v58;
	_ =	sdelay $0x1  }
0x1c5: {  	v16 =	vmul.f32 v16, v17;
	_ =	sdelay $0x1  }
0x1c6: {  	v16 =	vadd.f32 v59, v16;
	_ =	sdelay $0x1  }
0x1c7: {  	v16 =	vmax.f32 v16, $0.0e+00  }
0x1c8: {  	[tilespmem:s15+$0x11BB0] =	vst v16  }
0x1c9: {  	v16 =	vld [tilespmem:$0x14540]  }
0x1ca: {  	v15 =	vsub.f32 v15, v21  }
0x1cb: {  	v60 =	vld [tilespmem:$0x14740]  }
0x1cc: {  	v15 =	vmul.f32 v45, v15;
	_ =	sdelay $0x1  }
0x1cd: {  	v15 =	vmul.f32 v16, v15;
	_ =	sdelay $0x1  }
0x1ce: {  	v15 =	vadd.f32 v60, v15;
	_ =	sdelay $0x1  }
0x1cf: {  	v15 =	vmax.f32 v15, $0.0e+00  }
0x1d0: {  	[tilespmem:s15+$0x12F80] =	vst v15  }
0x1d1: {  	v15 =	vld [tilespmem:$0x14550]  }
0x1d2: {  	v14 =	vsub.f32 v14, v21  }
0x1d3: {  	v61 =	vld [tilespmem:$0x14750]  }
0x1d4: {  	v14 =	vmul.f32 v45, v14;
	_ =	sdelay $0x1  }
0x1d5: {  	v14 =	vmul.f32 v15, v14;
	_ =	sdelay $0x1  }
0x1d6: {  	v14 =	vadd.f32 v61, v14;
	_ =	sdelay $0x1  }
0x1d7: {  	v14 =	vmax.f32 v14, $0.0e+00  }
0x1d8: {  	[tilespmem:s15+$0x12F90] =	vst v14  }
0x1d9: {  	v14 =	vld [tilespmem:$0x14560]  }
0x1da: {  	v13 =	vsub.f32 v13, v21  }
0x1db: {  	v62 =	vld [tilespmem:$0x14760]  }
0x1dc: {  	v13 =	vmul.f32 v45, v13;
	_ =	sdelay $0x1  }
0x1dd: {  	v13 =	vmul.f32 v14, v13;
	_ =	sdelay $0x1  }
0x1de: {  	v13 =	vadd.f32 v62, v13;
	_ =	sdelay $0x1  }
0x1df: {  	v13 =	vmax.f32 v13, $0.0e+00  }
0x1e0: {  	[tilespmem:s15+$0x12FA0] =	vst v13  }
0x1e1: {  	v13 =	vld [tilespmem:$0x14570]  }
0x1e2: {  	v12 =	vsub.f32 v12, v21  }
0x1e3: {  	v63 =	vld [tilespmem:$0x14770]  }
0x1e4: {  	v12 =	vmul.f32 v45, v12;
	_ =	sdelay $0x1  }
0x1e5: {  	p0 =	sne.s32 s0, $0x4E00;
	v12 =	vmul.f32 v13, v12  }
.Ltmp0:
0x1e6: {  	_ = 	snop;
	(pc) =	sbr.rel @p0 .LBB2_3-.Ltmp0, $3  }
0x1e7: {  	v12 =	vadd.f32 v63, v12;
	_ =	sdelay $0x1  }
0x1e8: {  	v12 =	vmax.f32 v12, $0.0e+00  }
0x1e9: {  	s31 =	sadd.s32 $0x10, s31;
	s30 =	sadd.s32 $0x80, s30;
	s0 =	sadd.s32 $0x200, s0;
	[tilespmem:s15+$0x12FB0] =	vst v12  }
0x1ea: {  	s0 =	sshll.u32 s29, $0x4  }
0x1eb: {  	s5 =	sadd.s32 s10, s0  }
0x1ec: {  	[hbm4b:s5+s2] =	stream.linear.scatter [tilespmem:s19], [sflag:$0x2], $0x1400, $0x38;
	[tilespmem:$0x14780] =	vst v63  }
0x1ed: {  	s0 =	sand.u32 $0x1FFFFFF0, s0;
	_ =	swait.ge [sflag:s16], $0x1400  }
0x1ee: {  	s0 =	sadd.s32 s10, s0;
	[sflag:s16] =	ssyncset.done $0x0  }
0x1ef: {  	s30 =	sadd.s32 $0x271000, s0;
	[sflag:s16] =	ssyncadd.s32 $0xFFFFEC00  }
0x1f0: {  	[hbm4b:s30+s2] =	stream.linear.scatter [tilespmem:s20], [sflag:$0x2], $0x1400, $0x38;
	[tilespmem:$0x14780] =	vst v63  }
0x1f1: {  	_ =	swait.ge [sflag:s16], $0x1400  }
0x1f2: {  	[sflag:s16] =	ssyncset.done $0x0  }
0x1f3: {  	s31 =	sadd.s32 $0x4E2000, s0;
	[sflag:s16] =	ssyncadd.s32 $0xFFFFEC00  }
0x1f4: {  	[hbm4b:s31+s2] =	stream.linear.scatter [tilespmem:s21], [sflag:$0x2], $0x1400, $0x38;
	[tilespmem:$0x14780] =	vst v63  }
0x1f5: {  	_ =	swait.ge [sflag:s16], $0x1400  }
0x1f6: {  	[sflag:s16] =	ssyncset.done $0x0  }
0x1f7: {  	s15 =	sadd.s32 $0x753000, s0;
	[sflag:s16] =	ssyncadd.s32 $0xFFFFEC00  }
0x1f8: {  	[hbm4b:s15+s2] =	stream.linear.scatter [tilespmem:s22], [sflag:$0x2], $0x1400, $0x38;
	[tilespmem:$0x14780] =	vst v63  }
0x1f9: {  	_ =	swait.ge [sflag:s16], $0x1400  }
0x1fa: {  	[sflag:s16] =	ssyncset.done $0x0  }
0x1fb: {  	s29 =	sadd.s32 $0x9C4000, s0;
	[sflag:s16] =	ssyncadd.s32 $0xFFFFEC00  }
0x1fc: {  	[hbm4b:s29+s2] =	stream.linear.scatter [tilespmem:s23], [sflag:$0x2], $0x1400, $0x38;
	[tilespmem:$0x14780] =	vst v63  }
0x1fd: {  	_ =	swait.ge [sflag:s16], $0x1400  }
0x1fe: {  	[sflag:s16] =	ssyncset.done $0x0  }
0x1ff: {  	s30 =	sadd.s32 $0xC35000, s0;
	[sflag:s16] =	ssyncadd.s32 $0xFFFFEC00  }
0x200: {  	[hbm4b:s30+s2] =	stream.linear.scatter [tilespmem:s24], [sflag:$0x2], $0x1400, $0x38;
	[tilespmem:$0x14780] =	vst v63  }
0x201: {  	_ =	swait.ge [sflag:s16], $0x1400  }
0x202: {  	[sflag:s16] =	ssyncset.done $0x0  }
0x203: {  	s31 =	sadd.s32 $0xEA6000, s0;
	[sflag:s16] =	ssyncadd.s32 $0xFFFFEC00  }
0x204: {  	[hbm4b:s31+s2] =	stream.linear.scatter [tilespmem:s25], [sflag:$0x2], $0x1400, $0x38;
	[tilespmem:$0x14780] =	vst v63  }
0x205: {  	s28 =	sadd.s32 $0x1, s28;
	_ =	swait.ge [sflag:s16], $0x1400  }
0x206: {  	p0 =	sne.s32 s28, $0x7D;
	[sflag:s16] =	ssyncset.done $0x0  }
.Ltmp1:
0x207: {  	s0 =	sadd.s32 $0x1117000, s0;
	[sflag:s16] =	ssyncadd.s32 $0xFFFFEC00;
	(pc) =	sbr.rel @p0 .LBB2_2-.Ltmp1, $4  }
0x208: {  	[hbm4b:s0+s2] =	stream.linear.scatter [tilespmem:s26], [sflag:$0x2], $0x1400, $0x38;
	[tilespmem:$0x14780] =	vst v63  }
0x209: {  	_ =	swait.ge [sflag:s16], $0x1400  }
0x20a: {  	[sflag:s16] =	ssyncset.done $0x0  }
0x20b: {  	[sflag:s16] =	ssyncadd.s32 $0xFFFFEC00  }
0x20c: {  	s5 =	rddreg [dreg:$0x6]  }
0x20d: {  	s0 =	rddreg [dreg:$0x5];
	s5 =	sadd.s32 $0x1, s5  }
0x20e: {  	p0 =	sne.s32 s5, s0  }
.Ltmp2:
0x20f: {  	_ = 	snop;
	(pc) =	sbr.rel @p0 .LBB2_1-.Ltmp2, $1  }
0x210: {  	_ =	sdelay $0x3  }
0x211: {  	_ =	sfence.sel $0x180000  }
0x212: {  	[bflag:$0x0] =	sbarrier.arrive $0xFFFF  }
0x213: {  	_ =	strace $0x90000047  }
0x214: {  	s0 =	stileid.u32;
	[bflag:$0x2] =	sbarrier.arrive $0xFFFF  }
0x215: {  	p0 =	sne.s32 s0, $0x0;
	s0 =	rddreg [dreg:$0x2]  }
0x216: {  	s0 =	sadd.s32 @!p0 $0x100000, s0  }
0x217: {  	[sflag:s0] =	ssyncadd.tile.s32 @!p0 $0x1;
	_ =	shalt  }
.Lfunc_end2:
_tile_overlayer_lowered:
.L_overlay_start_2:
0x218: {  	(tag) =	ssettag $0x2  }
0x219: {  	s0 =	rddreg [dreg:$0x0];
	s2 =	stileid.u32  }
0x21a: {  	s1 =	rddreg [dreg:$0x1];
	p0 =	sne.s32 s2, $0x0  }
0x21b: {  	s3 =	rddreg [dreg:$0x2];
	[bflag:$0x3] =	sbarrier.arrive $0xFFFF;
	s2 =	simm.s32 @!p0 $0x1C02  }
0x21c: {  	[timem:s3], [sflag:s2] =	dma.local @!p0 [hbm:s0], s1  }
0x21d: {  	s0 =	simm.s32 @!p0 $0x2  }
0x21e: {  	_ =	swait.ge @!p0 [sflag:s0], s1  }
0x21f: {  	s1 =	ssub.s32 @!p0 $0x0, s1;
	[sflag:s0] =	ssyncset.done @!p0 $0x0  }
0x220: {  	[sflag:s0] =	ssyncadd.s32 @!p0 s1  }
0x221: {  	[bflag:$0x3] =	sbarrier.arrive $0xFFFF  }
0x222: {  	_ =	shalt  }

// kernel: scatter_offload_async_start
scs
__scs_entry_jumppad:
0x0: {  	(pc) =	sbr.rel $0x88, $3  }
0x1: {  	(tag) =	ssettag $0x0;
	lr =	simm.s32 $0x1  }
0x2: {  	[smem:$0x3F99] =	sst lr;
	_ =	strace $0xD0000000  }
0x3: {  	_ = 	snop  }
0x4: {  	_ = 	snop  }
0x5: {  	_ = 	snop  }
0x6: {  	_ = 	snop  }
0x7: {  	_ = 	snop  }
__scs_overlays_trampoline_lowered:
0x8: {  	[smem:$0x3FA8] =	sst s0  }
0x9: {  	[smem:$0x3FA9] =	sst s1  }
0xa: {  	[smem:$0x3FAA] =	sst s2  }
0xb: {  	[smem:$0x3FAB] =	sst s3  }
0xc: {  	[smem:$0x3FAC] =	sst s4  }
0xd: {  	[smem:$0x3FAD] =	sst s5  }
0xe: {  	[smem:$0x3FAE] =	sst s6  }
0xf: {  	[smem:$0x3FAF] =	sst s7  }
0x10: {  	[smem:$0x3FB0] =	sst s8  }
0x11: {  	[smem:$0x3FB1] =	sst s9;
	s0 =	simm.s32 @!p0 $0x0  }
0x12: {  	s1 =	sld [smem:$0x3F97];
	s0 =	simm.s32 @p0 $0x1  }
0x13: {  	[smem:$0x3FB2] =	sst s0;
	s0 =	simm.s32 @!p1 $0x0  }
0x14: {  	s2 =	sld [smem:$0x3F96];
	s0 =	simm.s32 @p1 $0x1  }
0x15: {  	[smem:$0x3FB3] =	sst s0;
	s0 =	simm.s32 @!p2 $0x0  }
0x16: {  	s3 =	sld [smem:$0x3FDB];
	s0 =	simm.s32 @p2 $0x1  }
0x17: {  	s4 =	simm.s32 $0x1BF5;
	[smem:$0x3FB5] =	sst s0  }
0x18: {  	s0 =	sld [smem:$0x3F98];
	_ =	swait.ge [sflag:s4], $0x0  }
0x19: {  	s7 =	sld [smem:$0x3F99]  }
0x1a: {  	s8 =	sadd.s32 $0xFFFFE003, lr  }
0x1b: {  	s9 =	sadd.s32 $0xFFFFFEF7, lr;
	s5 =	simm.s32 $0xFFFFFFFF;
	p2 =	slt.u32 s8, $0xFFFFF086  }
0x1c: {  	p1 =	slt.u32 s9, $0xF7A;
	s5 =	simm.s32 @!p2 $0x0  }
0x1d: {  	s5 =	simm.s32 @p1 $0x1;
	p0 =	seq.s32 s7, s2  }
0x1e: {  	s7 =	smul.u32 @!p0 $0xF7A, s2;
	p2 =	seq.s32 @!p0 s5, $0x0  }
0x1f: {  	s9 =	smul.u32 $0xF7A, s1;
	s8 =	simm.s32 @!p0 $0x1BF5;
	p2 =	por !p2, p0  }
0x20: {  	[sflag:s8] =	ssyncset.s32 @!p0 $0xFFFFF086;
	s6 =	sadd.s32 @!p0 s3, s7;
	s7 =	simm.s32 @!p0 $0x108  }
0x21: {  	s3 =	sadd.s32 s3, s9;
	s6 =	sadd.s32 @!p0 $0x88, s6;
	s7 =	simm.s32 @p2 $0x1082  }
0x22: {  	[simem:s7], [sflag:s8] =	dma.local @!p0 [hbm:s6], $0xF7A  }
0x23: {  	s9 =	sor.u32 $0xD0000000, s2;
	s6 =	simm.s32 $0x108;
	_ =	swait.ge @!p0 [sflag:s8], $0x0  }
0x24: {  	s3 =	sadd.s32 $0x88, s3;
	s6 =	simm.s32 @!p1 $0x1082;
	[sflag:s4] =	ssyncset.s32 $0xFFFFF086  }
0x25: {  	[simem:s6], [sflag:s4] =	dma.local [hbm:s3], $0xF7A  }
0x26: {  	[smem:$0x3F99] =	sst s1;
	(tag) =	ssettag s2;
	_ =	strace s9  }
0x27: {  	s1 =	sld [smem:$0x3FA9]  }
0x28: {  	s2 =	sld [smem:$0x3FAA]  }
0x29: {  	s4 =	sld [smem:$0x3FAC]  }
0x2a: {  	p0 =	seq.s32 s5, $0x0;
	s5 =	sld [smem:$0x3FAD]  }
0x2b: {  	s6 =	sld [smem:$0x3FAE]  }
0x2c: {  	s7 =	sld [smem:$0x3FAF]  }
0x2d: {  	s3 =	simm.s32 $0x108;
	s8 =	sld [smem:$0x3FB0]  }
0x2e: {  	s3 =	simm.s32 @!p0 $0x1082;
	s9 =	sld [smem:$0x3FB1]  }
0x2f: {  	lr =	sadd.s32 s0, s3;
	s0 =	sld [smem:$0x3FA8]  }
0x30: {  	s3 =	sld [smem:$0x3FAB]  }
0x31: {  	[smem:$0x3FB4] =	sst s10  }
0x32: {  	s10 =	sld [smem:$0x3FB2];
	_ =	sdelay $0x3  }
0x33: {  	p0 =	seq.s32 s10, $0x1;
	s10 =	sld [smem:$0x3FB4];
	_ =	sdelay $0x3  }
0x34: {  	[smem:$0x3FB4] =	sst s10  }
0x35: {  	s10 =	sld [smem:$0x3FB3];
	_ =	sdelay $0x3  }
0x36: {  	p1 =	seq.s32 s10, $0x1;
	s10 =	sld [smem:$0x3FB4];
	_ =	sdelay $0x3  }
0x37: {  	[smem:$0x3FB4] =	sst s10  }
0x38: {  	s10 =	sld [smem:$0x3FB5]  }
0x39: {  	_ = 	snop;
	(pc) =	sbr.ind lr, $3  }
0x3a: {  	_ = 	snop  }
0x3b: {  	_ = 	snop  }
0x3c: {  	p2 =	seq.s32 s10, $0x1;
	s10 =	sld [smem:$0x3FB4]  }
0x3d: {  	_ =	shalt  }
0x3e: {  	_ =	shalt  }
0x3f: {  	_ =	shalt  }
0x40: {  	_ =	shalt  }
0x41: {  	_ =	shalt  }
0x42: {  	_ =	shalt  }
0x43: {  	_ =	shalt  }
0x44: {  	_ =	shalt  }
0x45: {  	_ =	shalt  }
0x46: {  	_ =	shalt  }
0x47: {  	_ =	shalt  }
0x48: {  	_ =	shalt  }
0x49: {  	_ =	shalt  }
0x4a: {  	_ =	shalt  }
0x4b: {  	_ =	shalt  }
0x4c: {  	_ =	shalt  }
0x4d: {  	_ =	shalt  }
0x4e: {  	_ =	shalt  }
0x4f: {  	_ =	shalt  }
0x50: {  	_ =	shalt  }
0x51: {  	_ =	shalt  }
0x52: {  	_ =	shalt  }
0x53: {  	_ =	shalt  }
0x54: {  	_ =	shalt  }
0x55: {  	_ =	shalt  }
0x56: {  	_ =	shalt  }
0x57: {  	_ =	shalt  }
0x58: {  	_ =	shalt  }
0x59: {  	_ =	shalt  }
0x5a: {  	_ =	shalt  }
0x5b: {  	_ =	shalt  }
0x5c: {  	_ =	shalt  }
0x5d: {  	_ =	shalt  }
0x5e: {  	_ =	shalt  }
0x5f: {  	_ =	shalt  }
0x60: {  	_ =	shalt  }
0x61: {  	_ =	shalt  }
0x62: {  	_ =	shalt  }
0x63: {  	_ =	shalt  }
0x64: {  	_ =	shalt  }
0x65: {  	_ =	shalt  }
0x66: {  	_ =	shalt  }
0x67: {  	_ =	shalt  }
0x68: {  	_ =	shalt  }
0x69: {  	_ =	shalt  }
0x6a: {  	_ =	shalt  }
0x6b: {  	_ =	shalt  }
0x6c: {  	_ =	shalt  }
0x6d: {  	_ =	shalt  }
0x6e: {  	_ =	shalt  }
0x6f: {  	_ =	shalt  }
0x70: {  	_ =	shalt  }
0x71: {  	_ =	shalt  }
0x72: {  	_ =	shalt  }
0x73: {  	_ =	shalt  }
0x74: {  	_ =	shalt  }
0x75: {  	_ =	shalt  }
0x76: {  	_ =	shalt  }
0x77: {  	_ =	shalt  }
0x78: {  	_ =	shalt  }
0x79: {  	_ =	shalt  }
0x7a: {  	_ =	shalt  }
0x7b: {  	_ =	shalt  }
0x7c: {  	_ =	shalt  }
0x7d: {  	_ =	shalt  }
0x7e: {  	_ =	shalt  }
0x7f: {  	_ =	shalt  }
0x80: {  	_ =	shalt  }
0x81: {  	_ =	shalt  }
0x82: {  	_ =	shalt  }
0x83: {  	_ =	shalt  }
0x84: {  	_ =	shalt  }
0x85: {  	_ =	shalt  }
0x86: {  	_ =	shalt  }
0x87: {  	_ =	shalt  }
.Lfunc_end0:
.L_simem_size_0:
called_computation_lowered:
.L_overlay_start_0:
0x88: {  	s2 =	sld [smem:$0x3FD9]  }
0x89: {  	s3 =	sld [smem:$0x3FFE];
	_ =	sdelay $0x1  }
0x8a: {  	s1 =	srdreg.scid  }
0x8b: {  	s0 =	sand.u32 $0x1, s1  }
0x8c: {  	s16 =	sshll.u32 s0, $0xA;
	s2 =	sadd.s32 s3, s2  }
0x8d: {  	s2 =	sadd.s32 s2, s16  }
0x8e: {  	[smem:$0x3FC0] =	sst s2  }
0x8f: {  	_ = 	snop  }
0x90: {  	s2 =	sld [smem:$0x3FD0];
	(tm) =	ssettm $0x1  }
0x91: {  	s17 =	sld [smem:$0x3FFB];
	_ =	sdelay $0x3  }
0x92: {  	_ =	strace s17  }
0x93: {  	s3 =	sld [smem:$0x3FFC];
	_ =	sdelay $0x3  }
0x94: {  	_ =	strace s3  }
0x95: {  	s3 =	sld [smem:$0x3FFD];
	_ =	sdelay $0x3  }
0x96: {  	_ =	strace s3  }
0x97: {  	_ =	strace $0x8FFFFFFF  }
0x98: {  	s18 =	sld [smem:$0x3FDB];
	_ =	sdelay $0x1  }
0x99: {  	s4 =	simm.s32 $_scs_section_size  }
0x9a: {  	s5 =	simm.s32 $_size__tile_overlayer_lowered;
	s6 =	simm.s32 $_tile_overlayer_lowered  }
0x9b: {  	s21 =	simm.s32 $0x1BFF;
	s20 =	sshll.u32 s6, $0x1;
	s3 =	sadd.s32 s4, s18  }
0x9c: {  	s7 =	simm.s32 $0x0;
	s19 =	sshll.u32 s5, $0x1;
	s5 =	sadd.s32 s20, s3  }
0x9d: {  	[timem:s7], [sflag:s21] =	dma.local [hbm:s5], s19  }
0x9e: {  	_ =	swait.ge [sflag:s21], s19  }
0x9f: {  	s4 =	ssub.s32 $0x0, s19;
	[sflag:s21] =	ssyncset.done $0x0  }
0xa0: {  	[sflag:s21] =	ssyncadd.s32 s4;
	_ =	sdelay $0x1  }
0xa1: {  	s22 =	simm.s32 $0x1B8B  }
0xa2: {  	_ =	swait.ge [sflag:s22], $0x1  }
0xa3: {  	[sflag:s22] =	ssyncset.done $0x0  }
0xa4: {  	s23 =	sld [smem:$0x3FFE];
	[sflag:s22] =	ssyncadd.s32 $0xFFFFFFFF  }
0xa5: {  	s25 =	simm.s32 $0x1B8E;
	s24 =	sld [smem:$0x0]  }
0xa6: {  	s26 =	simm.s32 $execute0_lowered;
	[smem:$0x3FD2] =	sst s25  }
0xa7: {  	s6 =	sshll.u32 s26, $0x1;
	_ =	strace $0x8000004F;
	[dreg:$0x1] =	wrdreg $0xFFFFFFFF  }
0xa8: {  	s28 =	simm.s32 $_size_execute0_lowered;
	s3 =	sadd.s32 s3, s6;
	[dreg:$0x0] =	wrdreg $0x0  }
0xa9: {  	s6 =	sshll.u32 s28, $0x1;
	[dreg:$0x2] =	wrdreg s3  }
0xaa: {  	[dreg:$0x3] =	wrdreg s6  }
0xab: {  	[dreg:$0x4] =	wrdreg $0xC0  }
0xac: {  	_ =	task [dreg:s7], $0x5FFFF  }
0xad: {  	[dreg:$0x1] =	wrdreg $0xFFFFFFFF  }
0xae: {  	[dreg:$0x0] =	wrdreg $0x60  }
0xaf: {  	[dreg:$0x2] =	wrdreg s23  }
0xb0: {  	[dreg:$0x3] =	wrdreg s2  }
0xb1: {  	[dreg:$0x4] =	wrdreg s1  }
0xb2: {  	[dreg:$0x5] =	wrdreg s24  }
0xb3: {  	[dreg:$0x6] =	wrdreg $0x9  }
0xb4: {  	_ =	task.clear_ibuf [dreg:s7], $0x7FFFF;
	_ =	strace $0x9000004F  }
0xb5: {  	s29 =	simm.s32 $0x9;
	_ =	strace $0x80000051  }
0xb6: {  	_ =	swait.ge [sflag:s29], $0x1  }
0xb7: {  	[sflag:s29] =	ssyncadd.s32 $0xFFFFFFFF  }
0xb8: {  	_ =	strace $0x90000051  }
0xb9: {  	_ =	sfence  }
0xba: {  	s30 =	sld [smem:$0x0];
	_ =	sdelay $0x2  }
0xbb: {  	s31 =	sshll.u32 s1, $0xD;
	s1 =	sshrl.u32 s1, $0x2  }
0xbc: {  	s3 =	sand.u32 $0x4000, s31;
	s1 =	sadd.s32 s1, s30  }
0xbd: {  	s0 =	sor.u32 s3, s0;
	s1 =	sshll.u32 s1, $0x11  }
0xbe: {  	s0 =	sor.u32 s1, s0  }
0xbf: {  	s0 =	sadd.s32 $0x8F2B, s0  }
0xc0: {  	[sflag:s0] =	ssyncadd.remote.s32 $0x1  }
0xc1: {  	_ =	sfence.sel $0xFFFF  }
0xc2: {  	[dreg:$0x0] =	wrdreg $0xFFFFFFFF;
	(pc) =	sbr.abs _section_cstart, $3  }
0xc3: {  	[dreg:$0x1] =	wrdreg $0xFFFFFFFF  }
0xc4: {  	_ =	task.clear_ibuf [dreg:s7], $0x2FFFF;
	_ =	strace $0x9FFFFFFF  }
0xc5: {  	(tm) =	ssettm $0x7FFFFFFF  }
tec
execute0_lowered:
.L_overlay_start_1:
0x0: {  	(tag) =	ssettag $0x1  }
0x1: {  	s2 =	rddreg [dreg:$0x0]  }
0x2: {  	s0 =	rddreg [dreg:$0x1]  }
0x3: {  	s3 =	rddreg [dreg:$0x2];
	_ =	strace $0x80000050;
	s1 =	simm.s32 $0x1  }
0x4: {  	s4 =	simm.s32 $0x408;
	v0 =	vimm.s32 $0x0;
	[sflag:s1] =	ssyncpa.u1 $0x0  }
0x5: {  	[tilespmem:s4+$0x70] =	vst v0  }
0x6: {  	[tilespmem:s4+$0x60] =	vst v0  }
0x7: {  	[tilespmem:s4+$0x50] =	vst v0  }
0x8: {  	[tilespmem:s4+$0x40] =	vst v0  }
0x9: {  	[tilespmem:s4+$0x30] =	vst v0  }
0xa: {  	s1 =	sadd.s32 $0x5E00, s2;
	s6 =	sadd.s32 $0xA7200, s2;
	[tilespmem:s4+$0x20] =	vst v0  }
0xb: {  	s2 =	sadd.s32 $0xE00, s2;
	s7 =	sand.u32 $0x1, s3;
	s3 =	simm.s32 $0x40;
	[tilespmem:s4+$0x10] =	vst v0  }
.LBB2_1:
0xc: {  	s3 =	sadd.s32 $0x40, s3;
	[tilespmem:s4+$0x0] =	vst v0;
	s4 =	sadd.s32 $0x80, s4  }
0xd: {  	p0 =	slt.u32 s3, $0x3100;
	[tilespmem:s4+$0x70] =	vst v0  }
0xe: {  	[tilespmem:s4+$0x60] =	vst v0  }
.Ltmp0:
0xf: {  	[tilespmem:s4+$0x50] =	vst v0;
	(pc) =	sbr.rel @p0 .LBB2_1-.Ltmp0, $4  }
0x10: {  	[tilespmem:s4+$0x40] =	vst v0  }
0x11: {  	[tilespmem:s4+$0x30] =	vst v0  }
0x12: {  	[tilespmem:s4+$0x20] =	vst v0  }
0x13: {  	[tilespmem:s4+$0x10] =	vst v0  }
0x14: {  	s10 =	stileid.u32  }
0x15: {  	s3 =	smul.u32 $0x68, s10  }
0x16: {  	s5 =	smin.u32 s10, $0x3  }
0x17: {  	s3 =	sor.u32 s5, s3  }
0x18: {  	p0 =	slt.u32 s10, $0x3;
	s11 =	smul.u32 $0x30, s3;
	s3 =	simm.s32 $0x13B0  }
0x19: {  	s3 =	simm.s32 @!p0 $0x1380  }
0x1a: {  	s3 =	sadd.s32 s3, s11  }
0x1b: {  	s8 =	smin.u32 s3, $0x13880  }
0x1c: {  	s26 =	simm.s32 $0x2;
	s9 =	simm.s32 $0x9;
	s3 =	ssub.s32 s8, s11  }
0x1d: {  	s29 =	simm.s32 $0xA;
	s30 =	simm.s32 $0xB;
	p0 =	sgt.s32 s3, $0x0  }
0x1e: {  	[dreg:$0x5] =	wrdreg s7;
	s31 =	smul.u32 $0x2710, s7;
	s3 =	simm.s32 @!p0 $0x0  }
0x1f: {  	s12 =	simm.s32 $0x1;
	s24 =	simm.s32 $0x0;
	s25 =	smulhi.u32 $0x2AAAAAAB, s3  }
0x20: {  	p1 =	por $0x0, $0x0;
	s18 =	simm.s32 $0x80;
	s19 =	simm.s32 $0x400  }
0x21: {  	s20 =	simm.s32 $0xC;
	s21 =	simm.s32 $0x0;
	s28 =	sshrl.u32 s25, $0x3  }
0x22: {  	[tilespmem:s4+$0x0] =	vst v0;
	v0 =	vimm.s32 $0xFFFFFFFF;
	s23 =	simm.s32 $0x0;
	[sflag:s26] =	ssyncpa.u1 $0x0;
	s5 =	smul.u32 $0x30, s28  }
0x23: {  	s16 =	sshll.u32 s10, $0xA;
	[tilespmem:$0xC808] =	vst v0;
	[sflag:s9] =	ssyncpa.u1 $0x0;
	s14 =	sadd.s32 s31, s2  }
.Ltmp1:
0x24: {  	p0 =	sne.s32 s3, s5;
	s3 =	simm.s32 $0x1;
	(pc) =	sbr.rel .LBB2_3-.Ltmp1, $4  }
0x25: {  	s15 =	sadd.s32 s31, s0;
	[dreg:$0x7] =	wrdreg s14;
	s3 =	simm.s32 @!p0 $0x0  }
0x26: {  	[sflag:s29] =	ssyncpa.u1 $0x0;
	[dreg:$0x8] =	wrdreg s15;
	s13 =	sadd.s32 s3, s28  }
0x27: {  	[sflag:s30] =	ssyncpa.u1 $0x0;
	s17 =	sadd.s32 $0x1, s13;
	[dreg:$0x6] =	wrdreg s13  }
0x28: {  	v0 =	vlaneseq.u32;
	s22 =	smov.u32 s11;
	p0 =	por $0x1, $0x1;
	[dreg:$0x9] =	wrdreg s17  }
.LBB2_30:
0x29: {  	s0 =	sshrl.u32 s0, $0x2  }
.LBB2_32:
0x2a: {  	_ =	swait.ge [sflag:s20], s0  }
0x2b: {  	s30 =	ssub.s32 $0x0, s0;
	v1 =	vmov s26;
	vm0 =	veq.s32 v0, $0x0;
	[sflag:s20] =	ssyncset.done $0x0  }
0x2c: {  	vm15 =	veq.s32 v0, $0x2;
	v1 =	vsel vm0, s31, v1;
	[sflag:s20] =	ssyncadd.s32 s30  }
0x2d: {  	v1 =	vsel vm15, s24, v1;
	[sflag:s20] =	ssyncpa.u1 $0x1  }
0x2e: {  	[tilespmem:$0xC808] =	vst v1  }
.LBB2_33:
0x2f: {  	s0 =	sadd.s32 $0x30, s22  }
0x30: {  	s2 =	smov.u32 s11;
	p2 =	slt.s32 s0, s8  }
0x31: {  	s2 =	smov.u32 @p2 s0;
	p2 =	sne.s32 s23, s17  }
.Ltmp2:
0x32: {  	_ = 	snop;
	(pc) =	sbr.rel @!p2 .LBB2_34-.Ltmp2, $4  }
0x33: {  	_ = 	snop  }
0x34: {  	s24 =	smov.u32 s21  }
0x35: {  	s31 =	sadd.s32 $0x1, s23;
	s21 =	smov.u32 s22;
	p0 =	por !p0, !p0  }
0x36: {  	p1 =	por !p1, !p1;
	s23 =	smov.u32 s31;
	s22 =	smov.u32 s2  }
.LBB2_3:
0x37: {  	p2 =	sge.u32 s23, s13  }
0x38: {  	s0 =	smulhi.u32 @!p2 $0xAAAAAAAB, s23  }
0x39: {  	s2 =	smov.u32 s22;
	p3 =	sgt.s32 @!p2 s22, $0x13850  }
0x3a: {  	s3 =	sshra.s32 @!p2 s22, $0x1F;
	p3 =	por !p3, p2;
	s0 =	sshrl.u32 @!p2 s0, $0x1  }
0x3b: {  	s3 =	sand.u32 @!p2 s3, s22;
	s2 =	simm.s32 @p3 $0x13850;
	s0 =	smul.u32 @!p2 $0x3, s0  }
0x3c: {  	s2 =	ssub.s32 @!p2 s2, s3  }
0x3d: {  	s2 =	sadd.s32 @!p2 $0xFFFEC7B0, s2;
	s0 =	ssub.s32 @!p2 s23, s0  }
0x3e: {  	s3 =	sshll.u32 @!p2 s2, $0x2;
	p3 =	sgt.s32 @!p2 s2, $0x2F;
	s0 =	smul.u32 @!p2 $0xC0, s0  }
0x3f: {  	s4 =	sand.u32 @!p2 $0x7, s22;
	s2 =	ssub.s32 @!p2 $0xC0, s3;
	p3 =	por !p3, p2  }
0x40: {  	s3 =	sshrl.u32 @!p2 s22, $0x3;
	s2 =	sshrl.u32 @!p2 s2, $0x2;
	s0 =	sshrl.u32 @!p2 s0, $0x2  }
0x41: {  	s3 =	sadd.s32 @!p2 s3, s14;
	s2 =	simm.s32 @!p3 $0x0;
	s0 =	sadd.s32 @!p2 $0x10848, s0  }
0x42: {  	[tilespmem:s0], [sflag:$0xA] =	stream.linear.gather @!p2 [hbm4b:s3+s4], s2, $0x38;
	[tilespmem:$0x1C938] =	vst v63  }
0x43: {  	s2 =	sadd.s32 $0xFFFFFFFF, s23  }
0x44: {  	p2 =	sge.u32 s2, s13  }
0x45: {  	p3 =	sgt.s32 @!p2 s21, $0x13850  }
0x46: {  	s0 =	smov.u32 s21;
	s3 =	sshra.s32 @!p2 s21, $0x1F;
	p3 =	por !p3, p2  }
0x47: {  	s3 =	sand.u32 @!p2 s3, s21;
	s0 =	simm.s32 @p3 $0x13850  }
0x48: {  	s0 =	ssub.s32 @!p2 s0, s3  }
0x49: {  	s0 =	sadd.s32 @!p2 $0xFFFEC7B0, s0  }
0x4a: {  	s3 =	sshll.u32 @!p2 s0, $0x2  }
0x4b: {  	p3 =	sgt.s32 @!p2 s0, $0x2F;
	s0 =	ssub.s32 @!p2 $0xC0, s3  }
0x4c: {  	p3 =	por !p3, p2;
	s0 =	sshrl.u32 @!p2 s0, $0x2  }
0x4d: {  	s4 =	simm.s32 @!p2 $0xA;
	s3 =	sand.u32 @!p2 $0x1, s2;
	s0 =	simm.s32 @!p3 $0x0  }
0x4e: {  	s3 =	smul.u32 @!p2 $0xC0, s3;
	_ =	swait.ge @!p2 [sflag:s4], s0  }
0x4f: {  	s5 =	ssub.s32 @!p2 $0x0, s0;
	[sflag:s4] =	ssyncset.done @!p2 $0x0  }
0x50: {  	s3 =	sshrl.u32 @!p2 s3, $0x2;
	[sflag:s4] =	ssyncadd.s32 @!p2 s5;
	s4 =	sshrl.u32 @!p2 s21, $0x3  }
0x51: {  	s3 =	sadd.s32 @!p2 $0x108D8, s3;
	s5 =	sand.u32 @!p2 $0x7, s21;
	s4 =	sadd.s32 @!p2 s4, s15  }
0x52: {  	[tilespmem:s3], [sflag:$0xB] =	stream.linear.gather @!p2 [hbm4b:s4+s5], s0, $0x38;
	[tilespmem:$0x1C938] =	vst v63  }
0x53: {  	s0 =	ssub.s32 @!p2 $0x13880, s21  }
0x54: {  	p3 =	slt.s32 @!p2 s0, $0x1  }
0x55: {  	p3 =	por p2, p3  }
.Ltmp3:
0x56: {  	_ = 	snop;
	(pc) =	sbr.rel @p3 .LBB2_9-.Ltmp3, $1  }
0x57: {  	_ =	sdelay $0x3  }
0x58: {  	s3 =	smulhi.u32 $0xAAAAAAAB, s2;
	_ =	sdelay $0x1  }
0x59: {  	s3 =	sshrl.u32 s3, $0x1  }
0x5a: {  	s3 =	smul.u32 $0x3, s3;
	_ =	sdelay $0x1  }
0x5b: {  	s29 =	ssub.s32 s2, s3  }
0x5c: {  	s4 =	simm.s32 $0x1;
	s2 =	smul.u32 $0xC0, s29  }
.Ltmp4:
0x5d: {  	s4 =	simm.s32 @!p0 $0x0;
	(pc) =	sbr.rel .LBB2_6-.Ltmp4, $4  }
0x5e: {  	s30 =	smul.u32 $0x18000, s4  }
0x5f: {  	p3 =	slt.s32 @!p2 s0, $0x30;
	s2 =	sshrl.u32 s2, $0x2  }
0x60: {  	p2 =	por !p3, p2;
	s3 =	sshrl.u32 s30, $0x2;
	s31 =	sadd.s32 $0x10848, s2  }
0x61: {  	s0 =	simm.s32 @p2 $0x30;
	s2 =	sor.u32 $0x10938, s3;
	s3 =	simm.s32 $0x0;
	v1 =	vmov s31  }
.LBB2_5:
0x62: {  	p2 =	sge.s32 s3, s0  }
.Ltmp5:
0x63: {  	_ = 	snop;
	(pc) =	sbr.rel @p2 .LBB2_9-.Ltmp5, $2  }
0x64: {  	_ =	sdelay $0x2  }
0x65: {  	s2 =	sadd.s32 $0x2000, s2  }
.LBB2_6:
0x66: {  	p2 =	sle.s32 s0, s3  }
.Ltmp6:
0x67: {  	_ = 	snop;
	(pc) =	sbr.rel @p2 .LBB2_5-.Ltmp6, $2  }
0x68: {  	_ =	sdelay $0x2  }
0x69: {  	s4 =	smov.u32 s3;
	s3 =	sadd.s32 $0x10, s3  }
0x6a: {  	s5 =	ssub.s32 s0, s4  }
0x6b: {  	p2 =	slt.s32 s5, $0x10  }
0x6c: {  	s5 =	simm.s32 @!p2 $0x10  }
0x6d: {  	v2 =	vmov s5  }
0x6e: {  	vm0 =	vgt.s32 v2, v0;
	_ =	sdelay $0x5  }
0x6f: {  	v2 =	vld.idx.msk [tilespmem:v1+s4+$0x0 ss:$0x1], vm0;
	_ =	sdelay $0x2  }
0x70: {  	p2 =	slt.s32 s3, s0;
	s5 =	smov.u32 s0  }
0x71: {  	s9 =	smov.u32 s2;
	s25 =	simm.s32 $0x0;
	s5 =	smov.u32 @p2 s3  }
.LBB2_8:
0x72: {  	(v2sf) =	vpush v2, s25;
	_ =	sdelay $0xe  }
0x73: {  	s25 =	sadd.s32 $0x1, s25;
	s10 =	spop (v2sf)  }
0x74: {  	s31 =	sadd.s32 s25, s4;
	s26 =	sshll.u32 s10, $0x9;
	s10 =	sshll.u32 s10, $0x7  }
0x75: {  	p2 =	slt.s32 s31, s5;
	s26 =	sand.u32 $0xFFFFF000, s26;
	s10 =	sand.u32 $0x380, s10  }
.Ltmp7:
0x76: {  	s10 =	sor.u32 s10, s26;
	(pc) =	sbr.rel @p2 .LBB2_8-.Ltmp7, $4  }
0x77: {  	s10 =	sshrl.u32 s10, $0x3  }
0x78: {  	s10 =	sadd.s32 s6, s10  }
0x79: {  	[tilespmem:s9], [sflag:$0x9] =	stream.strided.gather [hbm4b:s10+s18], $0x200, s19, s18, $0x38;
	[tilespmem:$0x1C938] =	vst v63  }
0x7a: {  	s9 =	sadd.s32 $0x200, s9  }
.Ltmp8:
0x7b: {  	_ = 	snop;
	(pc) =	sbr.rel .LBB2_5-.Ltmp8, $1  }
0x7c: {  	_ =	sdelay $0x3  }
.LBB2_9:
0x7d: {  	p2 =	slt.u32 s23, $0x2  }
.Ltmp9:
0x7e: {  	_ = 	snop;
	(pc) =	sbr.rel @p2 .LBB2_33-.Ltmp9, $1  }
0x7f: {  	_ =	sdelay $0x3  }
0x80: {  	p2 =	sgt.s32 s24, $0x13850  }
0x81: {  	s0 =	smov.u32 s24;
	s2 =	sshra.s32 s24, $0x1F;
	s3 =	ssub.s32 $0x13880, s24  }
0x82: {  	s0 =	simm.s32 @!p2 $0x13850;
	s2 =	sand.u32 s2, s24;
	p2 =	slt.s32 s3, $0x30  }
0x83: {  	s0 =	ssub.s32 s0, s2;
	s3 =	simm.s32 @!p2 $0x30  }
0x84: {  	s0 =	sadd.s32 $0xFFFEC7B0, s0;
	s25 =	sshll.u32 s3, $0x9  }
0x85: {  	s29 =	simm.s32 $0x9;
	s26 =	sshll.u32 s0, $0x2;
	s2 =	sand.u32 $0x3FFFFE00, s25  }
0x86: {  	p2 =	sgt.s32 s0, $0x2F;
	s28 =	ssub.s32 $0xC0, s26;
	_ =	swait.ge [sflag:s29], s2  }
0x87: {  	s2 =	ssub.s32 $0x0, s2;
	[sflag:s29] =	ssyncset.done $0x0;
	s0 =	sshrl.u32 s28, $0x2  }
0x88: {  	s30 =	simm.s32 $0xB;
	[sflag:s29] =	ssyncadd.s32 s2;
	s0 =	simm.s32 @p2 $0x0  }
0x89: {  	_ =	swait.ge [sflag:s30], s0  }
0x8a: {  	s0 =	ssub.s32 $0x0, s0;
	[sflag:s30] =	ssyncset.done $0x0  }
0x8b: {  	[sflag:s30] =	ssyncadd.s32 s0  }
0x8c: {  	v1 =	vld [tilespmem:$0xC808];
	_ =	sdelay $0x4  }
0x8d: {  	(v2sf) =	vpush v1, $0x0  }
0x8e: {  	(v2sf) =	vpush v1, $0x1  }
0x8f: {  	(v2sf) =	vpush v1, $0x2;
	_ =	sdelay $0x3  }
0x90: {  	s2 =	sadd.s32 $0x30, s24  }
0x91: {  	s3 =	ssub.s32 $0x27100, s24;
	p2 =	slt.s32 s8, s2  }
0x92: {  	s2 =	smov.u32 @p2 s8;
	p2 =	sgt.s32 s3, $0x0  }
0x93: {  	s25 =	ssub.s32 s2, s24;
	s3 =	simm.s32 @!p2 $0x0  }
0x94: {  	p2 =	slt.s32 s3, s25  }
0x95: {  	s25 =	smov.u32 @p2 s3  }
0x96: {  	s0 =	simm.s32 $0x1;
	p2 =	slt.s32 s25, $0x1  }
.Ltmp10:
0x97: {  	s0 =	simm.s32 @!p1 $0x0;
	(pc) =	sbr.rel @p2 .LBB2_14-.Ltmp10, $4  }
0x98: {  	s4 =	smul.u32 $0xC0, s0  }
0x99: {  	s2 =	spop (v2sf)  }
0x9a: {  	s31 =	sshrl.u32 s4, $0x2;
	s5 =	spop (v2sf)  }
0x9b: {  	s4 =	sadd.s32 $0x108D8, s31;
	s24 =	spop (v2sf)  }
0x9c: {  	s3 =	smin.u32 s25, $0x10  }
0x9d: {  	v1 =	vmov s3  }
0x9e: {  	vm1 =	vgt.u32 v1, v0  }
0x9f: {  	p3 =	sgt.s32 s25, $0x10  }
.Ltmp11:
0xa0: {  	_ = 	snop;
	(pc) =	sbr.rel @!p3 .LBB2_13-.Ltmp11, $2  }
0xa1: {  	_ =	sdelay $0x2  }
0xa2: {  	s9 =	simm.s32 $0x10;
	s26 =	sadd.s32 $0xFFFFFFF0, s25;
	s3 =	smov.u32 s4;
	vm0 =	vmmov vm1;
	v1 =	vld.msk [tilespmem:s4+$0x0 ss:$0x1], vm1  }
.LBB2_12:
0xa3: {  	s10 =	smin.u32 s26, $0x10;
	s9 =	sadd.s32 $0x10, s9  }
0xa4: {  	v2 =	vmov s10;
	p3 =	slt.s32 s9, s25  }
0xa5: {  	vm1 =	vgt.u32 v2, v0;
	_ =	sdelay $0x1  }
0xa6: {  	v2 =	vshll.u32 v1, $0x6;
	v1 =	vshll.u32 v1, $0x4  }
.Ltmp12:
0xa7: {  	v2 =	vand.u32 $0xFFFFFE00, v2;
	v1 =	vand.u32 $0x70, v1;
	(pc) =	sbr.rel @p3 .LBB2_12-.Ltmp12, $4  }
0xa8: {  	v1 =	vor.u32 v1, v2  }
0xa9: {  	[tilespmem:s3+$0x0] =	vst.msk vm0, v1;
	s3 =	sadd.s32 $0x10, s3;
	vm0 =	vmmov vm1  }
0xaa: {  	v1 =	vld.msk [tilespmem:s3+$0x0 ss:$0x1], vm1  }
0xab: {  	s26 =	sadd.s32 $0xFFFFFFF0, s26  }
.LBB2_13:
0xac: {  	_ =	sdelay $0x3  }
0xad: {  	v2 =	vshll.u32 v1, $0x6;
	v1 =	vshll.u32 v1, $0x4  }
0xae: {  	v2 =	vand.u32 $0xFFFFFE00, v2;
	v1 =	vand.u32 $0x70, v1  }
0xaf: {  	v1 =	vor.u32 v1, v2  }
0xb0: {  	[tilespmem:s3+$0x0] =	vst.msk vm0, v1  }
.LBB2_14:
0xb1: {  	s3 =	sand.u32 $0x1, s23  }
0xb2: {  	s3 =	smul.u32 $0x30, s3  }
0xb3: {  	p3 =	sne.s32 s5, $0xFFFFFFFF  }
0xb4: {  	v1 =	vld.msk @!p3 [tilespmem:s3+$0x108D8], $0x1;
	_ =	sdelay $0x4  }
0xb5: {  	(v2sf) =	vpush @!p3 v1, $0x0;
	_ =	sdelay $0xc  }
.Ltmp13:
0xb6: {  	_ = 	snop;
	(pc) =	sbr.rel @p2 .LBB2_31-.Ltmp13, $4  }
0xb7: {  	_ = 	snop  }
0xb8: {  	s30 =	spop @!p3 (v2sf)  }
0xb9: {  	s24 =	simm.s32 @!p3 $0x0;
	s26 =	smov.u32 s30  }
0xba: {  	[sflag:s20] =	ssyncpa.u1 $0x0;
	s30 =	smov.u32 @p3 s2;
	s26 =	smov.u32 @p3 s5  }
0xbb: {  	v1 =	vld.msk [tilespmem:s4+$0x0], $0x1;
	_ =	sdelay $0x4  }
0xbc: {  	(v2sf) =	vpush v1, $0x0;
	_ =	sdelay $0xd  }
0xbd: {  	s0 =	smul.u32 $0x18000, s0  }
0xbe: {  	s13 =	smov.u32 s8;
	s8 =	smov.u32 s11;
	s5 =	spop (v2sf)  }
0xbf: {  	s2 =	ssub.s32 $0x0, s25;
	s0 =	sshrl.u32 s0, $0x2;
	p2 =	seq.s32 s30, s5  }
0xc0: {  	s29 =	simm.s32 $0x0;
	s28 =	sor.u32 $0x10938, s0;
	p3 =	sgt.s32 @!p2 s30, $0x0  }
0xc1: {  	s0 =	sadd.s32 $0x108D8, s3;
	s3 =	smov.u32 s30;
	p3 =	por !p3, p2  }
0xc2: {  	s4 =	sadd.s32 $0x1, s4;
	s31 =	sadd.s32 $0x1, s2;
	s3 =	simm.s32 @p3 $0x0  }
0xc3: {  	s2 =	simm.s32 @!p2 $0x1;
	s9 =	simm.s32 @!p2 $0x6608;
	s10 =	smin.u32 @!p2 s3, $0x9C270  }
0xc4: {  	p3 =	seq.s32 s31, $0x0;
	s3 =	sand.u32 @!p2 $0xFFFF8, s10;
	s11 =	sadd.s32 @!p2 $0x80, s10  }
0xc5: {  	s14 =	sadd.s32 @!p2 $0x100, s10;
	s15 =	sadd.s32 @!p2 s1, s3;
	s3 =	sand.u32 @!p2 $0x7, s10  }
0xc6: {  	s11 =	sand.u32 @!p2 $0x1FFFF8, s11;
	s14 =	sand.u32 @!p2 $0x1FFFF8, s14;
	s10 =	sadd.s32 @!p2 $0x180, s10  }
0xc7: {  	[tilespmem:s9], [sflag:$0x2] =	stream.linear.gather @!p2 [hbm4b:s15+s3], $0x80, $0x38;
	[tilespmem:$0x1C938] =	vst v63  }
.Ltmp14:
0xc8: {  	s9 =	simm.s32 @!p2 $0x6688;
	s11 =	sadd.s32 @!p2 s1, s11;
	(pc) =	sbr.rel @p3 .LBB2_17-.Ltmp14, $4  }
0xc9: {  	[tilespmem:s9], [sflag:$0x2] =	stream.linear.gather @!p2 [hbm4b:s11+s3], $0x80, $0x38;
	[tilespmem:$0x1C938] =	vst v63  }
0xca: {  	s10 =	sand.u32 @!p2 $0x1FFFF8, s10;
	s9 =	simm.s32 @!p2 $0x6708;
	s11 =	sadd.s32 @!p2 s1, s14  }
0xcb: {  	[tilespmem:s9], [sflag:$0x2] =	stream.linear.gather @!p2 [hbm4b:s11+s3], $0x80, $0x38;
	[tilespmem:$0x1C938] =	vst v63  }
0xcc: {  	s2 =	smov.u32 @p2 s29;
	s10 =	sadd.s32 @!p2 s1, s10;
	s9 =	simm.s32 @!p2 $0x6788  }
.LBB2_16:
0xcd: {  	s11 =	smov.u32 s2  }
0xce: {  	[tilespmem:s9], [sflag:$0x2] =	stream.linear.gather @!p2 [hbm4b:s10+s3], $0x80, $0x38;
	[tilespmem:$0x1C938] =	vst v63  }
0xcf: {  	s31 =	sadd.s32 $0x1, s31;
	s3 =	smov.u32 s5  }
0xd0: {  	p3 =	seq.s32 s31, $0x0;
	v1 =	vld.msk [tilespmem:s4+$0x0], $0x1;
	_ =	sdelay $0x4  }
0xd1: {  	(v2sf) =	vpush v1, $0x0;
	_ =	sdelay $0xe  }
0xd2: {  	s5 =	spop (v2sf)  }
0xd3: {  	p2 =	seq.s32 s3, s5  }
0xd4: {  	p4 =	sgt.s32 @!p2 s3, $0x0  }
0xd5: {  	s9 =	sshll.u32 @!p2 s2, $0xB;
	s2 =	sadd.s32 @!p2 $0x1, s2;
	p4 =	por !p4, p2  }
0xd6: {  	s9 =	sshra.s32 @!p2 s9, $0x2;
	s2 =	smov.u32 @p2 s11;
	s3 =	simm.s32 @p4 $0x0  }
0xd7: {  	s10 =	sadd.s32 @!p2 $0x6608, s9;
	s11 =	sadd.s32 @!p2 $0x6688, s9;
	s14 =	smin.u32 @!p2 s3, $0x9C270  }
0xd8: {  	s15 =	sadd.s32 @!p2 $0x6708, s9;
	s9 =	sadd.s32 @!p2 $0x6788, s9;
	s3 =	sand.u32 @!p2 $0xFFFF8, s14  }
0xd9: {  	s17 =	sadd.s32 @!p2 $0x80, s14;
	s7 =	sadd.s32 @!p2 $0x100, s14;
	s20 =	sadd.s32 @!p2 s1, s3  }
0xda: {  	s3 =	sand.u32 @!p2 $0x7, s14;
	s17 =	sand.u32 @!p2 $0x1FFFF8, s17;
	s7 =	sand.u32 @!p2 $0x1FFFF8, s7  }
0xdb: {  	[tilespmem:s10], [sflag:$0x2] =	stream.linear.gather @!p2 [hbm4b:s20+s3], $0x80, $0x38;
	[tilespmem:$0x1C938] =	vst v63  }
.Ltmp15:
0xdc: {  	s14 =	sadd.s32 @!p2 $0x180, s14;
	s10 =	sadd.s32 @!p2 s1, s17;
	(pc) =	sbr.rel @!p3 .LBB2_16-.Ltmp15, $4  }
0xdd: {  	[tilespmem:s11], [sflag:$0x2] =	stream.linear.gather @!p2 [hbm4b:s10+s3], $0x80, $0x38;
	[tilespmem:$0x1C938] =	vst v63  }
0xde: {  	s7 =	sadd.s32 @!p2 s1, s7;
	s10 =	sand.u32 @!p2 $0x1FFFF8, s14  }
0xdf: {  	[tilespmem:s15], [sflag:$0x2] =	stream.linear.gather @!p2 [hbm4b:s7+s3], $0x80, $0x38;
	[tilespmem:$0x1C938] =	vst v63  }
0xe0: {  	s4 =	sadd.s32 $0x1, s4;
	s10 =	sadd.s32 @!p2 s1, s10  }
.LBB2_17:
0xe1: {  	[tilespmem:s9], [sflag:$0x2] =	stream.linear.gather @!p2 [hbm4b:s10+s3], $0x80, $0x38;
	[tilespmem:$0x1C938] =	vst v63  }
0xe2: {  	s2 =	sshll.u32 s2, $0x9  }
0xe3: {  	s31 =	simm.s32 $0x2;
	s2 =	sand.u32 $0x3FFFFE00, s2  }
.Ltmp16:
0xe4: {  	_ =	swait.ge [sflag:s31], s2;
	(pc) =	sbr.rel .LBB2_18-.Ltmp16, $4  }
0xe5: {  	s11 =	smov.u32 s8;
	s8 =	smov.u32 s13;
	s13 =	rddreg [dreg:$0x6]  }
0xe6: {  	v1 =	vmov s0;
	s0 =	simm.s32 $0x0;
	s4 =	simm.s32 $0x0;
	s14 =	rddreg [dreg:$0x7]  }
0xe7: {  	s2 =	ssub.s32 $0x0, s2;
	[sflag:s31] =	ssyncset.done $0x0;
	s15 =	rddreg [dreg:$0x8]  }
0xe8: {  	s20 =	simm.s32 $0xC;
	s17 =	rddreg [dreg:$0x9];
	[sflag:s31] =	ssyncadd.s32 s2  }
.LBB2_28:
0xe9: {  	[tilespmem:s2+$0x0] =	vst v2;
	s29 =	sadd.s32 $0x1, s29  }
.LBB2_29:
0xea: {  	s4 =	sadd.s32 $0x1, s4  }
0xeb: {  	p2 =	sne.s32 s4, s25  }
.Ltmp17:
0xec: {  	_ = 	snop;
	(pc) =	sbr.rel @!p2 .LBB2_30-.Ltmp17, $2  }
0xed: {  	_ =	sdelay $0x2  }
0xee: {  	s28 =	sadd.s32 $0x200, s28;
	s30 =	smov.u32 s31  }
.LBB2_18:
0xef: {  	_ =	sdelay $0x3  }
0xf0: {  	v2 =	vld.idx.msk [tilespmem:v1+s4+$0x0 ss:$0x1], $0x1;
	_ =	sdelay $0x4  }
0xf1: {  	(v2sf) =	vpush v2, $0x0;
	_ =	sdelay $0xe  }
0xf2: {  	s31 =	spop (v2sf)  }
0xf3: {  	p2 =	sne.s32 s30, s31  }
.Ltmp18:
0xf4: {  	_ = 	snop;
	(pc) =	sbr.rel @p2 .LBB2_22-.Ltmp18, $3  }
0xf5: {  	_ =	sdelay $0x1  }
0xf6: {  	s2 =	sshll.u32 s24, $0xB  }
0xf7: {  	s2 =	sshra.s32 s2, $0x2  }
0xf8: {  	s2 =	sadd.s32 $0x408, s2;
	s3 =	simm.s32 $0x0;
	v2 =	vld [tilespmem:s28+$0x0];
	s5 =	smov.u32 s28  }
.LBB2_20:
0xf9: {  	s3 =	sadd.s32 $0x10, s3  }
0xfa: {  	p2 =	slt.u32 s3, $0x1F0  }
.Ltmp19:
0xfb: {  	_ = 	snop;
	(pc) =	sbr.rel @p2 .LBB2_20-.Ltmp19, $3  }
0xfc: {  	_ =	sdelay $0x1  }
0xfd: {  	s5 =	sadd.s32 $0x10, s5;
	[tilespmem:s2+$0x0] =	vst.add.f32.msk $0xffff, v2;
	s2 =	sadd.s32 $0x10, s2  }
0xfe: {  	v2 =	vld [tilespmem:s5+$0x0]  }
.Ltmp20:
0xff: {  	_ = 	snop;
	(pc) =	sbr.rel .LBB2_29-.Ltmp20, $2  }
0x100: {  	_ =	sdelay $0x2  }
0x101: {  	[tilespmem:s2+$0x0] =	vst.add.f32.msk $0xffff, v2  }
.LBB2_22:
0x102: {  	p2 =	seq.s32 s30, s26  }
.Ltmp21:
0x103: {  	_ = 	snop;
	(pc) =	sbr.rel @!p2 .LBB2_23-.Ltmp21, $1  }
0x104: {  	_ =	sdelay $0x3  }
.Ltmp22:
0x105: {  	s2 =	sadd.s32 $0x408, s2;
	(pc) =	sbr.rel .LBB2_26-.Ltmp22, $4  }
0x106: {  	[spmem:s16] =	stream.linear.scatter [tilespmem:s2], [sflag:$0x1], $0x200, $0x38;
	[tilespmem:$0x1C938] =	vst v63  }
0x107: {  	_ =	swait.ge [sflag:s12], $0x200  }
0x108: {  	[sflag:s12] =	ssyncset.done $0x0  }
0x109: {  	[sflag:s12] =	ssyncadd.s32 $0xFFFFFE00  }
.LBB2_23:
0x10a: {  	s3 =	sshll.u32 s29, $0xB  }
0x10b: {  	s3 =	sshra.s32 s3, $0x2  }
0x10c: {  	s5 =	sadd.s32 $0x6608, s3;
	s3 =	sadd.s32 $0x408, s2  }
0x10d: {  	s10 =	simm.s32 $0x0;
	v2 =	vld [tilespmem:s5+$0x0];
	s9 =	smov.u32 s3  }
.LBB2_24:
0x10e: {  	s10 =	sadd.s32 $0x10, s10  }
0x10f: {  	p2 =	slt.u32 s10, $0x1F0  }
.Ltmp23:
0x110: {  	_ = 	snop;
	(pc) =	sbr.rel @p2 .LBB2_24-.Ltmp23, $3  }
0x111: {  	_ =	sdelay $0x1  }
0x112: {  	s5 =	sadd.s32 $0x10, s5;
	[tilespmem:s9+$0x0] =	vst.add.f32.msk $0xffff, v2;
	s9 =	sadd.s32 $0x10, s9  }
0x113: {  	v2 =	vld [tilespmem:s5+$0x0]  }
0x114: {  	_ =	sdelay $0x1  }
0x115: {  	p2 =	sgt.u32 s30, $0x9C270  }
0x116: {  	s5 =	sand.u32 @!p2 $0xFFFF8, s30  }
0x117: {  	s7 =	sand.u32 @!p2 $0x7, s30;
	s5 =	sadd.s32 @!p2 s1, s5;
	[tilespmem:s9+$0x0] =	vst.add.f32.msk $0xffff, v2  }
0x118: {  	[hbm4b:s5+s7] =	stream.linear.scatter @!p2 [tilespmem:s3], [sflag:$0xC], $0x80, $0x38;
	[tilespmem:$0x1C938] =	vst v63  }
0x119: {  	s3 =	sadd.s32 @!p2 $0x80, s30  }
0x11a: {  	s3 =	sand.u32 @!p2 $0x1FFFF8, s3  }
0x11b: {  	s5 =	sadd.s32 @!p2 $0x488, s2;
	s3 =	sadd.s32 @!p2 s1, s3  }
0x11c: {  	[hbm4b:s3+s7] =	stream.linear.scatter @!p2 [tilespmem:s5], [sflag:$0xC], $0x80, $0x38;
	[tilespmem:$0x1C938] =	vst v63  }
0x11d: {  	s3 =	sadd.s32 @!p2 $0x100, s30  }
0x11e: {  	s3 =	sand.u32 @!p2 $0x1FFFF8, s3  }
0x11f: {  	s5 =	sadd.s32 @!p2 $0x508, s2;
	s3 =	sadd.s32 @!p2 s1, s3  }
0x120: {  	[hbm4b:s3+s7] =	stream.linear.scatter @!p2 [tilespmem:s5], [sflag:$0xC], $0x80, $0x38;
	[tilespmem:$0x1C938] =	vst v63  }
0x121: {  	s3 =	sadd.s32 @!p2 $0x180, s30;
	s5 =	simm.s32 $0x0  }
0x122: {  	s3 =	sand.u32 @!p2 $0x1FFFF8, s3;
	s5 =	simm.s32 @!p2 $0x800  }
0x123: {  	s2 =	sadd.s32 @!p2 $0x588, s2;
	s3 =	sadd.s32 @!p2 s1, s3;
	s0 =	sadd.s32 s5, s0  }
0x124: {  	[hbm4b:s3+s7] =	stream.linear.scatter @!p2 [tilespmem:s2], [sflag:$0xC], $0x80, $0x38;
	[tilespmem:$0x1C938] =	vst v63  }
.LBB2_26:
0x125: {  	s2 =	sadd.s32 $0x1, s24  }
0x126: {  	s3 =	smulhi.u32 $0xAAAAAAAB, s2;
	_ =	sdelay $0x1  }
0x127: {  	s3 =	sshrl.u32 s3, $0x5  }
0x128: {  	s3 =	smul.u32 $0x30, s3;
	_ =	sdelay $0x1  }
0x129: {  	s24 =	ssub.s32 s2, s3  }
0x12a: {  	s2 =	sshll.u32 s24, $0x9  }
0x12b: {  	v2 =	vld [tilespmem:s28+$0x0];
	s5 =	smov.u32 s28;
	s3 =	simm.s32 $0x0;
	s2 =	sadd.s32 $0x408, s2  }
.LBB2_27:
0x12c: {  	s3 =	sadd.s32 $0x10, s3  }
0x12d: {  	p2 =	slt.u32 s3, $0x1F0  }
.Ltmp24:
0x12e: {  	_ = 	snop;
	(pc) =	sbr.rel @p2 .LBB2_27-.Ltmp24, $3  }
0x12f: {  	_ =	sdelay $0x1  }
0x130: {  	[tilespmem:s2+$0x0] =	vst v2;
	s2 =	sadd.s32 $0x10, s2;
	s5 =	sadd.s32 $0x10, s5  }
0x131: {  	v2 =	vld [tilespmem:s5+$0x0]  }
.Ltmp25:
0x132: {  	_ = 	snop;
	(pc) =	sbr.rel .LBB2_28-.Ltmp25, $1  }
0x133: {  	_ =	sdelay $0x3  }
.LBB2_31:
.Ltmp26:
0x134: {  	(pc) =	sbr.rel .LBB2_32-.Ltmp26, $4  }
0x135: {  	_ = 	snop  }
0x136: {  	s0 =	simm.s32 $0x2  }
0x137: {  	_ =	swait.ge [sflag:s0], $0x0  }
0x138: {  	s31 =	smov.u32 s30;
	[sflag:s0] =	ssyncset.done $0x0;
	s0 =	simm.s32 $0x0  }
.LBB2_34:
0x139: {  	_ =	sfence.sel $0x180000  }
0x13a: {  	s0 =	simm.s32 $0x9;
	[bflag:$0x0] =	sbarrier.arrive $0xFFFF  }
0x13b: {  	s24 =	simm.s32 $0xA;
	[sflag:s0] =	ssyncpa.u1 $0x1  }
0x13c: {  	s25 =	simm.s32 $0xB;
	[sflag:s24] =	ssyncpa.u1 $0x1  }
0x13d: {  	s26 =	simm.s32 $0x2;
	[sflag:s25] =	ssyncpa.u1 $0x1  }
0x13e: {  	[sflag:s26] =	ssyncpa.u1 $0x1  }
0x13f: {  	v0 =	vld [tilespmem:$0xC808];
	_ =	sdelay $0x4  }
0x140: {  	(v2sf) =	vpush v0, $0x0  }
0x141: {  	(v2sf) =	vpush v0, $0x1;
	_ =	sdelay $0x1  }
0x142: {  	(v2sf) =	vpush v0, $0x2;
	_ =	sdelay $0xb  }
0x143: {  	s0 =	spop (v2sf)  }
0x144: {  	s2 =	spop (v2sf)  }
0x145: {  	s3 =	smov.u32 s0;
	p0 =	sne.s32 s0, s2  }
0x146: {  	s4 =	spop (v2sf);
	s3 =	simm.s32 @!p0 $0xFFFFFFFF  }
0x147: {  	v2 =	vimm.s32 $0x1;
	v3 =	vlaneseq.u32;
	p0 =	seq.s32 s4, $0xFFFFFFFF;
	v1 =	vmov s3  }
0x148: {  	s17 =	stileid.u32;
	v0 =	vperm.xlane v0, v2;
	p1 =	sne.s32 @!p0 s0, s2;
	v1 =	vperm.xlane v1, v3  }
0x149: {  	vm0 =	vcmask $0x3F04;
	s6 =	simm.s32 $0xC808;
	s0 =	simm.s32 @!p0 $0x1;
	p1 =	por !p1, p0  }
0x14a: {  	s3 =	sshll.u32 s17, $0x1;
	s2 =	sshll.u32 @!p0 s4, $0xB;
	s0 =	simm.s32 @p1 $0x0;
	v0 =	vsel vm0, v1, v0  }
0x14b: {  	s5 =	sor.u32 $0x4000, s3;
	s2 =	sshra.s32 @!p0 s2, $0x2;
	s0 =	sor.u32 @!p0 s0, s3;
	[tilespmem:$0xC808] =	vst v0  }
0x14c: {  	[spmem:s5] =	stream.linear.scatter [tilespmem:s6], [sflag:$0x1], $0x2, $0x38;
	[tilespmem:$0x1C938] =	vst v63  }
0x14d: {  	s2 =	sadd.s32 @!p0 $0x408, s2;
	s0 =	sshll.u32 @!p0 s0, $0x9  }
0x14e: {  	[spmem:s0] =	stream.linear.scatter @!p0 [tilespmem:s2], [sflag:$0x1], $0x200, $0x38;
	[tilespmem:$0x1C938] =	vst v63  }
0x14f: {  	s0 =	simm.s32 @!p0 $0x202  }
0x150: {  	s28 =	simm.s32 $0x1;
	s0 =	simm.s32 @p0 $0x2  }
0x151: {  	_ =	swait.ge [sflag:s28], s0  }
0x152: {  	s0 =	ssub.s32 $0x0, s0;
	[sflag:s28] =	ssyncset.done $0x0  }
0x153: {  	p0 =	sne.s32 s17, $0x0;
	[sflag:s28] =	ssyncadd.s32 s0  }
.Ltmp27:
0x154: {  	_ =	sfence.stream.spmem;
	(pc) =	sbr.rel @p0 .LBB2_59-.Ltmp27, $4  }
0x155: {  	s29 =	simm.s32 $0x3;
	[bflag:$0x0] =	sbarrier.arrive $0xFFFF  }
0x156: {  	s30 =	simm.s32 $0x4;
	[sflag:s29] =	ssyncpa.u1 $0x1  }
0x157: {  	s31 =	simm.s32 $0x3C;
	[sflag:s30] =	ssyncpa.u1 $0x1  }
0x158: {  	s16 =	rddreg [dreg:$0x5];
	[sflag:s31] =	ssyncpa.u1 $0x1  }
0x159: {  	_ =	sfence.stream.spmem;
	s0 =	simm.s32 $0x5  }
0x15a: {  	s2 =	simm.s32 $0x4000;
	s3 =	simm.s32 $0xC818;
	[sflag:s0] =	ssyncpa.u1 $0x0  }
0x15b: {  	[tilespmem:s3], [sflag:$0x5] =	stream.linear.gather [spmem:s2], $0x20, $0x38;
	[tilespmem:$0x1C938] =	vst v63  }
0x15c: {  	s26 =	simm.s32 $0x0;
	s28 =	simm.s32 $0xC838  }
0x15d: {  	[tilespmem:s28], [sflag:$0x5] =	stream.linear.gather [spmem:s26], $0x4000, $0x38;
	[tilespmem:$0x1C938] =	vst v63  }
0x15e: {  	_ =	swait.ge [sflag:s0], $0x4020  }
0x15f: {  	[sflag:s0] =	ssyncset.done $0x0  }
0x160: {  	s29 =	simm.s32 $0x0;
	[sflag:s0] =	ssyncadd.s32 $0xFFFFBFE0  }
0x161: {  	v0 =	vld.msk [tilespmem:s29+$0xC818], $0x1;
	_ =	sdelay $0x1  }
0x162: {  	s30 =	simm.s32 $0x1  }
0x163: {  	v1 =	vld.msk [tilespmem:s30+$0xC818], $0x1;
	_ =	sdelay $0x1  }
0x164: {  	(v2sf) =	vpush v0, $0x0;
	_ =	sdelay $0x2  }
0x165: {  	(v2sf) =	vpush v1, $0x0;
	_ =	sdelay $0x2  }
0x166: {  	s31 =	simm.s32 $0x2  }
0x167: {  	v0 =	vld.msk [tilespmem:s31+$0xC818], $0x1;
	_ =	sdelay $0x2  }
0x168: {  	s2 =	simm.s32 $0xFFFFFFFF;
	s3 =	simm.s32 $0xFFFFFFFF;
	s0 =	simm.s32 $0xC  }
.LBB2_36:
0x169: {  	s4 =	smov.u32 s3;
	s5 =	smov.u32 s2  }
0x16a: {  	s2 =	sshra.s32 s0, $0x2;
	p1 =	sne.s32 s0, $0x7C;
	s0 =	sadd.s32 $0x4, s0;
	(v2sf) =	vpush v0, $0x0  }
0x16b: {  	v0 =	vld.msk [tilespmem:s2+$0xC818], $0x1  }
.Ltmp28:
0x16c: {  	(pc) =	sbr.rel @p1 .LBB2_36-.Ltmp28, $4  }
0x16d: {  	s3 =	spop (v2sf)  }
0x16e: {  	p2 =	sne.s32 s5, $0xFFFFFFFF;
	s2 =	smov.u32 s3  }
0x16f: {  	p3 =	seq.s32 s3, $0xFFFFFFFF;
	s2 =	smov.u32 @p2 s5  }
0x170: {  	s3 =	smov.u32 @p3 s4;
	s2 =	smov.u32 @p3 s5  }
0x171: {  	(v2sf) =	vpush v0, $0x0;
	_ =	sdelay $0x8  }
0x172: {  	s0 =	spop (v2sf);
	p1 =	sne.s32 s2, $0xFFFFFFFF;
	s9 =	simm.s32 $0x6  }
0x173: {  	s6 =	simm.s32 $0x0;
	s10 =	simm.s32 $0xC838;
	s4 =	smov.u32 s0  }
0x174: {  	s11 =	simm.s32 $0xC688;
	p2 =	seq.s32 s0, $0xFFFFFFFF;
	s4 =	smov.u32 @p1 s2  }
0x175: {  	s12 =	simm.s32 $0xC708;
	s4 =	smov.u32 @p2 s2;
	s2 =	spop (v2sf)  }
0x176: {  	s0 =	smov.u32 @p2 s3;
	p1 =	sne.s32 s4, $0xFFFFFFFF;
	s5 =	smov.u32 s2  }
.Ltmp29:
0x177: {  	p2 =	seq.s32 s2, $0xFFFFFFFF;
	s5 =	smov.u32 @p1 s4;
	(pc) =	sbr.rel .LBB2_38-.Ltmp29, $4  }
0x178: {  	s13 =	simm.s32 $0xC788;
	s5 =	smov.u32 @p2 s4;
	s7 =	spop (v2sf)  }
0x179: {  	s14 =	simm.s32 $0x0;
	p1 =	sne.s32 s5, $0xFFFFFFFF;
	s8 =	smov.u32 s7  }
0x17a: {  	s2 =	smov.u32 @p2 s0;
	p2 =	seq.s32 s7, $0xFFFFFFFF;
	s8 =	smov.u32 @p1 s5  }
0x17b: {  	[sflag:s9] =	ssyncpa.u1 $0x0;
	s7 =	smov.u32 @p2 s2;
	s8 =	smov.u32 @p2 s5  }
.LBB2_53:
0x17c: {  	s14 =	sadd.s32 $0x1, s14  }
0x17d: {  	p1 =	sne.s32 s14, $0x20  }
.Ltmp30:
0x17e: {  	_ = 	snop;
	(pc) =	sbr.rel @!p1 .LBB2_54-.Ltmp30, $2  }
0x17f: {  	_ =	sdelay $0x2  }
0x180: {  	s10 =	sadd.s32 $0x200, s10  }
.LBB2_38:
0x181: {  	v0 =	vld.msk [tilespmem:s14+$0xC818], $0x1;
	_ =	sdelay $0x4  }
0x182: {  	(v2sf) =	vpush v0, $0x0;
	_ =	sdelay $0xe  }
0x183: {  	s0 =	spop (v2sf)  }
0x184: {  	p1 =	seq.s32 s0, $0xFFFFFFFF  }
.Ltmp31:
0x185: {  	_ = 	snop;
	(pc) =	sbr.rel @p1 .LBB2_53-.Ltmp31, $1  }
0x186: {  	_ =	sdelay $0x3  }
0x187: {  	p1 =	slt.s32 s6, $0x1  }
.Ltmp32:
0x188: {  	_ = 	snop;
	(pc) =	sbr.rel @p1 .LBB2_46-.Ltmp32, $1  }
0x189: {  	_ =	sdelay $0x3  }
0x18a: {  	s2 =	simm.s32 $0xC818;
	p1 =	por $0x0, $0x0  }
0x18b: {  	v1 =	vld.msk @!p1 [tilespmem:s2+$0x0], $0x1;
	_ =	sdelay $0x4  }
0x18c: {  	(v2sf) =	vpush @!p1 v1, $0x0;
	_ =	sdelay $0xd  }
0x18d: {  	p3 =	sne.s32 s6, $0x1  }
.Ltmp33:
0x18e: {  	s3 =	spop @!p1 (v2sf);
	(pc) =	sbr.rel @!p3 .LBB2_42-.Ltmp33, $4  }
0x18f: {  	p2 =	seq.s32 @!p1 s0, s3  }
0x190: {  	s4 =	simm.s32 $0x0;
	p2 =	por !p2, p1  }
0x191: {  	s3 =	simm.s32 $0xFFFFFFFF;
	s4 =	simm.s32 @p2 $0xFFFFFFFF  }
0x192: {  	s5 =	simm.s32 $0x1;
	s4 =	smov.u32 @p1 s3  }
.LBB2_41:
0x193: {  	s3 =	smov.u32 s4;
	p1 =	sne.s32 s4, $0xFFFFFFFF  }
0x194: {  	s2 =	sadd.s32 $0x1, s2;
	s4 =	smov.u32 s5;
	s5 =	sadd.s32 $0x1, s5  }
0x195: {  	p2 =	sne.s32 s6, s5;
	v1 =	vld.msk @!p1 [tilespmem:s2+$0x0], $0x1;
	_ =	sdelay $0x4  }
0x196: {  	(v2sf) =	vpush @!p1 v1, $0x0;
	_ =	sdelay $0xe  }
.Ltmp34:
0x197: {  	s15 =	spop @!p1 (v2sf);
	(pc) =	sbr.rel @p2 .LBB2_41-.Ltmp34, $4  }
0x198: {  	p3 =	seq.s32 @!p1 s0, s15  }
0x199: {  	p3 =	por !p3, p1  }
0x19a: {  	s4 =	simm.s32 @p3 $0xFFFFFFFF  }
0x19b: {  	s4 =	smov.u32 @p1 s3  }
.LBB2_42:
0x19c: {  	p1 =	seq.s32 s4, $0xFFFFFFFF  }
.Ltmp35:
0x19d: {  	_ = 	snop;
	(pc) =	sbr.rel @p1 .LBB2_46-.Ltmp35, $1  }
0x19e: {  	_ =	sdelay $0x3  }
0x19f: {  	s0 =	sshll.u32 s4, $0xB  }
0x1a0: {  	s0 =	sshra.s32 s0, $0x2  }
0x1a1: {  	s2 =	simm.s32 $0x0;
	v0 =	vld [tilespmem:s10+$0x0];
	s3 =	smov.u32 s10;
	s0 =	sadd.s32 $0xC838, s0  }
.LBB2_44:
0x1a2: {  	s2 =	sadd.s32 $0x10, s2  }
0x1a3: {  	p1 =	slt.u32 s2, $0x1F0  }
.Ltmp36:
0x1a4: {  	_ = 	snop;
	(pc) =	sbr.rel @p1 .LBB2_44-.Ltmp36, $3  }
0x1a5: {  	_ =	sdelay $0x1  }
0x1a6: {  	s3 =	sadd.s32 $0x10, s3;
	[tilespmem:s0+$0x0] =	vst.add.f32.msk $0xffff, v0;
	s0 =	sadd.s32 $0x10, s0  }
0x1a7: {  	v0 =	vld [tilespmem:s3+$0x0]  }
.Ltmp37:
0x1a8: {  	_ = 	snop;
	(pc) =	sbr.rel .LBB2_53-.Ltmp37, $2  }
0x1a9: {  	_ =	sdelay $0x2  }
0x1aa: {  	[tilespmem:s0+$0x0] =	vst.add.f32.msk $0xffff, v0  }
.LBB2_46:
0x1ab: {  	p1 =	sgt.u32 s0, $0x9C270  }
0x1ac: {  	p2 =	seq.s32 @!p1 s0, s8  }
0x1ad: {  	p1 =	por p1, p2  }
0x1ae: {  	p2 =	seq.s32 @!p1 s0, s7  }
0x1af: {  	p1 =	por p1, p2  }
.Ltmp38:
0x1b0: {  	_ = 	snop;
	(pc) =	sbr.rel @p1 .LBB2_50-.Ltmp38, $1  }
0x1b1: {  	_ =	sdelay $0x3  }
0x1b2: {  	s2 =	sand.u32 $0xFFFF8, s0;
	s4 =	sand.u32 $0x7, s0  }
0x1b3: {  	s29 =	sadd.s32 $0x80, s0;
	s3 =	sadd.s32 s1, s2;
	s2 =	simm.s32 $0xC608  }
0x1b4: {  	[tilespmem:s2], [sflag:$0x6] =	stream.linear.gather [hbm4b:s3+s4], $0x80, $0x38;
	[tilespmem:$0x1C938] =	vst v63  }
0x1b5: {  	s3 =	sand.u32 $0x1FFFF8, s29  }
0x1b6: {  	s30 =	sadd.s32 $0x100, s0;
	s3 =	sadd.s32 s1, s3  }
0x1b7: {  	[tilespmem:s11], [sflag:$0x6] =	stream.linear.gather [hbm4b:s3+s4], $0x80, $0x38;
	[tilespmem:$0x1C938] =	vst v63  }
0x1b8: {  	s31 =	sadd.s32 $0x180, s0;
	s3 =	sand.u32 $0x1FFFF8, s30  }
0x1b9: {  	s0 =	sand.u32 $0x1FFFF8, s31;
	s3 =	sadd.s32 s1, s3  }
0x1ba: {  	[tilespmem:s12], [sflag:$0x6] =	stream.linear.gather [hbm4b:s3+s4], $0x80, $0x38;
	[tilespmem:$0x1C938] =	vst v63  }
0x1bb: {  	s0 =	sadd.s32 s1, s0  }
0x1bc: {  	[tilespmem:s13], [sflag:$0x6] =	stream.linear.gather [hbm4b:s0+s4], $0x80, $0x38;
	[tilespmem:$0x1C938] =	vst v63  }
0x1bd: {  	_ =	swait.ge [sflag:s9], $0x200  }
0x1be: {  	[sflag:s9] =	ssyncset.done $0x0  }
0x1bf: {  	[sflag:s9] =	ssyncadd.s32 $0xFFFFFE00  }
0x1c0: {  	s3 =	smov.u32 s10;
	s0 =	simm.s32 $0x0;
	v1 =	vld [tilespmem:s2+$0x0]  }
.LBB2_48:
0x1c1: {  	s0 =	sadd.s32 $0x10, s0  }
0x1c2: {  	p1 =	slt.u32 s0, $0x1F0  }
.Ltmp39:
0x1c3: {  	_ = 	snop;
	(pc) =	sbr.rel @p1 .LBB2_48-.Ltmp39, $3  }
0x1c4: {  	_ =	sdelay $0x1  }
0x1c5: {  	s2 =	sadd.s32 $0x10, s2;
	[tilespmem:s3+$0x0] =	vst.add.f32.msk $0xffff, v1;
	s3 =	sadd.s32 $0x10, s3  }
0x1c6: {  	v1 =	vld [tilespmem:s2+$0x0]  }
0x1c7: {  	_ =	sdelay $0x3  }
0x1c8: {  	[tilespmem:s3+$0x0] =	vst.add.f32.msk $0xffff, v1  }
.LBB2_50:
0x1c9: {  	s0 =	sshll.u32 s6, $0xB  }
0x1ca: {  	[tilespmem:s6+$0xC818] =	vst.msk $0x1, v0;
	s0 =	sshra.s32 s0, $0x2  }
0x1cb: {  	s2 =	simm.s32 $0x0;
	s3 =	smov.u32 s10;
	v0 =	vld [tilespmem:s10+$0x0];
	s0 =	sadd.s32 $0xC838, s0  }
.LBB2_51:
0x1cc: {  	s2 =	sadd.s32 $0x10, s2  }
0x1cd: {  	p1 =	slt.u32 s2, $0x1F0  }
.Ltmp40:
0x1ce: {  	_ = 	snop;
	(pc) =	sbr.rel @p1 .LBB2_51-.Ltmp40, $3  }
0x1cf: {  	_ =	sdelay $0x1  }
0x1d0: {  	s3 =	sadd.s32 $0x10, s3;
	[tilespmem:s0+$0x0] =	vst v0;
	s0 =	sadd.s32 $0x10, s0  }
0x1d1: {  	v0 =	vld [tilespmem:s3+$0x0]  }
.Ltmp41:
0x1d2: {  	_ = 	snop;
	(pc) =	sbr.rel .LBB2_53-.Ltmp41, $2  }
0x1d3: {  	_ =	sdelay $0x2  }
0x1d4: {  	s6 =	sadd.s32 $0x1, s6;
	[tilespmem:s0+$0x0] =	vst v0  }
.LBB2_54:
0x1d5: {  	s0 =	simm.s32 $0x6;
	p1 =	seq.s32 s6, $0x0  }
0x1d6: {  	[sflag:s0] =	ssyncpa.u1 $0x1;
	v0 =	vimm.s32 @p1 $0xFFFFFFFF  }
0x1d7: {  	s0 =	sadd.s32 $0xFFFFFFFF, s6;
	[tilespmem:$0x10838] =	vst @p1 v0  }
0x1d8: {  	v0 =	vld.msk @!p1 [tilespmem:s0+$0xC818], $0x1;
	_ =	sdelay $0x1  }
0x1d9: {  	v1 =	vld.msk @!p1 [tilespmem:$0xC818], $0x1;
	_ =	sdelay $0x2  }
0x1da: {  	p2 =	seq.s32 @!p1 s0, $0x0;
	v0 =	vbroadcast @!p1 v0, $0x0  }
0x1db: {  	vm0 =	vmmov @!p1 $0x1;
	p2 =	por !p2, p1  }
0x1dc: {  	v1 =	vnsel @!p1 vm0, $0xFFFFFFFF, v1;
	vm0 =	vcmask @!p1 $0x308;
	v0 =	vpsel !p2, $0xFFFFFFFF, v0  }
0x1dd: {  	p2 =	sne.s32 @!p1 s8, s7;
	v0 =	vsel @!p1 vm0, v1, v0  }
0x1de: {  	s2 =	simm.s32 @!p1 $0xC838;
	s3 =	simm.s32 @!p1 $0x0;
	p3 =	por !p2, p1;
	[tilespmem:$0x10838] =	vst @!p1 v0  }
0x1df: {  	[spmem:s3] =	stream.linear.scatter @!p1 [tilespmem:s2], [sflag:$0x1], $0x200, $0x38;
	[tilespmem:$0x1C938] =	vst v63  }
0x1e0: {  	s2 =	sshll.u32 @!p3 s0, $0xB  }
0x1e1: {  	s2 =	sshra.s32 @!p3 s2, $0x2  }
0x1e2: {  	s3 =	simm.s32 @!p3 $0x200;
	s2 =	sadd.s32 @!p3 $0xC838, s2  }
0x1e3: {  	[spmem:s3] =	stream.linear.scatter @!p3 [tilespmem:s2], [sflag:$0x1], $0x200, $0x38;
	[tilespmem:$0x1C938] =	vst v63  }
0x1e4: {  	s2 =	simm.s32 @!p3 $0x1  }
0x1e5: {  	_ =	swait.ge @!p3 [sflag:s2], $0x400  }
0x1e6: {  	p1 =	por p2, p1;
	[sflag:s2] =	ssyncset.done @!p3 $0x0  }
0x1e7: {  	[sflag:s2] =	ssyncadd.s32 @!p3 $0xFFFFFC00;
	s2 =	simm.s32 @!p1 $0x1  }
0x1e8: {  	_ =	swait.ge @!p1 [sflag:s2], $0x200  }
0x1e9: {  	s29 =	simm.s32 $0x10838;
	[sflag:s2] =	ssyncset.done @!p1 $0x0  }
0x1ea: {  	s30 =	simm.s32 $0x4000;
	s31 =	simm.s32 $0x1;
	[sflag:s2] =	ssyncadd.s32 @!p1 $0xFFFFFE00  }
0x1eb: {  	[spmem:s30] =	stream.linear.scatter [tilespmem:s29], [sflag:$0x1], $0x10, $0x38;
	[tilespmem:$0x1C938] =	vst v63  }
0x1ec: {  	_ =	swait.ge [sflag:s31], $0x10  }
0x1ed: {  	[sflag:s31] =	ssyncset.done $0x0  }
0x1ee: {  	p1 =	seq.s32 s16, $0x0;
	s9 =	rddreg [dreg:$0x2];
	[sflag:s31] =	ssyncadd.s32 $0xFFFFFFF0  }
0x1ef: {  	s3 =	sshll.u32 @p1 s9, $0xE;
	s8 =	rddreg [dreg:$0x3]  }
0x1f0: {  	s2 =	sadd.s32 @p1 $0x15C3C, s3;
	s3 =	sshll.u32 @p1 s8, $0x11  }
0x1f1: {  	_ =	sfence.stream.spmem;
	s2 =	sor.u32 @p1 s3, s2  }
0x1f2: {  	[sflag:s2] =	ssyncadd.remote.s32 @p1 $0x1;
	s2 =	simm.s32 @p1 $0x4  }
0x1f3: {  	s4 =	simm.s32 @!p1 $0x3C;
	s3 =	sand.u32 $0xFFFFFFFE, s9;
	_ =	swait.ge @p1 [sflag:s2], $0x82  }
0x1f4: {  	s5 =	simm.s32 @!p1 $0x0;
	s3 =	sadd.s32 @!p1 $0x4, s3;
	[sflag:s2] =	ssyncset.done @p1 $0x0  }
0x1f5: {  	s7 =	simm.s32 @!p1 $0x400;
	[sflag:s2] =	ssyncadd.s32 @p1 $0xFFFFFF7E;
	s2 =	sshll.u32 @!p1 s3, $0x1A  }
0x1f6: {  	s3 =	sshll.u32 @!p1 s3, $0xD;
	s2 =	sor.u32 @!p1 s2, s8;
	_ =	swait.eq @!p1 [sflag:s4], $0x1  }
0x1f7: {  	s3 =	sor.u32 @!p1 $0x1C04, s3;
	s4 =	simm.s32 @!p1 $0x1C03;
	s2 =	sor.u32 @!p1 $0x80004000, s2  }
0x1f8: {  	[spmem:s7], [sflag:s3] =	dma.general @!p1 [spmem:s5], [sflag:s4], length:$0x80, [dreg:$0x0], stride_count:$0x0, ici_dest:s2, dma_misc:DstOpCode:WRITE  }
0x1f9: {  	p2 =	slt.s32 s0, $0x2;
	s5 =	simm.s32 @!p1 $0x800;
	s7 =	simm.s32 @!p1 $0x802  }
0x1fa: {  	[spmem:s7], [sflag:s3] =	dma.general @!p1 [spmem:s5], [sflag:s4], length:$0x2, [dreg:$0x0], stride_count:$0x0, ici_dest:s2, dma_misc:DstOpCode:WRITE  }
.Ltmp42:
0x1fb: {  	s2 =	simm.s32 @!p1 $0x3;
	(pc) =	sbr.rel @p2 .LBB2_58-.Ltmp42, $4  }
0x1fc: {  	s3 =	sshll.u32 @!p1 s9, $0xE;
	_ =	swait.ge @!p1 [sflag:s2], $0x82  }
0x1fd: {  	s4 =	sshll.u32 @!p1 s8, $0x11;
	s3 =	sadd.s32 @!p1 $0x11C3C, s3;
	[sflag:s2] =	ssyncset.done @!p1 $0x0  }
0x1fe: {  	[sflag:s2] =	ssyncadd.s32 @!p1 $0xFFFFFF7E;
	s2 =	sor.u32 @!p1 s4, s3  }
0x1ff: {  	s0 =	simm.s32 $0x0;
	[sflag:s2] =	ssyncadd.remote.s32 @!p1 $0xFFFFFFFF  }
0x200: {  	s0 =	simm.s32 $0xC819  }
0x201: {  	v0 =	vld.msk [tilespmem:s0+$0x0], $0x1;
	_ =	sdelay $0x4  }
0x202: {  	(v2sf) =	vpush v0, $0x0;
	_ =	sdelay $0xe  }
0x203: {  	s2 =	sadd.s32 $0xFFFFFFFE, s6;
	s3 =	spop (v2sf)  }
0x204: {  	s5 =	simm.s32 $0xCA38;
	s4 =	sadd.s32 $0xFFFFFFFF, s2;
	p1 =	sgt.u32 s3, $0x9C270  }
0x205: {  	s0 =	simm.s32 $0x0;
	p2 =	sne.s32 s4, $0x0;
	s2 =	sand.u32 @!p1 $0xFFFF8, s3  }
0x206: {  	s6 =	sadd.s32 @!p1 $0x80, s3;
	s7 =	sadd.s32 @!p1 $0x100, s3;
	s8 =	sadd.s32 @!p1 s1, s2  }
0x207: {  	s2 =	sand.u32 @!p1 $0x7, s3;
	s6 =	sand.u32 @!p1 $0x1FFFF8, s6;
	s7 =	sand.u32 @!p1 $0x1FFFF8, s7  }
0x208: {  	[hbm4b:s8+s2] =	stream.linear.scatter @!p1 [tilespmem:s5], [sflag:$0x5], $0x80, $0x38;
	[tilespmem:$0x1C938] =	vst v63  }
0x209: {  	s5 =	simm.s32 @!p1 $0xCAB8;
	s6 =	sadd.s32 @!p1 s1, s6;
	s7 =	sadd.s32 @!p1 s1, s7  }
.Ltmp43:
0x20a: {  	s8 =	sadd.s32 @!p1 $0x180, s3;
	s3 =	simm.s32 $0x0;
	(pc) =	sbr.rel @!p2 .LBB2_57-.Ltmp43, $4  }
0x20b: {  	[hbm4b:s6+s2] =	stream.linear.scatter @!p1 [tilespmem:s5], [sflag:$0x5], $0x80, $0x38;
	[tilespmem:$0x1C938] =	vst v63  }
0x20c: {  	s3 =	simm.s32 @!p1 $0x800;
	s8 =	sand.u32 @!p1 $0x1FFFF8, s8;
	s6 =	simm.s32 @!p1 $0xCB38  }
0x20d: {  	[hbm4b:s7+s2] =	stream.linear.scatter @!p1 [tilespmem:s6], [sflag:$0x5], $0x80, $0x38;
	[tilespmem:$0x1C938] =	vst v63  }
0x20e: {  	s5 =	simm.s32 $0xC81A;
	s6 =	simm.s32 $0xCC38;
	s7 =	simm.s32 @!p1 $0xCBB8  }
.LBB2_56:
0x20f: {  	s4 =	sadd.s32 $0xFFFFFFFF, s4;
	s8 =	sadd.s32 @!p1 s1, s8;
	s0 =	sadd.s32 s0, s3  }
0x210: {  	[hbm4b:s8+s2] =	stream.linear.scatter @!p1 [tilespmem:s7], [sflag:$0x5], $0x80, $0x38;
	[tilespmem:$0x1C938] =	vst v63  }
0x211: {  	p2 =	sne.s32 s4, $0x0;
	s7 =	smov.u32 s6;
	v0 =	vld.msk [tilespmem:s5+$0x0], $0x1;
	_ =	sdelay $0x4  }
0x212: {  	(v2sf) =	vpush v0, $0x0;
	_ =	sdelay $0xe  }
0x213: {  	s3 =	spop (v2sf)  }
0x214: {  	s6 =	sadd.s32 $0x200, s6;
	s5 =	sadd.s32 $0x1, s5;
	p1 =	sgt.u32 s3, $0x9C270  }
0x215: {  	s2 =	sand.u32 @!p1 $0xFFFF8, s3;
	s8 =	sadd.s32 @!p1 $0x80, s3;
	s9 =	sadd.s32 @!p1 $0x100, s3  }
0x216: {  	s10 =	sadd.s32 @!p1 s1, s2;
	s2 =	sand.u32 @!p1 $0x7, s3;
	s8 =	sand.u32 @!p1 $0x1FFFF8, s8  }
0x217: {  	[hbm4b:s10+s2] =	stream.linear.scatter @!p1 [tilespmem:s7], [sflag:$0x5], $0x80, $0x38;
	[tilespmem:$0x1C938] =	vst v63  }
0x218: {  	s9 =	sand.u32 @!p1 $0x1FFFF8, s9;
	s10 =	sadd.s32 @!p1 $0x80, s7  }
.Ltmp44:
0x219: {  	s8 =	sadd.s32 @!p1 s1, s8;
	s9 =	sadd.s32 @!p1 s1, s9;
	(pc) =	sbr.rel @p2 .LBB2_56-.Ltmp44, $4  }
0x21a: {  	[hbm4b:s8+s2] =	stream.linear.scatter @!p1 [tilespmem:s10], [sflag:$0x5], $0x80, $0x38;
	[tilespmem:$0x1C938] =	vst v63  }
0x21b: {  	s8 =	sadd.s32 @!p1 $0x100, s7;
	s10 =	sadd.s32 @!p1 $0x180, s3;
	s3 =	simm.s32 $0x0  }
0x21c: {  	[hbm4b:s9+s2] =	stream.linear.scatter @!p1 [tilespmem:s8], [sflag:$0x5], $0x80, $0x38;
	[tilespmem:$0x1C938] =	vst v63  }
0x21d: {  	s7 =	sadd.s32 @!p1 $0x180, s7;
	s3 =	simm.s32 @!p1 $0x800;
	s8 =	sand.u32 @!p1 $0x1FFFF8, s10  }
.LBB2_57:
0x21e: {  	s4 =	sadd.s32 @!p1 s1, s8;
	s0 =	sadd.s32 s0, s3  }
0x21f: {  	[hbm4b:s4+s2] =	stream.linear.scatter @!p1 [tilespmem:s7], [sflag:$0x5], $0x80, $0x38;
	[tilespmem:$0x1C938] =	vst v63  }
0x220: {  	s0 =	sshrl.u32 s0, $0x2  }
.LBB2_58:
0x221: {  	s2 =	simm.s32 $0x5  }
0x222: {  	_ =	swait.ge [sflag:s2], s0  }
0x223: {  	s31 =	ssub.s32 $0x0, s0;
	[sflag:s2] =	ssyncset.done $0x0  }
0x224: {  	[sflag:s2] =	ssyncadd.s32 s31  }
0x225: {  	[sflag:s2] =	ssyncpa.u1 $0x1  }
.LBB2_59:
0x226: {  	s0 =	sor.u32 s16, s17  }
0x227: {  	p1 =	sne.s32 s0, $0x0  }
.Ltmp45:
0x228: {  	_ = 	snop;
	(pc) =	sbr.rel @p1 .LBB2_82-.Ltmp45, $3  }
0x229: {  	_ =	sdelay $0x1  }
0x22a: {  	[bflag:$0x0] =	sbarrier.arrive $0xFFFF  }
0x22b: {  	_ =	sfence  }
0x22c: {  	s0 =	simm.s32 $0x7  }
0x22d: {  	s2 =	simm.s32 $0x4000;
	s3 =	simm.s32 $0xC818;
	[sflag:s0] =	ssyncpa.u1 $0x0  }
0x22e: {  	[tilespmem:s3], [sflag:$0x7] =	stream.linear.gather [spmem:s2], $0x20, $0x38;
	[tilespmem:$0x1C938] =	vst v63  }
0x22f: {  	s2 =	simm.s32 $0x0;
	s3 =	simm.s32 $0xC838  }
0x230: {  	[tilespmem:s3], [sflag:$0x7] =	stream.linear.gather [spmem:s2], $0x4000, $0x38;
	[tilespmem:$0x1C938] =	vst v63  }
.Ltmp46:
0x231: {  	_ = 	snop;
	(pc) =	sbr.rel .LBB2_61-.Ltmp46, $4  }
0x232: {  	_ =	swait.ge [sflag:s0], $0x4020  }
0x233: {  	s4 =	simm.s32 $0x8;
	[sflag:s0] =	ssyncset.done $0x0  }
0x234: {  	s5 =	simm.s32 $0xC688;
	s6 =	simm.s32 $0xC708;
	[sflag:s0] =	ssyncadd.s32 $0xFFFFBFE0  }
0x235: {  	s7 =	simm.s32 $0xC788;
	s8 =	simm.s32 $0x0;
	[sflag:s4] =	ssyncpa.u1 $0x0  }
.LBB2_76:
0x236: {  	s8 =	sadd.s32 $0x1, s8  }
0x237: {  	p1 =	sne.s32 s8, $0x20  }
.Ltmp47:
0x238: {  	_ = 	snop;
	(pc) =	sbr.rel @!p1 .LBB2_77-.Ltmp47, $2  }
0x239: {  	_ =	sdelay $0x2  }
0x23a: {  	s3 =	sadd.s32 $0x200, s3  }
.LBB2_61:
0x23b: {  	v0 =	vld.msk [tilespmem:s8+$0xC818], $0x1;
	_ =	sdelay $0x4  }
0x23c: {  	(v2sf) =	vpush v0, $0x0;
	_ =	sdelay $0xe  }
0x23d: {  	s0 =	spop (v2sf)  }
0x23e: {  	p1 =	seq.s32 s0, $0xFFFFFFFF  }
.Ltmp48:
0x23f: {  	_ = 	snop;
	(pc) =	sbr.rel @p1 .LBB2_76-.Ltmp48, $1  }
0x240: {  	_ =	sdelay $0x3  }
0x241: {  	p1 =	slt.s32 s2, $0x1  }
.Ltmp49:
0x242: {  	_ = 	snop;
	(pc) =	sbr.rel @p1 .LBB2_69-.Ltmp49, $1  }
0x243: {  	_ =	sdelay $0x3  }
0x244: {  	s9 =	simm.s32 $0xC818;
	p1 =	por $0x0, $0x0  }
0x245: {  	v1 =	vld.msk @!p1 [tilespmem:s9+$0x0], $0x1;
	_ =	sdelay $0x4  }
0x246: {  	(v2sf) =	vpush @!p1 v1, $0x0;
	_ =	sdelay $0xd  }
0x247: {  	p3 =	sne.s32 s2, $0x1  }
.Ltmp50:
0x248: {  	s10 =	spop @!p1 (v2sf);
	(pc) =	sbr.rel @!p3 .LBB2_65-.Ltmp50, $4  }
0x249: {  	p2 =	seq.s32 @!p1 s0, s10  }
0x24a: {  	s10 =	simm.s32 $0x0;
	p2 =	por !p2, p1  }
0x24b: {  	s12 =	simm.s32 $0xFFFFFFFF;
	s10 =	simm.s32 @p2 $0xFFFFFFFF  }
0x24c: {  	s11 =	simm.s32 $0x1;
	s10 =	smov.u32 @p1 s12  }
.LBB2_64:
0x24d: {  	s12 =	smov.u32 s10;
	p1 =	sne.s32 s10, $0xFFFFFFFF  }
0x24e: {  	s9 =	sadd.s32 $0x1, s9;
	s10 =	smov.u32 s11;
	s11 =	sadd.s32 $0x1, s11  }
0x24f: {  	p2 =	sne.s32 s2, s11;
	v1 =	vld.msk @!p1 [tilespmem:s9+$0x0], $0x1;
	_ =	sdelay $0x4  }
0x250: {  	(v2sf) =	vpush @!p1 v1, $0x0;
	_ =	sdelay $0xe  }
.Ltmp51:
0x251: {  	s13 =	spop @!p1 (v2sf);
	(pc) =	sbr.rel @p2 .LBB2_64-.Ltmp51, $4  }
0x252: {  	p3 =	seq.s32 @!p1 s0, s13  }
0x253: {  	p3 =	por !p3, p1  }
0x254: {  	s10 =	simm.s32 @p3 $0xFFFFFFFF  }
0x255: {  	s10 =	smov.u32 @p1 s12  }
.LBB2_65:
0x256: {  	p1 =	seq.s32 s10, $0xFFFFFFFF  }
.Ltmp52:
0x257: {  	_ = 	snop;
	(pc) =	sbr.rel @p1 .LBB2_69-.Ltmp52, $1  }
0x258: {  	_ =	sdelay $0x3  }
0x259: {  	s0 =	sshll.u32 s10, $0xB  }
0x25a: {  	s0 =	sshra.s32 s0, $0x2  }
0x25b: {  	s9 =	simm.s32 $0x0;
	v0 =	vld [tilespmem:s3+$0x0];
	s10 =	smov.u32 s3;
	s0 =	sadd.s32 $0xC838, s0  }
.LBB2_67:
0x25c: {  	s9 =	sadd.s32 $0x10, s9  }
0x25d: {  	p1 =	slt.u32 s9, $0x1F0  }
.Ltmp53:
0x25e: {  	_ = 	snop;
	(pc) =	sbr.rel @p1 .LBB2_67-.Ltmp53, $3  }
0x25f: {  	_ =	sdelay $0x1  }
0x260: {  	s10 =	sadd.s32 $0x10, s10;
	[tilespmem:s0+$0x0] =	vst.add.f32.msk $0xffff, v0;
	s0 =	sadd.s32 $0x10, s0  }
0x261: {  	v0 =	vld [tilespmem:s10+$0x0]  }
.Ltmp54:
0x262: {  	_ = 	snop;
	(pc) =	sbr.rel .LBB2_76-.Ltmp54, $2  }
0x263: {  	_ =	sdelay $0x2  }
0x264: {  	[tilespmem:s0+$0x0] =	vst.add.f32.msk $0xffff, v0  }
.LBB2_69:
0x265: {  	p1 =	sgt.u32 s0, $0x9C270  }
.Ltmp55:
0x266: {  	_ = 	snop;
	(pc) =	sbr.rel @p1 .LBB2_73-.Ltmp55, $1  }
0x267: {  	_ =	sdelay $0x3  }
0x268: {  	s9 =	sand.u32 $0xFFFF8, s0;
	s11 =	sand.u32 $0x7, s0  }
0x269: {  	s29 =	sadd.s32 $0x80, s0;
	s10 =	sadd.s32 s1, s9;
	s9 =	simm.s32 $0xC608  }
0x26a: {  	[tilespmem:s9], [sflag:$0x8] =	stream.linear.gather [hbm4b:s10+s11], $0x80, $0x38;
	[tilespmem:$0x1C938] =	vst v63  }
0x26b: {  	s10 =	sand.u32 $0x1FFFF8, s29  }
0x26c: {  	s30 =	sadd.s32 $0x100, s0;
	s10 =	sadd.s32 s1, s10  }
0x26d: {  	[tilespmem:s5], [sflag:$0x8] =	stream.linear.gather [hbm4b:s10+s11], $0x80, $0x38;
	[tilespmem:$0x1C938] =	vst v63  }
0x26e: {  	s31 =	sadd.s32 $0x180, s0;
	s10 =	sand.u32 $0x1FFFF8, s30  }
0x26f: {  	s0 =	sand.u32 $0x1FFFF8, s31;
	s10 =	sadd.s32 s1, s10  }
0x270: {  	[tilespmem:s6], [sflag:$0x8] =	stream.linear.gather [hbm4b:s10+s11], $0x80, $0x38;
	[tilespmem:$0x1C938] =	vst v63  }
0x271: {  	s0 =	sadd.s32 s1, s0  }
0x272: {  	[tilespmem:s7], [sflag:$0x8] =	stream.linear.gather [hbm4b:s0+s11], $0x80, $0x38;
	[tilespmem:$0x1C938] =	vst v63  }
0x273: {  	_ =	swait.ge [sflag:s4], $0x200  }
0x274: {  	[sflag:s4] =	ssyncset.done $0x0  }
0x275: {  	[sflag:s4] =	ssyncadd.s32 $0xFFFFFE00  }
0x276: {  	s10 =	smov.u32 s3;
	s0 =	simm.s32 $0x0;
	v1 =	vld [tilespmem:s9+$0x0]  }
.LBB2_71:
0x277: {  	s0 =	sadd.s32 $0x10, s0  }
0x278: {  	p1 =	slt.u32 s0, $0x1F0  }
.Ltmp56:
0x279: {  	_ = 	snop;
	(pc) =	sbr.rel @p1 .LBB2_71-.Ltmp56, $3  }
0x27a: {  	_ =	sdelay $0x1  }
0x27b: {  	s9 =	sadd.s32 $0x10, s9;
	[tilespmem:s10+$0x0] =	vst.add.f32.msk $0xffff, v1;
	s10 =	sadd.s32 $0x10, s10  }
0x27c: {  	v1 =	vld [tilespmem:s9+$0x0]  }
0x27d: {  	_ =	sdelay $0x3  }
0x27e: {  	[tilespmem:s10+$0x0] =	vst.add.f32.msk $0xffff, v1  }
.LBB2_73:
0x27f: {  	s0 =	sshll.u32 s2, $0xB  }
0x280: {  	[tilespmem:s2+$0xC818] =	vst.msk $0x1, v0;
	s0 =	sshra.s32 s0, $0x2  }
0x281: {  	s9 =	simm.s32 $0x0;
	s10 =	smov.u32 s3;
	v0 =	vld [tilespmem:s3+$0x0];
	s0 =	sadd.s32 $0xC838, s0  }
.LBB2_74:
0x282: {  	s9 =	sadd.s32 $0x10, s9  }
0x283: {  	p1 =	slt.u32 s9, $0x1F0  }
.Ltmp57:
0x284: {  	_ = 	snop;
	(pc) =	sbr.rel @p1 .LBB2_74-.Ltmp57, $3  }
0x285: {  	_ =	sdelay $0x1  }
0x286: {  	s10 =	sadd.s32 $0x10, s10;
	[tilespmem:s0+$0x0] =	vst v0;
	s0 =	sadd.s32 $0x10, s0  }
0x287: {  	v0 =	vld [tilespmem:s10+$0x0]  }
.Ltmp58:
0x288: {  	_ = 	snop;
	(pc) =	sbr.rel .LBB2_76-.Ltmp58, $2  }
0x289: {  	_ =	sdelay $0x2  }
0x28a: {  	s2 =	sadd.s32 $0x1, s2;
	[tilespmem:s0+$0x0] =	vst v0  }
.LBB2_77:
0x28b: {  	p1 =	slt.s32 s2, $0x1  }
.Ltmp59:
0x28c: {  	_ = 	snop;
	(pc) =	sbr.rel @p1 .LBB2_81-.Ltmp59, $3  }
0x28d: {  	_ =	sdelay $0x1  }
0x28e: {  	s0 =	simm.s32 $0x8  }
0x28f: {  	[sflag:s0] =	ssyncpa.u1 $0x1;
	s0 =	simm.s32 $0x0  }
0x290: {  	s3 =	simm.s32 $0xC818  }
0x291: {  	v0 =	vld.msk [tilespmem:s3+$0x0], $0x1;
	_ =	sdelay $0x4  }
0x292: {  	(v2sf) =	vpush v0, $0x0;
	_ =	sdelay $0xe  }
0x293: {  	s7 =	spop (v2sf)  }
0x294: {  	s2 =	sadd.s32 $0xFFFFFFFF, s2;
	p1 =	sgt.u32 s7, $0x9C270  }
0x295: {  	s3 =	simm.s32 $0xC838;
	s4 =	sand.u32 @!p1 $0xFFFF8, s7;
	s8 =	sadd.s32 @!p1 $0x80, s7  }
0x296: {  	s5 =	sand.u32 @!p1 $0x7, s7;
	s4 =	sadd.s32 @!p1 s1, s4;
	s8 =	sand.u32 @!p1 $0x1FFFF8, s8  }
0x297: {  	[hbm4b:s4+s5] =	stream.linear.scatter @!p1 [tilespmem:s3], [sflag:$0x7], $0x80, $0x38;
	[tilespmem:$0x1C938] =	vst v63  }
0x298: {  	p2 =	sne.s32 s2, $0x0;
	s3 =	simm.s32 @!p1 $0xC8B8;
	s4 =	sadd.s32 @!p1 s1, s8  }
0x299: {  	[hbm4b:s4+s5] =	stream.linear.scatter @!p1 [tilespmem:s3], [sflag:$0x7], $0x80, $0x38;
	[tilespmem:$0x1C938] =	vst v63  }
.Ltmp60:
0x29a: {  	s6 =	simm.s32 $0x0;
	s9 =	sadd.s32 @!p1 $0x100, s7;
	(pc) =	sbr.rel @!p2 .LBB2_80-.Ltmp60, $4  }
0x29b: {  	s6 =	simm.s32 @!p1 $0x800;
	s8 =	sand.u32 @!p1 $0x1FFFF8, s9;
	s3 =	simm.s32 @!p1 $0xC938  }
0x29c: {  	s4 =	sadd.s32 @!p1 s1, s8;
	s8 =	sadd.s32 @!p1 $0x180, s7;
	s7 =	simm.s32 @!p1 $0xC9B8  }
0x29d: {  	[hbm4b:s4+s5] =	stream.linear.scatter @!p1 [tilespmem:s3], [sflag:$0x7], $0x80, $0x38;
	[tilespmem:$0x1C938] =	vst v63  }
0x29e: {  	s8 =	sand.u32 @!p1 $0x1FFFF8, s8;
	s3 =	simm.s32 $0xC819;
	s4 =	simm.s32 $0xCA38  }
.LBB2_79:
0x29f: {  	s2 =	sadd.s32 $0xFFFFFFFF, s2;
	s8 =	sadd.s32 @!p1 s1, s8;
	s0 =	sadd.s32 s0, s6  }
0x2a0: {  	[hbm4b:s8+s5] =	stream.linear.scatter @!p1 [tilespmem:s7], [sflag:$0x7], $0x80, $0x38;
	[tilespmem:$0x1C938] =	vst v63  }
0x2a1: {  	p2 =	sne.s32 s2, $0x0;
	s7 =	smov.u32 s4;
	v0 =	vld.msk [tilespmem:s3+$0x0], $0x1;
	_ =	sdelay $0x4  }
0x2a2: {  	(v2sf) =	vpush v0, $0x0;
	_ =	sdelay $0xe  }
0x2a3: {  	s6 =	spop (v2sf)  }
0x2a4: {  	s4 =	sadd.s32 $0x200, s4;
	s3 =	sadd.s32 $0x1, s3;
	p1 =	sgt.u32 s6, $0x9C270  }
0x2a5: {  	s5 =	sand.u32 @!p1 $0xFFFF8, s6;
	s8 =	sadd.s32 @!p1 $0x80, s6;
	s9 =	sadd.s32 @!p1 $0x100, s6  }
0x2a6: {  	s10 =	sadd.s32 @!p1 s1, s5;
	s5 =	sand.u32 @!p1 $0x7, s6;
	s8 =	sand.u32 @!p1 $0x1FFFF8, s8  }
0x2a7: {  	[hbm4b:s10+s5] =	stream.linear.scatter @!p1 [tilespmem:s7], [sflag:$0x7], $0x80, $0x38;
	[tilespmem:$0x1C938] =	vst v63  }
0x2a8: {  	s9 =	sand.u32 @!p1 $0x1FFFF8, s9;
	s10 =	sadd.s32 @!p1 $0x80, s7  }
.Ltmp61:
0x2a9: {  	s8 =	sadd.s32 @!p1 s1, s8;
	s9 =	sadd.s32 @!p1 s1, s9;
	(pc) =	sbr.rel @p2 .LBB2_79-.Ltmp61, $4  }
0x2aa: {  	[hbm4b:s8+s5] =	stream.linear.scatter @!p1 [tilespmem:s10], [sflag:$0x7], $0x80, $0x38;
	[tilespmem:$0x1C938] =	vst v63  }
0x2ab: {  	s8 =	sadd.s32 @!p1 $0x100, s7;
	s10 =	sadd.s32 @!p1 $0x180, s6;
	s6 =	simm.s32 $0x0  }
0x2ac: {  	[hbm4b:s9+s5] =	stream.linear.scatter @!p1 [tilespmem:s8], [sflag:$0x7], $0x80, $0x38;
	[tilespmem:$0x1C938] =	vst v63  }
0x2ad: {  	s7 =	sadd.s32 @!p1 $0x180, s7;
	s6 =	simm.s32 @!p1 $0x800;
	s8 =	sand.u32 @!p1 $0x1FFFF8, s10  }
.LBB2_80:
0x2ae: {  	s1 =	sadd.s32 @!p1 s1, s8;
	s0 =	sadd.s32 s0, s6  }
0x2af: {  	[hbm4b:s1+s5] =	stream.linear.scatter @!p1 [tilespmem:s7], [sflag:$0x7], $0x80, $0x38;
	[tilespmem:$0x1C938] =	vst v63  }
0x2b0: {  	s0 =	sshrl.u32 s0, $0x2  }
.LBB2_81:
0x2b1: {  	s1 =	simm.s32 $0x7  }
0x2b2: {  	_ =	swait.ge [sflag:s1], s0  }
0x2b3: {  	s31 =	ssub.s32 $0x0, s0;
	[sflag:s1] =	ssyncset.done $0x0  }
0x2b4: {  	[sflag:s1] =	ssyncadd.s32 s31  }
0x2b5: {  	[sflag:s1] =	ssyncpa.u1 $0x1  }
.LBB2_82:
0x2b6: {  	_ =	sfence;
	s0 =	simm.s32 $0x1  }
0x2b7: {  	[sflag:s0] =	ssyncpa.u1 $0x1  }
0x2b8: {  	_ =	strace $0x90000050  }
0x2b9: {  	[bflag:$0x2] =	sbarrier.arrive $0xFFFF  }
0x2ba: {  	s0 =	rddreg [dreg:$0x4]  }
0x2bb: {  	s0 =	sadd.s32 @!p0 $0x100000, s0  }
0x2bc: {  	[sflag:s0] =	ssyncadd.tile.s32 @!p0 $0x1;
	_ =	shalt  }
.Lfunc_end2:
_tile_overlayer_lowered:
.L_overlay_start_2:
0x2bd: {  	(tag) =	ssettag $0x2  }
0x2be: {  	s0 =	rddreg [dreg:$0x0];
	s2 =	stileid.u32  }
0x2bf: {  	s1 =	rddreg [dreg:$0x1];
	p0 =	sne.s32 s2, $0x0  }
0x2c0: {  	s3 =	rddreg [dreg:$0x2];
	[bflag:$0x3] =	sbarrier.arrive $0xFFFF;
	s2 =	simm.s32 @!p0 $0x1C01  }
0x2c1: {  	[timem:s3], [sflag:s2] =	dma.local @!p0 [hbm:s0], s1  }
0x2c2: {  	s0 =	simm.s32 @!p0 $0x1  }
0x2c3: {  	_ =	swait.ge @!p0 [sflag:s0], s1  }
0x2c4: {  	s1 =	ssub.s32 @!p0 $0x0, s1;
	[sflag:s0] =	ssyncset.done @!p0 $0x0  }
0x2c5: {  	[sflag:s0] =	ssyncadd.s32 @!p0 s1  }
0x2c6: {  	[bflag:$0x3] =	sbarrier.arrive $0xFFFF  }
0x2c7: {  	_ =	shalt  }

// kernel: sparse-core-data-format-call.1.cloned.1.call-start
scs
called_computation.2_lowered:
.L_overlay_start_0:
0x0: {  	s1 =	sld [smem:$0x3FD9]  }
0x1: {  	s2 =	sld [smem:$0x3FFE];
	_ =	sdelay $0x1  }
0x2: {  	s3 =	srdreg.scid  }
0x3: {  	s0 =	sand.u32 $0x1, s3  }
0x4: {  	s17 =	sshll.u32 s0, $0xA;
	s1 =	sadd.s32 s2, s1  }
0x5: {  	s1 =	sadd.s32 s1, s17  }
0x6: {  	[smem:$0x3FC0] =	sst s1  }
0x7: {  	_ = 	snop  }
0x8: {  	(tm) =	ssettm $0x1  }
0x9: {  	s18 =	sld [smem:$0x3FFB];
	_ =	sdelay $0x3  }
0xa: {  	_ =	strace s18  }
0xb: {  	s1 =	sld [smem:$0x3FFC];
	_ =	sdelay $0x3  }
0xc: {  	_ =	strace s1  }
0xd: {  	s1 =	sld [smem:$0x3FFD];
	_ =	sdelay $0x3  }
0xe: {  	_ =	strace s1  }
0xf: {  	_ =	strace $0x8FFFFFFF  }
0x10: {  	s19 =	sld [smem:$0x3FDB];
	_ =	sdelay $0x1  }
0x11: {  	s20 =	simm.s32 $_scs_section_size  }
0x12: {  	s4 =	simm.s32 $_size__tile_overlayer_lowered;
	s5 =	simm.s32 $_tile_overlayer_lowered  }
0x13: {  	s23 =	simm.s32 $0x1BFF;
	s22 =	sshll.u32 s5, $0x1;
	s1 =	sadd.s32 s20, s19  }
0x14: {  	s6 =	simm.s32 $0x0;
	s21 =	sshll.u32 s4, $0x1;
	s4 =	sadd.s32 s22, s1  }
0x15: {  	[timem:s6], [sflag:s23] =	dma.local [hbm:s4], s21  }
0x16: {  	_ =	swait.ge [sflag:s23], s21  }
0x17: {  	s2 =	ssub.s32 $0x0, s21;
	[sflag:s23] =	ssyncset.done $0x0  }
0x18: {  	[sflag:s23] =	ssyncadd.s32 s2;
	_ =	sdelay $0x1  }
0x19: {  	s24 =	simm.s32 $0x1B8B  }
0x1a: {  	_ =	swait.ge [sflag:s24], $0x1  }
0x1b: {  	[sflag:s24] =	ssyncset.done $0x0  }
0x1c: {  	s26 =	simm.s32 $0x1B8E;
	s25 =	sld [smem:$0x3FFE];
	[sflag:s24] =	ssyncadd.s32 $0xFFFFFFFF  }
0x1d: {  	s27 =	simm.s32 $execute0_lowered;
	[smem:$0x3FD2] =	sst s26  }
0x1e: {  	s4 =	sshll.u32 s27, $0x1;
	_ =	strace $0x80000049;
	[dreg:$0x1] =	wrdreg $0xFFFFFFFF  }
0x1f: {  	s28 =	simm.s32 $_size_execute0_lowered;
	s1 =	sadd.s32 s1, s4;
	[dreg:$0x0] =	wrdreg $0x0  }
0x20: {  	s4 =	sshll.u32 s28, $0x1;
	[dreg:$0x2] =	wrdreg s1  }
0x21: {  	[dreg:$0x3] =	wrdreg s4  }
0x22: {  	[dreg:$0x4] =	wrdreg $0xC0  }
0x23: {  	_ =	task [dreg:s6], $0x5FFFF  }
0x24: {  	[dreg:$0x1] =	wrdreg $0xFFFFFFFF  }
0x25: {  	[dreg:$0x0] =	wrdreg $0x60  }
0x26: {  	[dreg:$0x2] =	wrdreg s25  }
0x27: {  	[dreg:$0x3] =	wrdreg $0x9  }
0x28: {  	_ =	task.clear_ibuf [dreg:s6], $0x4FFFF;
	_ =	strace $0x90000049  }
0x29: {  	s29 =	simm.s32 $0x9;
	_ =	strace $0x8000004B  }
0x2a: {  	_ =	swait.ge [sflag:s29], $0x1  }
0x2b: {  	[sflag:s29] =	ssyncadd.s32 $0xFFFFFFFF  }
0x2c: {  	_ =	strace $0x9000004B  }
0x2d: {  	_ =	sfence  }
0x2e: {  	s30 =	sld [smem:$0x0];
	_ =	sdelay $0x2  }
0x2f: {  	s31 =	sshll.u32 s3, $0xD;
	s3 =	sshrl.u32 s3, $0x2  }
0x30: {  	s2 =	sand.u32 $0x4000, s31;
	s1 =	sadd.s32 s3, s30  }
0x31: {  	s0 =	sor.u32 s2, s0;
	s1 =	sshll.u32 s1, $0x11  }
0x32: {  	s0 =	sor.u32 s1, s0  }
0x33: {  	s0 =	sadd.s32 $0x8F2B, s0  }
0x34: {  	[sflag:s0] =	ssyncadd.remote.s32 $0x1  }
0x35: {  	_ =	sfence.sel $0xFFFF  }
0x36: {  	[dreg:$0x0] =	wrdreg $0xFFFFFFFF;
	(pc) =	sbr.abs _section_cstart, $3  }
0x37: {  	[dreg:$0x1] =	wrdreg $0xFFFFFFFF  }
0x38: {  	_ =	task.clear_ibuf [dreg:s6], $0x2FFFF;
	_ =	strace $0x9FFFFFFF  }
0x39: {  	(tm) =	ssettm $0x7FFFFFFF  }
tec
execute0_lowered:
.L_overlay_start_1:
0x0: {  	(tag) =	ssettag $0x1  }
0x1: {  	s8 =	rddreg [dreg:$0x0]  }
0x2: {  	s0 =	stileid.u32;
	s1 =	srdreg.scid  }
0x3: {  	s31 =	simm.s32 $0x2;
	s15 =	simm.s32 $0x0;
	s14 =	simm.s32 $0x0  }
0x4: {  	s13 =	simm.s32 $0x0;
	s2 =	sshll.u32 s0, $0x1;
	s3 =	sshll.u32 s0, $0x5  }
0x5: {  	s4 =	sshll.u32 s1, $0x9;
	s1 =	rddreg [dreg:$0x1];
	_ =	strace $0x8000004A  }
0x6: {  	s2 =	sand.u32 $0x6, s2;
	s3 =	sor.u32 s3, s4;
	s4 =	sadd.s32 $0x143A00, s8  }
0x7: {  	s3 =	sand.u32 $0x380, s3;
	s5 =	ssub.s32 $0x8, s2;
	s12 =	smov.u32 s2  }
0x8: {  	s6 =	sand.u32 $0x6, s5;
	s7 =	ssub.s32 $0x27100, s3;
	s10 =	sshrl.u32 s5, $0x3  }
0x9: {  	p0 =	sne.s32 s6, $0x0;
	s6 =	simm.s32 $0x1;
	s9 =	sand.u32 $0x380, s7  }
0xa: {  	s6 =	simm.s32 @!p0 $0x0;
	p0 =	sne.s32 s9, $0x0;
	s9 =	simm.s32 $0x1  }
.Ltmp0:
0xb: {  	s7 =	sshrl.u32 s7, $0xA;
	s9 =	simm.s32 @!p0 $0x0;
	(pc) =	sbr.rel .LBB1_1-.Ltmp0, $4  }
0xc: {  	s5 =	simm.s32 $0x1;
	s6 =	sadd.s32 s6, s10;
	s7 =	sadd.s32 s9, s7  }
0xd: {  	s11 =	smov.u32 s3;
	[sflag:s5] =	ssyncpa.u1 $0x0;
	s6 =	smul.u32 s6, s7  }
0xe: {  	[sflag:s31] =	ssyncpa.u1 $0x0;
	p0 =	por $0x0, $0x0;
	s10 =	simm.s32 $0x138800  }
0xf: {  	s7 =	sadd.s32 $0x14CBA00, s8;
	s8 =	sadd.s32 $0x3B4A00, s8;
	s9 =	sadd.s32 $0x1, s6  }
.LBB1_7:
0x10: {  	s16 =	sadd.s32 $0x400, s11  }
0x11: {  	s14 =	sadd.s32 $0x8, s12;
	s18 =	smov.u32 s12;
	p2 =	sgt.s32 s16, $0x270FF  }
0x12: {  	s18 =	smov.u32 @p2 s14  }
0x13: {  	s16 =	smov.u32 @p2 s3;
	p2 =	sgt.s32 s18, $0x7  }
0x14: {  	s18 =	smov.u32 @p2 s2;
	p2 =	sne.s32 s13, s9  }
.Ltmp1:
0x15: {  	p1 =	slt.u32 s13, $0x2;
	(pc) =	sbr.rel @!p2 .LBB1_8-.Ltmp1, $4  }
0x16: {  	s17 =	simm.s32 @!p1 $0x2  }
0x17: {  	s15 =	smov.u32 s11;
	p0 =	por !p0, !p0;
	_ =	swait.ge @!p1 [sflag:s17], $0x4000  }
0x18: {  	s14 =	smov.u32 s12;
	[sflag:s17] =	ssyncset.done @!p1 $0x0;
	s11 =	smov.u32 s16  }
0x19: {  	s13 =	sadd.s32 $0x1, s13;
	[sflag:s17] =	ssyncadd.s32 @!p1 $0xFFFFC000;
	s12 =	smov.u32 s18  }
.LBB1_1:
0x1a: {  	p1 =	sge.u32 s13, s6  }
0x1b: {  	s16 =	sand.u32 @!p1 $0x1FFFFFF, s11  }
0x1c: {  	s17 =	smulhi.u32 @!p1 $0x1A36E2F, s16;
	_ =	sdelay $0x1  }
0x1d: {  	s17 =	sshrl.u32 @!p1 s17, $0xA  }
0x1e: {  	s17 =	smul.u32 @!p1 $0x27100, s17  }
0x1f: {  	s18 =	sxor.u32 @!p1 $0xFFFFFFFF, s13;
	s19 =	smul.u32 @!p1 $0x271000, s12  }
0x20: {  	s18 =	sshll.u32 @!p1 s18, $0xE;
	s16 =	ssub.s32 @!p1 s16, s17  }
0x21: {  	s17 =	sand.u32 @!p1 $0x4000, s18;
	s18 =	sadd.s32 @!p1 s4, s19;
	s16 =	sshll.u32 @!p1 s16, $0x4  }
0x22: {  	s20 =	simm.s32 @!p1 $0x40;
	s21 =	simm.s32 @!p1 $0x80;
	s18 =	sadd.s32 @!p1 s16, s18  }
0x23: {  	[tilespmem:s17], [sflag:$0x1] =	stream.strided.gather @!p1 [hbm4b:s18+s20], $0x2000, s21, s20, $0x38;
	[tilespmem:$0x10100] =	vst v63  }
0x24: {  	s18 =	sadd.s32 @!p1 s19, s8  }
0x25: {  	s31 =	sadd.s32 $0xFFFFFFFF, s13;
	s17 =	sor.u32 @!p1 $0x2000, s17;
	s16 =	sadd.s32 @!p1 s16, s18  }
0x26: {  	[tilespmem:s17], [sflag:$0x1] =	stream.strided.gather @!p1 [hbm4b:s16+s20], $0x2000, s21, s20, $0x38;
	[tilespmem:$0x10100] =	vst v63  }
0x27: {  	p1 =	sge.u32 s31, s6  }
.Ltmp2:
0x28: {  	_ = 	snop;
	(pc) =	sbr.rel @p1 .LBB1_7-.Ltmp2, $1  }
0x29: {  	_ =	sdelay $0x3  }
0x2a: {  	s16 =	simm.s32 $0x1;
	s18 =	sand.u32 $0x1, s13  }
0x2b: {  	_ =	swait.ge [sflag:s5], $0x4000;
	s16 =	simm.s32 @!p0 $0x0;
	s18 =	smul.u32 $0x10200, s18  }
0x2c: {  	p2 =	por $0x1, $0x1;
	[sflag:s5] =	ssyncset.done $0x0;
	s17 =	smul.u32 $0x10200, s16  }
0x2d: {  	s19 =	sshll.u32 s16, $0x10;
	[sflag:s5] =	ssyncadd.s32 $0xFFFFC000;
	s30 =	sshrl.u32 s18, $0x2  }
0x2e: {  	s31 =	sshrl.u32 s19, $0x2;
	s19 =	simm.s32 $0x0;
	s17 =	sshrl.u32 s17, $0x2  }
0x2f: {  	s16 =	sor.u32 $0x8000, s30;
	s18 =	sadd.s32 $0x20, s31;
	s17 =	sor.u32 $0x8000, s17  }
.LBB1_3:
0x30: {  	s20 =	sshll.u32 s19, $0xD  }
0x31: {  	s20 =	sand.u32 $0x3FFFE000, s20  }
0x32: {  	s22 =	sadd.s32 s20, s18  }
0x33: {  	s31 =	smul.u32 $0x8100, s19;
	v3 =	vld [tilespmem:s22+$0x10]  }
0x34: {  	v1 =	vld [tilespmem:s22+$0xFFFFFFF0]  }
0x35: {  	s19 =	sshra.s32 s31, $0x2;
	v0 =	vld [tilespmem:s22+$0x0]  }
0x36: {  	s19 =	sadd.s32 s19, s17;
	v2 =	vld [tilespmem:s22+$0xFFFFFFE0]  }
0x37: {  	s20 =	sadd.s32 $0x0, s19  }
0x38: {  	p1 =	por p2, p2;
	s21 =	simm.s32 $0x4;
	s22 =	sadd.s32 $0x40, s22;
	[tilespmem:s20+$0x1830 ss:$0x81] =	vst.msk $0xffff, v3  }
.LBB1_4:
0x39: {  	v3 =	vld [tilespmem:s22+$0x10];
	p2 =	sne.s32 s21, $0x1FC;
	[tilespmem:s20+$0x810 ss:$0x81] =	vst.msk $0xffff, v1;
	s23 =	smov.u32 s21;
	s21 =	sadd.s32 $0x4, s21  }
.Ltmp3:
0x3a: {  	v1 =	vld [tilespmem:s22+$0xFFFFFFF0];
	[tilespmem:s20+$0x1020 ss:$0x81] =	vst.msk $0xffff, v0;
	(pc) =	sbr.rel @p2 .LBB1_4-.Ltmp3, $4  }
0x3b: {  	v0 =	vld [tilespmem:s22+$0x0];
	[tilespmem:s20+$0x0 ss:$0x81] =	vst.msk $0xffff, v2  }
0x3c: {  	s20 =	sshra.s32 s23, $0x2;
	v2 =	vld [tilespmem:s22+$0xFFFFFFE0]  }
0x3d: {  	s20 =	sadd.s32 s20, s19  }
0x3e: {  	s22 =	sadd.s32 $0x40, s22;
	[tilespmem:s20+$0x1830 ss:$0x81] =	vst.msk $0xffff, v3  }
.Ltmp4:
0x3f: {  	(pc) =	sbr.rel @p1 .LBB1_3-.Ltmp4, $4  }
0x40: {  	_ = 	snop  }
0x41: {  	[tilespmem:s20+$0x810 ss:$0x81] =	vst.msk $0xffff, v1  }
0x42: {  	[tilespmem:s20+$0x1020 ss:$0x81] =	vst.msk $0xffff, v0  }
0x43: {  	s19 =	simm.s32 $0x1;
	p2 =	por $0x0, $0x0;
	[tilespmem:s20+$0x0 ss:$0x81] =	vst.msk $0xffff, v2  }
0x44: {  	s17 =	sshll.u32 s15, $0x3  }
0x45: {  	s29 =	sand.u32 $0x7F, s15;
	s17 =	sand.u32 $0xFFFFFC00, s17  }
0x46: {  	s15 =	sor.u32 s29, s17;
	s17 =	smulhi.u32 $0xD1B71759, s17  }
0x47: {  	s18 =	smulhi.u32 $0xD1B71759, s15;
	_ =	sdelay $0x1  }
0x48: {  	s14 =	smul.u32 $0x138800, s14;
	s17 =	sshrl.u32 s17, $0x11;
	s18 =	sshrl.u32 s18, $0x11  }
0x49: {  	s17 =	sand.u32 $0x3F, s17;
	s18 =	smul.u32 $0x27100, s18  }
0x4a: {  	s17 =	smul.u32 $0x4E20, s17  }
.Ltmp5:
0x4b: {  	s15 =	ssub.s32 s15, s18;
	(pc) =	sbr.rel .LBB1_7-.Ltmp5, $4  }
0x4c: {  	s14 =	sadd.s32 s7, s14;
	s18 =	sand.u32 $0x7, s15  }
0x4d: {  	s14 =	sadd.s32 s17, s14;
	s15 =	sshrl.u32 s15, $0x3;
	s30 =	sshll.u32 s18, $0x12  }
0x4e: {  	s14 =	sadd.s32 s15, s14;
	s31 =	sor.u32 $0x400, s30  }
0x4f: {  	[hbm4b:s14+s31] =	stream.strided.scatter [tilespmem:s16], [sflag:$0x2], $0x4000, s10, s31, $0x20;
	[tilespmem:$0x10100] =	vst v63  }
.LBB1_8:
0x50: {  	_ =	sfence.sel $0x180000  }
0x51: {  	s2 =	simm.s32 $0x1;
	[bflag:$0x0] =	sbarrier.arrive $0xFFFF  }
0x52: {  	s31 =	simm.s32 $0x2;
	[sflag:s2] =	ssyncpa.u1 $0x1  }
0x53: {  	[sflag:s31] =	ssyncpa.u1 $0x1  }
0x54: {  	p0 =	sne.s32 s0, $0x0;
	_ =	strace $0x9000004A  }
0x55: {  	s0 =	sadd.s32 @!p0 $0x100000, s1;
	[bflag:$0x2] =	sbarrier.arrive $0xFFFF  }
0x56: {  	[sflag:s0] =	ssyncadd.tile.s32 @!p0 $0x1;
	_ =	shalt  }
.Lfunc_end1:
_tile_overlayer_lowered:
.L_overlay_start_2:
0x57: {  	(tag) =	ssettag $0x2  }
0x58: {  	s0 =	rddreg [dreg:$0x0];
	s2 =	stileid.u32  }
0x59: {  	s1 =	rddreg [dreg:$0x1];
	p0 =	sne.s32 s2, $0x0  }
0x5a: {  	s3 =	rddreg [dreg:$0x2];
	[bflag:$0x3] =	sbarrier.arrive $0xFFFF;
	s2 =	simm.s32 @!p0 $0x1C01  }
0x5b: {  	[timem:s3], [sflag:s2] =	dma.local @!p0 [hbm:s0], s1  }
0x5c: {  	s0 =	simm.s32 @!p0 $0x1  }
0x5d: {  	_ =	swait.ge @!p0 [sflag:s0], s1  }
0x5e: {  	s1 =	ssub.s32 @!p0 $0x0, s1;
	[sflag:s0] =	ssyncset.done @!p0 $0x0  }
0x5f: {  	[sflag:s0] =	ssyncadd.s32 @!p0 s1  }
0x60: {  	[bflag:$0x3] =	sbarrier.arrive $0xFFFF  }
0x61: {  	_ =	shalt  }

// kernel: sparse-core-data-format-call.cloned.1.call-start
scs
called_computation.1_lowered:
.L_overlay_start_0:
0x0: {  	s1 =	sld [smem:$0x3FD9]  }
0x1: {  	s2 =	sld [smem:$0x3FFE];
	_ =	sdelay $0x1  }
0x2: {  	s3 =	srdreg.scid  }
0x3: {  	s0 =	sand.u32 $0x1, s3  }
0x4: {  	s17 =	sshll.u32 s0, $0xA;
	s1 =	sadd.s32 s2, s1  }
0x5: {  	s1 =	sadd.s32 s1, s17  }
0x6: {  	[smem:$0x3FC0] =	sst s1  }
0x7: {  	_ = 	snop  }
0x8: {  	(tm) =	ssettm $0x1  }
0x9: {  	s18 =	sld [smem:$0x3FFB];
	_ =	sdelay $0x3  }
0xa: {  	_ =	strace s18  }
0xb: {  	s1 =	sld [smem:$0x3FFC];
	_ =	sdelay $0x3  }
0xc: {  	_ =	strace s1  }
0xd: {  	s1 =	sld [smem:$0x3FFD];
	_ =	sdelay $0x3  }
0xe: {  	_ =	strace s1  }
0xf: {  	_ =	strace $0x8FFFFFFF  }
0x10: {  	s19 =	sld [smem:$0x3FDB];
	_ =	sdelay $0x1  }
0x11: {  	s20 =	simm.s32 $_scs_section_size  }
0x12: {  	s4 =	simm.s32 $_size__tile_overlayer_lowered;
	s5 =	simm.s32 $_tile_overlayer_lowered  }
0x13: {  	s23 =	simm.s32 $0x1BFF;
	s22 =	sshll.u32 s5, $0x1;
	s1 =	sadd.s32 s20, s19  }
0x14: {  	s6 =	simm.s32 $0x0;
	s21 =	sshll.u32 s4, $0x1;
	s4 =	sadd.s32 s22, s1  }
0x15: {  	[timem:s6], [sflag:s23] =	dma.local [hbm:s4], s21  }
0x16: {  	_ =	swait.ge [sflag:s23], s21  }
0x17: {  	s2 =	ssub.s32 $0x0, s21;
	[sflag:s23] =	ssyncset.done $0x0  }
0x18: {  	[sflag:s23] =	ssyncadd.s32 s2;
	_ =	sdelay $0x1  }
0x19: {  	s24 =	simm.s32 $0x1B8B  }
0x1a: {  	_ =	swait.ge [sflag:s24], $0x1  }
0x1b: {  	[sflag:s24] =	ssyncset.done $0x0  }
0x1c: {  	s26 =	simm.s32 $0x1B8E;
	s25 =	sld [smem:$0x3FFE];
	[sflag:s24] =	ssyncadd.s32 $0xFFFFFFFF  }
0x1d: {  	s27 =	simm.s32 $execute0_lowered;
	[smem:$0x3FD2] =	sst s26  }
0x1e: {  	s4 =	sshll.u32 s27, $0x1;
	_ =	strace $0x8000004C;
	[dreg:$0x1] =	wrdreg $0xFFFFFFFF  }
0x1f: {  	s28 =	simm.s32 $_size_execute0_lowered;
	s1 =	sadd.s32 s1, s4;
	[dreg:$0x0] =	wrdreg $0x0  }
0x20: {  	s4 =	sshll.u32 s28, $0x1;
	[dreg:$0x2] =	wrdreg s1  }
0x21: {  	[dreg:$0x3] =	wrdreg s4  }
0x22: {  	[dreg:$0x4] =	wrdreg $0xC0  }
0x23: {  	_ =	task [dreg:s6], $0x5FFFF  }
0x24: {  	[dreg:$0x1] =	wrdreg $0xFFFFFFFF  }
0x25: {  	[dreg:$0x0] =	wrdreg $0x60  }
0x26: {  	[dreg:$0x2] =	wrdreg s25  }
0x27: {  	[dreg:$0x3] =	wrdreg $0x9  }
0x28: {  	_ =	task.clear_ibuf [dreg:s6], $0x4FFFF;
	_ =	strace $0x9000004C  }
0x29: {  	s29 =	simm.s32 $0x9;
	_ =	strace $0x8000004E  }
0x2a: {  	_ =	swait.ge [sflag:s29], $0x1  }
0x2b: {  	[sflag:s29] =	ssyncadd.s32 $0xFFFFFFFF  }
0x2c: {  	_ =	strace $0x9000004E  }
0x2d: {  	_ =	sfence  }
0x2e: {  	s30 =	sld [smem:$0x0];
	_ =	sdelay $0x2  }
0x2f: {  	s31 =	sshll.u32 s3, $0xD;
	s3 =	sshrl.u32 s3, $0x2  }
0x30: {  	s2 =	sand.u32 $0x4000, s31;
	s1 =	sadd.s32 s3, s30  }
0x31: {  	s0 =	sor.u32 s2, s0;
	s1 =	sshll.u32 s1, $0x11  }
0x32: {  	s0 =	sor.u32 s1, s0  }
0x33: {  	s0 =	sadd.s32 $0x8F2B, s0  }
0x34: {  	[sflag:s0] =	ssyncadd.remote.s32 $0x1  }
0x35: {  	_ =	sfence.sel $0xFFFF  }
0x36: {  	[dreg:$0x0] =	wrdreg $0xFFFFFFFF;
	(pc) =	sbr.abs _section_cstart, $3  }
0x37: {  	[dreg:$0x1] =	wrdreg $0xFFFFFFFF  }
0x38: {  	_ =	task.clear_ibuf [dreg:s6], $0x2FFFF;
	_ =	strace $0x9FFFFFFF  }
0x39: {  	(tm) =	ssettm $0x7FFFFFFF  }
tec
execute0_lowered:
.L_overlay_start_1:
0x0: {  	(tag) =	ssettag $0x1  }
0x1: {  	s0 =	stileid.u32;
	s1 =	srdreg.scid  }
0x2: {  	s7 =	rddreg [dreg:$0x0];
	s31 =	simm.s32 $0x2;
	s14 =	simm.s32 $0x0  }
0x3: {  	s13 =	simm.s32 $0x0;
	s12 =	simm.s32 $0x0;
	s2 =	sshll.u32 s0, $0x7  }
0x4: {  	s3 =	sshll.u32 s0, $0x5;
	s1 =	sshll.u32 s1, $0x9;
	s2 =	sand.u32 $0x180, s2  }
0x5: {  	s3 =	sor.u32 s3, s1;
	s1 =	rddreg [dreg:$0x1];
	_ =	strace $0x8000004D  }
0x6: {  	s3 =	sand.u32 $0x380, s3;
	s4 =	ssub.s32 $0x200, s2;
	s11 =	smov.u32 s2  }
0x7: {  	s5 =	sand.u32 $0x180, s4;
	s6 =	ssub.s32 $0x27100, s3;
	s9 =	sshrl.u32 s4, $0x9  }
0x8: {  	p0 =	sne.s32 s5, $0x0;
	s5 =	simm.s32 $0x1;
	s8 =	sand.u32 $0x380, s6  }
0x9: {  	s5 =	simm.s32 @!p0 $0x0;
	p0 =	sne.s32 s8, $0x0;
	s8 =	simm.s32 $0x1  }
.Ltmp0:
0xa: {  	s6 =	sshrl.u32 s6, $0xA;
	s8 =	simm.s32 @!p0 $0x0;
	(pc) =	sbr.rel .LBB1_1-.Ltmp0, $4  }
0xb: {  	s4 =	simm.s32 $0x1;
	s5 =	sadd.s32 s5, s9;
	s6 =	sadd.s32 s8, s6  }
0xc: {  	s10 =	smov.u32 s3;
	[sflag:s4] =	ssyncpa.u1 $0x0;
	s5 =	smul.u32 s5, s6  }
0xd: {  	[sflag:s31] =	ssyncpa.u1 $0x0;
	p0 =	por $0x0, $0x0;
	s9 =	simm.s32 $0x1000  }
0xe: {  	s6 =	sadd.s32 $0x14CBA00, s7;
	s7 =	sadd.s32 $0xA7200, s7;
	s8 =	sadd.s32 $0x1, s5  }
.LBB1_4:
0xf: {  	s20 =	sshll.u32 s14, $0x9;
	s21 =	sshll.u32 s13, $0x3  }
0x10: {  	v5 =	vld [tilespmem:s18+$0xFFFFFFD0];
	[tilespmem:s17+$0x2040 ss:$0x81] =	vst.msk $0xffff, v4;
	s25 =	sshll.u32 s14, $0x7;
	s20 =	sand.u32 $0xFFFFF000, s20;
	s21 =	sand.u32 $0xFFFFFC00, s21  }
0x11: {  	v58 =	vld [tilespmem:s18+$0xFFFFFFE0];
	[tilespmem:s17+$0x2850 ss:$0x81] =	vst.msk $0xffff, v3;
	s26 =	sand.u32 $0x200, s25;
	s20 =	sadd.s32 s21, s20  }
0x12: {  	s19 =	sshra.s32 s19, $0x2;
	v59 =	vld [tilespmem:s18+$0xFFFFFFF0];
	[tilespmem:s17+$0x3060 ss:$0x81] =	vst.msk $0xffff, v2;
	s20 =	sor.u32 s26, s20  }
0x13: {  	v60 =	vld [tilespmem:s18+$0x0];
	[tilespmem:s17+$0x0 ss:$0x81] =	vst.msk $0xffff, v0;
	s16 =	sadd.s32 s19, s16;
	s27 =	sshrl.u32 s20, $0x9  }
0x14: {  	v61 =	vld [tilespmem:s18+$0x10];
	[tilespmem:s16+$0x3870 ss:$0x81] =	vst.msk $0xffff, v1;
	s28 =	smulhi.u32 $0x1A36E3, s27  }
0x15: {  	v62 =	vld [tilespmem:s18+$0x20];
	[tilespmem:s16+$0x810 ss:$0x81] =	vst.msk $0xffff, v5  }
0x16: {  	v63 =	vld [tilespmem:s18+$0xFFFFFFC0];
	[tilespmem:s16+$0x1020 ss:$0x81] =	vst.msk $0xffff, v58;
	s29 =	sshrl.u32 s28, $0x6  }
0x17: {  	s30 =	sand.u32 $0x78, s13;
	s14 =	sand.u32 $0x180, s25;
	[tilespmem:s16+$0x1830 ss:$0x81] =	vst.msk $0xffff, v59;
	s18 =	smul.u32 $0x27100, s29  }
0x18: {  	s14 =	sor.u32 s30, s14;
	[tilespmem:s16+$0x2040 ss:$0x81] =	vst.msk $0xffff, v60  }
0x19: {  	s31 =	sand.u32 $0x7, s13;
	s14 =	sshrl.u32 s14, $0x3;
	[tilespmem:s16+$0x2850 ss:$0x81] =	vst.msk $0xffff, v61;
	s17 =	ssub.s32 s27, s18  }
0x1a: {  	s13 =	sshll.u32 s31, $0x12;
	s14 =	sadd.s32 s7, s14;
	[tilespmem:s16+$0x3060 ss:$0x81] =	vst.msk $0xffff, v62;
	s17 =	sshll.u32 s17, $0x6  }
0x1b: {  	s13 =	sor.u32 $0x400, s13;
	[tilespmem:s16+$0x0 ss:$0x81] =	vst.msk $0xffff, v63;
	s14 =	sadd.s32 s17, s14  }
0x1c: {  	[hbm4b:s14+s13] =	stream.strided.scatter [tilespmem:s15], [sflag:$0x2], $0x4000, s9, s13, $0x20;
	[tilespmem:$0x10100] =	vst v63  }
.LBB1_5:
0x1d: {  	s15 =	sadd.s32 $0x400, s10  }
0x1e: {  	s13 =	sadd.s32 $0x200, s11;
	s17 =	smov.u32 s11;
	p2 =	sgt.s32 s15, $0x270FF  }
0x1f: {  	s17 =	smov.u32 @p2 s13  }
0x20: {  	s15 =	smov.u32 @p2 s3;
	p2 =	sgt.s32 s17, $0x1FF  }
0x21: {  	s17 =	smov.u32 @p2 s2;
	p2 =	sne.s32 s12, s8  }
.Ltmp1:
0x22: {  	p1 =	slt.u32 s12, $0x2;
	(pc) =	sbr.rel @!p2 .LBB1_6-.Ltmp1, $4  }
0x23: {  	s16 =	simm.s32 @!p1 $0x2  }
0x24: {  	s14 =	smov.u32 s10;
	p0 =	por !p0, !p0;
	_ =	swait.ge @!p1 [sflag:s16], $0x4000  }
0x25: {  	s13 =	smov.u32 s11;
	[sflag:s16] =	ssyncset.done @!p1 $0x0;
	s10 =	smov.u32 s15  }
0x26: {  	s12 =	sadd.s32 $0x1, s12;
	[sflag:s16] =	ssyncadd.s32 @!p1 $0xFFFFC000;
	s11 =	smov.u32 s17  }
.LBB1_1:
0x27: {  	p1 =	sge.u32 s12, s5  }
0x28: {  	s15 =	sshrl.u32 @!p1 s11, $0x3  }
0x29: {  	s16 =	sshll.u32 @!p1 s10, $0x3;
	s15 =	smul.u32 @!p1 $0x138800, s15  }
0x2a: {  	s17 =	sshll.u32 @!p1 s11, $0x7;
	s16 =	sand.u32 @!p1 $0xFFFFFC00, s16  }
0x2b: {  	s15 =	sadd.s32 @!p1 s15, s16;
	s16 =	sand.u32 @!p1 $0x380, s17  }
0x2c: {  	s17 =	sand.u32 @!p1 $0x7F, s10;
	s15 =	sor.u32 @!p1 s16, s15  }
0x2d: {  	s16 =	sor.u32 @!p1 s17, s15  }
0x2e: {  	s17 =	smulhi.u32 @!p1 $0xD1B71759, s16;
	_ =	sdelay $0x1  }
0x2f: {  	s15 =	smulhi.u32 @!p1 $0xD1B71759, s15;
	s17 =	sshrl.u32 @!p1 s17, $0x11  }
0x30: {  	s17 =	smul.u32 @!p1 $0x27100, s17  }
0x31: {  	s31 =	sadd.s32 $0xFFFFFFFF, s12;
	s18 =	sxor.u32 @!p1 $0xFFFFFFFF, s12;
	s15 =	sshrl.u32 @!p1 s15, $0x11  }
0x32: {  	s18 =	sshll.u32 @!p1 s18, $0xE;
	s15 =	sand.u32 @!p1 $0x1FF, s15;
	s16 =	ssub.s32 @!p1 s16, s17  }
0x33: {  	s15 =	smul.u32 @!p1 $0x4E20, s15;
	s17 =	sshrl.u32 @!p1 s16, $0x3;
	s16 =	sand.u32 @!p1 $0x7, s16  }
0x34: {  	s18 =	sand.u32 @!p1 $0x4000, s18;
	s17 =	sadd.s32 @!p1 s6, s17;
	s16 =	sshll.u32 @!p1 s16, $0x12  }
0x35: {  	s15 =	sadd.s32 @!p1 s15, s17;
	s16 =	sor.u32 @!p1 $0x400, s16;
	s17 =	simm.s32 @!p1 $0x138800  }
0x36: {  	[tilespmem:s18], [sflag:$0x1] =	stream.strided.gather @!p1 [hbm4b:s15+s16], $0x4000, s17, s16, $0x38;
	[tilespmem:$0x10100] =	vst v63  }
0x37: {  	p1 =	sge.u32 s31, s5  }
.Ltmp2:
0x38: {  	_ = 	snop;
	(pc) =	sbr.rel @p1 .LBB1_5-.Ltmp2, $1  }
0x39: {  	_ =	sdelay $0x3  }
0x3a: {  	s15 =	simm.s32 $0x1  }
0x3b: {  	_ =	swait.ge [sflag:s4], $0x4000;
	s15 =	simm.s32 @!p0 $0x0  }
0x3c: {  	[sflag:s4] =	ssyncset.done $0x0;
	s16 =	sshll.u32 s15, $0xE  }
0x3d: {  	[sflag:s4] =	ssyncadd.s32 $0xFFFFC000;
	s18 =	sor.u32 $0x40, s16  }
0x3e: {  	s15 =	smul.u32 $0x10200, s15;
	v0 =	vld [tilespmem:s18+$0x30]  }
0x3f: {  	v1 =	vld [tilespmem:s18+$0xFFFFFFD0]  }
0x40: {  	s15 =	sshrl.u32 s15, $0x2;
	v5 =	vld [tilespmem:s18+$0xFFFFFFE0]  }
0x41: {  	v6 =	vld [tilespmem:s18+$0xFFFFFFF0];
	s16 =	sor.u32 $0x8000, s15  }
0x42: {  	s31 =	sand.u32 $0x1, s12;
	v4 =	vld [tilespmem:s18+$0x0];
	s17 =	sadd.s32 $0x0, s16  }
0x43: {  	v3 =	vld [tilespmem:s18+$0x10];
	s15 =	smul.u32 $0x10200, s31;
	[tilespmem:s17+$0x3870 ss:$0x81] =	vst.msk $0xffff, v0  }
0x44: {  	v2 =	vld [tilespmem:s18+$0x20];
	[tilespmem:s17+$0x810 ss:$0x81] =	vst.msk $0xffff, v1  }
0x45: {  	s15 =	sshrl.u32 s15, $0x2;
	v0 =	vld [tilespmem:s18+$0xFFFFFFC0];
	[tilespmem:s17+$0x1020 ss:$0x81] =	vst.msk $0xffff, v5;
	s18 =	sadd.s32 $0x80, s18  }
0x46: {  	s19 =	simm.s32 $0x4;
	s20 =	simm.s32 $0x8;
	s15 =	sor.u32 $0x8000, s15;
	[tilespmem:s17+$0x1830 ss:$0x81] =	vst.msk $0xffff, v6;
	v1 =	vld [tilespmem:s18+$0x30]  }
.LBB1_3:
0x47: {  	p1 =	sne.s32 s20, $0x1FC;
	v5 =	vld [tilespmem:s18+$0xFFFFFFD0];
	[tilespmem:s17+$0x2040 ss:$0x81] =	vst.msk $0xffff, v4  }
0x48: {  	v6 =	vld [tilespmem:s18+$0xFFFFFFE0];
	[tilespmem:s17+$0x2850 ss:$0x81] =	vst.msk $0xffff, v3  }
0x49: {  	s21 =	sshra.s32 s19, $0x2;
	s19 =	smov.u32 s20;
	v7 =	vld [tilespmem:s18+$0xFFFFFFF0];
	[tilespmem:s17+$0x3060 ss:$0x81] =	vst.msk $0xffff, v2  }
.Ltmp3:
0x4a: {  	v4 =	vld [tilespmem:s18+$0x0];
	[tilespmem:s17+$0x0 ss:$0x81] =	vst.msk $0xffff, v0;
	s17 =	sadd.s32 s21, s16;
	(pc) =	sbr.rel @p1 .LBB1_3-.Ltmp3, $4  }
0x4b: {  	v3 =	vld [tilespmem:s18+$0x10];
	[tilespmem:s17+$0x3870 ss:$0x81] =	vst.msk $0xffff, v1  }
0x4c: {  	[tilespmem:s17+$0x810 ss:$0x81] =	vst.msk $0xffff, v5;
	v2 =	vld [tilespmem:s18+$0x20]  }
0x4d: {  	v0 =	vld [tilespmem:s18+$0xFFFFFFC0];
	[tilespmem:s17+$0x1020 ss:$0x81] =	vst.msk $0xffff, v6;
	s18 =	sadd.s32 $0x80, s18  }
0x4e: {  	s20 =	sadd.s32 $0x4, s20;
	v1 =	vld [tilespmem:s18+$0x30];
	[tilespmem:s17+$0x1830 ss:$0x81] =	vst.msk $0xffff, v7  }
.Ltmp4:
0x4f: {  	_ = 	snop;
	(pc) =	sbr.rel .LBB1_4-.Ltmp4, $1  }
0x50: {  	_ =	sdelay $0x3  }
.LBB1_6:
0x51: {  	_ =	sfence.sel $0x180000  }
0x52: {  	s2 =	simm.s32 $0x1;
	[bflag:$0x0] =	sbarrier.arrive $0xFFFF  }
0x53: {  	s31 =	simm.s32 $0x2;
	[sflag:s2] =	ssyncpa.u1 $0x1  }
0x54: {  	[sflag:s31] =	ssyncpa.u1 $0x1  }
0x55: {  	p0 =	sne.s32 s0, $0x0;
	_ =	strace $0x9000004D  }
0x56: {  	s0 =	sadd.s32 @!p0 $0x100000, s1;
	[bflag:$0x2] =	sbarrier.arrive $0xFFFF  }
0x57: {  	[sflag:s0] =	ssyncadd.tile.s32 @!p0 $0x1;
	_ =	shalt  }
.Lfunc_end1:
_tile_overlayer_lowered:
.L_overlay_start_2:
0x58: {  	(tag) =	ssettag $0x2  }
0x59: {  	s0 =	rddreg [dreg:$0x0];
	s2 =	stileid.u32  }
0x5a: {  	s1 =	rddreg [dreg:$0x1];
	p0 =	sne.s32 s2, $0x0  }
0x5b: {  	s3 =	rddreg [dreg:$0x2];
	[bflag:$0x3] =	sbarrier.arrive $0xFFFF;
	s2 =	simm.s32 @!p0 $0x1C01  }
0x5c: {  	[timem:s3], [sflag:s2] =	dma.local @!p0 [hbm:s0], s1  }
0x5d: {  	s0 =	simm.s32 @!p0 $0x1  }
0x5e: {  	_ =	swait.ge @!p0 [sflag:s0], s1  }
0x5f: {  	s1 =	ssub.s32 @!p0 $0x0, s1;
	[sflag:s0] =	ssyncset.done @!p0 $0x0  }
0x60: {  	[sflag:s0] =	ssyncadd.s32 @!p0 s1  }
0x61: {  	[bflag:$0x3] =	sbarrier.arrive $0xFFFF  }
0x62: {  	_ =	shalt  }

</sc_bundles>
